<compile_context>
chip_gen: v7x
topology: tpu7x:2x2x1
jax: 0.10.2.dev20260603
libtpu: 0.0.44.dev20260713+nightly
codegen_flags: <defaults>
</compile_context>

<pallas_src>
import functools

import jax
import jax.numpy as jnp
from jax import lax
from jax.experimental import pallas as pl
from jax.experimental.pallas import tpu as pltpu
from jax.experimental.pallas import tpu_sc as plsc

D_MODEL = 768
D_FF = 2048
N_EXP = 64
BLK = 128
NW = 32

def _sc_mesh():
    return plsc.VectorSubcoreMesh(core_axis_name="c", subcore_axis_name="s")


def _route_body(x_ref, gw_ref, gb_ref, eids_ref, nact_ref, tok2_ref, w2_ref,
                p0_ref, p1_ref):
    S = x_ref.shape[0]
    NB = 2 * S // BLK + N_EXP
    CH = 128
    NCH = 2 * S // CH
    HALF = S // CH

    s = jax.lax.dot_general(x_ref[...], gw_ref[...], (((1,), (1,)), ((), ())),
                            preferred_element_type=jnp.float32)
    s = s + gb_ref[...]
    col = jax.lax.broadcasted_iota(jnp.int32, s.shape, 1)
    m0 = jnp.max(s, axis=1, keepdims=True)
    i0 = jnp.min(jnp.where(s == m0, col, N_EXP), axis=1, keepdims=True)
    s1 = jnp.where(col == i0, -jnp.inf, s)
    m1 = jnp.max(s1, axis=1, keepdims=True)
    i1 = jnp.min(jnp.where(s1 == m1, col, N_EXP), axis=1, keepdims=True)
    z = jnp.exp(m1 - m0)
    w0 = 1.0 / (1.0 + z)
    w1 = z / (1.0 + z)

    e64 = jax.lax.broadcasted_iota(jnp.int32, (CH, N_EXP), 1)
    lt = (jax.lax.broadcasted_iota(jnp.int32, (CH, CH), 1)
          < jax.lax.broadcasted_iota(jnp.int32, (CH, CH), 0)).astype(
              jnp.float32)

    def pair_chunk(c):
        if c < HALF:
            return (jax.lax.slice(i0, (c * CH, 0), ((c + 1) * CH, 1)),
                    jax.lax.slice(w0, (c * CH, 0), ((c + 1) * CH, 1)))
        cc = c - HALF
        return (jax.lax.slice(i1, (cc * CH, 0), ((cc + 1) * CH, 1)),
                jax.lax.slice(w1, (cc * CH, 0), ((cc + 1) * CH, 1)))

    running = jnp.zeros((1, N_EXP), jnp.float32)
    ranks = []
    for c in range(NCH):
        ec, _ = pair_chunk(c)
        oh = (ec == e64).astype(jnp.float32)
        base = jnp.sum(running * oh, axis=1, keepdims=True)
        rwithin = jax.lax.dot_general(lt, oh, (((1,), (0,)), ((), ())),
                                      preferred_element_type=jnp.float32)
        rank_in = jnp.sum(rwithin * oh, axis=1, keepdims=True)
        ranks.append(base + rank_in)
        running = running + jnp.sum(oh, axis=0, keepdims=True)
    counts = running

    m_incl = (jax.lax.broadcasted_iota(jnp.int32, (N_EXP, N_EXP), 0)
              <= jax.lax.broadcasted_iota(jnp.int32, (N_EXP, N_EXP), 1)
              ).astype(jnp.float32)
    nblk = jnp.floor((counts + (BLK - 1)) * (1.0 / BLK))
    cumb = jax.lax.dot_general(nblk, m_incl, (((1,), (0,)), ((), ())),
                               preferred_element_type=jnp.float32)
    padded_off = (cumb - nblk) * BLK
    nact_ref[...] = jax.lax.slice(cumb, (0, N_EXP - 1),
                                  (1, N_EXP)).astype(jnp.int32)

    ident = (jax.lax.broadcasted_iota(jnp.int32, (N_EXP, N_EXP), 0)
             == jax.lax.broadcasted_iota(jnp.int32, (N_EXP, N_EXP), 1)
             ).astype(jnp.float32)
    cumb_col = jax.lax.dot_general(ident, cumb, (((1,), (1,)), ((), ())),
                                   preferred_element_type=jnp.float32)
    b_row = jax.lax.broadcasted_iota(jnp.int32, (1, NB), 1).astype(jnp.float32)
    eids = jnp.sum((cumb_col <= b_row).astype(jnp.float32), axis=0,
                   keepdims=True)
    e_iota = jax.lax.broadcasted_iota(jnp.int32, (1, N_EXP),
                                      1).astype(jnp.float32)
    last_e = jnp.max(jnp.where(counts > 0.0, e_iota, 0.0))
    eids_ref[...] = jnp.minimum(eids, last_e).astype(jnp.int32)

    sub128 = jax.lax.broadcasted_iota(jnp.int32, (CH, 1),
                                      0).astype(jnp.float32)
    b_cols = jax.lax.broadcasted_iota(jnp.int32, (CH, NB), 1)
    r_cols = jax.lax.broadcasted_iota(jnp.int32, (CH, CH), 1)
    acc_t = jnp.zeros((NB, BLK), jnp.float32)
    acc_w = jnp.zeros((NB, BLK), jnp.float32)
    for c in range(NCH):
        ec, wc = pair_chunk(c)
        oh = (ec == e64).astype(jnp.float32)
        pos = jnp.sum(padded_off * oh, axis=1, keepdims=True) + ranks[c]
        posi = pos.astype(jnp.int32)
        if c < HALF:
            p0_ref[pl.ds(c * CH, CH), :] = posi
        else:
            p1_ref[pl.ds((c - HALF) * CH, CH), :] = posi
        pos_b = jnp.floor(pos * (1.0 / BLK))
        pos_r = pos - pos_b * BLK
        rsel = (pos_b.astype(jnp.int32) == b_cols).astype(jnp.float32)
        csel = (pos_r.astype(jnp.int32) == r_cols).astype(jnp.float32)
        tokv = (c % HALF) * CH + sub128
        acc_t = acc_t + jax.lax.dot_general(
            rsel * tokv, csel, (((0,), (0,)), ((), ())),
            precision=jax.lax.Precision.HIGHEST,
            preferred_element_type=jnp.float32)
        acc_w = acc_w + jax.lax.dot_general(
            rsel * wc, csel, (((0,), (0,)), ((), ())),
            precision=jax.lax.Precision.HIGHEST,
            preferred_element_type=jnp.float32)
    tok2_ref[...] = acc_t.astype(jnp.int32)
    w2_ref[...] = acc_w


def _ffn_body(eids_ref, nact_ref, x_ref, tok_ref, w1_ref, b1_ref, w2_ref,
              b2_ref, g_ref, be_ref, wp_ref, o_ref):
    @pl.when(pl.program_id(0) < nact_ref[0])
    def _():
        tok = tok_ref[...]
        sel = jax.lax.broadcasted_iota(
            jnp.int32, (tok.shape[0], x_ref.shape[0]), 1) == tok
        xb = jax.lax.dot_general(sel.astype(jnp.float32), x_ref[...],
                                 (((1,), (0,)), ((), ())),
                                 preferred_element_type=jnp.float32)
        h = jax.lax.dot_general(xb, w1_ref[0], (((1,), (1,)), ((), ())),
                                preferred_element_type=jnp.float32)
        h = h + b1_ref[0]
        h = 0.5 * h * (1.0 + jax.lax.erf(h * 0.7071067811865476))
        y = jax.lax.dot_general(h, w2_ref[0], (((1,), (1,)), ((), ())),
                                preferred_element_type=jnp.float32)
        y = y + b2_ref[0]
        mu = jnp.mean(y, axis=1, keepdims=True)
        yc = y - mu
        var = jnp.mean(yc * yc, axis=1, keepdims=True)
        yn = yc * jax.lax.rsqrt(var + 1e-5)
        o_ref[...] = wp_ref[...] * (yn * g_ref[0] + be_ref[0])


def _combine_sc(y_pad, p0, p1, s_tot):
    d = y_pad.shape[1]
    tok_w = s_tot // NW
    nvec = d // 16

    @functools.partial(
        pl.kernel, mesh=_sc_mesh(),
        out_type=jax.ShapeDtypeStruct((s_tot, d), jnp.float32),
        scratch_types=[
            pltpu.VMEM((tok_w,), jnp.int32),
            pltpu.VMEM((tok_w,), jnp.int32),
            pltpu.VMEM((tok_w, d), jnp.float32),
            pltpu.VMEM((tok_w, d), jnp.float32),
            pltpu.SemaphoreType.DMA,
            pltpu.SemaphoreType.DMA,
        ],
    )
    def k(y_hbm, p0_hbm, p1_hbm, out_hbm, i0_v, i1_v, r0_v, r1_v, s0, s1):
        wid = lax.axis_index("s") * 2 + lax.axis_index("c")
        base = wid * tok_w
        pltpu.sync_copy(p0_hbm.at[pl.ds(base, tok_w)], i0_v)
        pltpu.sync_copy(p1_hbm.at[pl.ds(base, tok_w)], i1_v)
        c0 = pltpu.async_copy(y_hbm.at[i0_v], r0_v, s0)
        c1 = pltpu.async_copy(y_hbm.at[i1_v], r1_v, s1)
        c0.wait()
        c1.wait()

        def row(r, _):
            def colv(c, _):
                r0_v[r, pl.ds(c * 16, 16)] = (r0_v[r, pl.ds(c * 16, 16)]
                                              + r1_v[r, pl.ds(c * 16, 16)])
                return 0
            return lax.fori_loop(0, nvec, colv, 0)

        lax.fori_loop(0, tok_w, row, 0)
        pltpu.sync_copy(r0_v, out_hbm.at[pl.ds(base, tok_w)])

    return k(y_pad, p0, p1)


def kernel(x, gate_w, gate_b, W1, b1, W2, b2, ln_g, ln_b):
    Bs, Ss, D = x.shape
    S = Bs * Ss
    NB = 2 * S // BLK + N_EXP
    PAD = NB * BLK
    xf = x.reshape(S, D)

    eids2, nact2, tok2, w2, p0, p1 = pl.pallas_call(
        _route_body,
        out_shape=[
            jax.ShapeDtypeStruct((1, NB), jnp.int32),
            jax.ShapeDtypeStruct((1, 1), jnp.int32),
            jax.ShapeDtypeStruct((NB, BLK), jnp.int32),
            jax.ShapeDtypeStruct((NB, BLK), jnp.float32),
            jax.ShapeDtypeStruct((S, 1), jnp.int32),
            jax.ShapeDtypeStruct((S, 1), jnp.int32),
        ],
    )(xf, gate_w, gate_b.reshape(1, N_EXP))
    block_eids = eids2.reshape(NB)
    nactive = nact2.reshape(1)
    src_tok = tok2.reshape(PAD)
    w_pad = w2.reshape(PAD)

    y_pad = pl.pallas_call(
        _ffn_body,
        grid_spec=pltpu.PrefetchScalarGridSpec(
            num_scalar_prefetch=2,
            grid=(NB,),
            in_specs=[
                pl.BlockSpec((S, D), lambda b, eids, na: (0, 0)),
                pl.BlockSpec((BLK, 1), lambda b, eids, na: (b, 0)),
                pl.BlockSpec((1, D_FF, D),
                             lambda b, eids, na: (eids[b], 0, 0)),
                pl.BlockSpec((1, 1, D_FF),
                             lambda b, eids, na: (eids[b], 0, 0)),
                pl.BlockSpec((1, D, D_FF),
                             lambda b, eids, na: (eids[b], 0, 0)),
                pl.BlockSpec((1, 1, D), lambda b, eids, na: (eids[b], 0, 0)),
                pl.BlockSpec((1, 1, D), lambda b, eids, na: (eids[b], 0, 0)),
                pl.BlockSpec((1, 1, D), lambda b, eids, na: (eids[b], 0, 0)),
                pl.BlockSpec((BLK, 1), lambda b, eids, na: (b, 0)),
            ],
            out_specs=pl.BlockSpec(
                (BLK, D), lambda b, eids, na: (jnp.minimum(b, na[0] - 1), 0)),
        ),
        out_shape=jax.ShapeDtypeStruct((PAD, D), jnp.float32),
        compiler_params=pltpu.CompilerParams(
            dimension_semantics=("arbitrary",)),
    )(block_eids, nactive, xf, src_tok.reshape(PAD, 1), W1,
      b1.reshape(N_EXP, 1, D_FF), W2,
      b2.reshape(N_EXP, 1, D), ln_g.reshape(N_EXP, 1, D),
      ln_b.reshape(N_EXP, 1, D), w_pad.reshape(PAD, 1))

    out = _combine_sc(y_pad, p0.reshape(S), p1.reshape(S), S)
    return out.reshape(Bs, Ss, D)

# --- scband reference (transcript-rebuilt; emitter-appended) ---
"""Pipeline reference for scband-mixture-of-experts-28724741276230 (READ-ONLY COPY).

The authoritative reference and input builder live on the scoring server;
editing this copy changes nothing except your own understanding.
"""

import jax, jax.numpy as jnp
import numpy as np

D_MODEL = 768
D_FF = 2048
N_EXPERTS = 64
TOP_K = 2
B = 1
S = 2048


def setup_inputs(seed: int = 0) -> dict:
    key = jax.random.key(seed)
    ks = jax.random.split(key, 8)
    x = jax.random.normal(ks[0], (B, S, D_MODEL), dtype=jnp.float32)
    gate_w = jax.random.normal(ks[1], (N_EXPERTS, D_MODEL), dtype=jnp.float32) * 0.02
    gate_b = jnp.zeros((N_EXPERTS,), dtype=jnp.float32)
    W1 = jax.random.normal(ks[2], (N_EXPERTS, D_FF, D_MODEL), dtype=jnp.float32) * 0.02
    b1 = jnp.zeros((N_EXPERTS, D_FF), dtype=jnp.float32)
    W2 = jax.random.normal(ks[3], (N_EXPERTS, D_MODEL, D_FF), dtype=jnp.float32) * 0.02
    b2 = jnp.zeros((N_EXPERTS, D_MODEL), dtype=jnp.float32)
    ln_g = jnp.ones((N_EXPERTS, D_MODEL), dtype=jnp.float32)
    ln_b = jnp.zeros((N_EXPERTS, D_MODEL), dtype=jnp.float32)
    return {"x": x, "gate_w": gate_w, "gate_b": gate_b, "W1": W1, "b1": b1, "W2": W2, "b2": b2, "ln_g": ln_g, "ln_b": ln_b}


def _expert(xi, W1e, b1e, W2e, b2e, ge, be):
    # Linear -> GELU(exact) -> (Dropout eval: identity) -> Linear -> LayerNorm
    h = jax.nn.gelu(xi @ W1e.T + b1e, approximate=False)
    y = h @ W2e.T + b2e
    mu = jnp.mean(y, axis=-1, keepdims=True)
    var = jnp.var(y, axis=-1, keepdims=True)
    return (y - mu) / jnp.sqrt(var + 1e-5) * ge + be


def reference(x, gate_w, gate_b, W1, b1, W2, b2, ln_g, ln_b):
    Bs, Ss, D = x.shape
    xf = x.reshape(-1, D)
    gate_scores = xf @ gate_w.T + gate_b
    topk_scores, topk_idx = jax.lax.top_k(gate_scores, TOP_K)
    topk_w = jax.nn.softmax(topk_scores, axis=1)
    out = jnp.zeros_like(xf)
    for k in range(TOP_K):
        def body(out_k, inputs):
            e, W1e, b1e, W2e, b2e, ge, be = inputs
            y = _expert(xf, W1e, b1e, W2e, b2e, ge, be)
            mask = topk_idx[:, k] == e
            contrib = jnp.where(mask[:, None], topk_w[:, k][:, None] * y, 0.0)
            return out_k + contrib, None
        out, _ = jax.lax.scan(
            body, out,
            (jnp.arange(N_EXPERTS, dtype=topk_idx.dtype), W1, b1, W2, b2, ln_g, ln_b),
        )
    return out.reshape(Bs, Ss, D)

if __name__ == "__main__":
    import jax
    _d = setup_inputs()
    print(jax.jit(kernel)(*tuple(_d.values())))

</pallas_src>

<mosaic_0001>
#map = affine_map<(d0, d1) -> (0, 0)>
#map1 = affine_map<(d0, d1) -> (0)>
module attributes {stable_mosaic.version = 14 : i64} {
  func.func @k(%arg0: i32, %arg1: i32, %arg2: memref<12288x768xf32, #tpu.memory_space<hbm>>, %arg3: memref<2048xi32, #tpu.memory_space<hbm>>, %arg4: memref<2048xi32, #tpu.memory_space<hbm>>, %arg5: memref<2048x768xf32, #tpu.memory_space<hbm>>, %arg6: memref<64xi32, #tpu.memory_space<vmem>>, %arg7: memref<64xi32, #tpu.memory_space<vmem>>, %arg8: memref<64x768xf32, #tpu.memory_space<vmem>>, %arg9: memref<64x768xf32, #tpu.memory_space<vmem>>, %arg10: memref<!tpu.dma_semaphore, #tpu.memory_space<semaphore_mem>>, %arg11: memref<!tpu.dma_semaphore, #tpu.memory_space<semaphore_mem>>) attributes {dimension_semantics = [#tpu.dimension_semantics<core_parallel>, #tpu.dimension_semantics<subcore_parallel>], iteration_bounds = array<i64: 2, 16>, scalar_prefetch = 0 : i64, scratch_operands = 6 : i64, tpu.core_type = #tpu.core_type<sc_vector_subcore>, window_params = [{transform_indices = #map}, {transform_indices = #map1}, {transform_indices = #map1}, {transform_indices = #map}]} {
    %mul3A = arith.constant 2 : i32
    %mul3A_0 = arith.muli %arg1, %mul3A : i32
    %add3A = arith.addi %mul3A_0, %arg0 : i32
    %mul3A_1 = arith.constant 64 : i32
    %mul3A_2 = arith.muli %add3A, %mul3A_1 : i32
    "tpu.region"() ({
      %run_scoped3A = tpu.sem_alloc : memref<!tpu.dma_semaphore, #tpu.memory_space<semaphore_mem>>
      %dma_start3A_19 = tpu.memref_slice %arg3[%mul3A_2] : memref<2048xi32, #tpu.memory_space<hbm>> -> memref<64xi32, #tpu.memory_space<hbm>>
      %dma_start3A_20 = tpu.memref_slice %arg3[%mul3A_2] : memref<2048xi32, #tpu.memory_space<hbm>> -> memref<64xi32, #tpu.memory_space<hbm>>
      tpu.enqueue_dma source(%dma_start3A_20 : memref<64xi32, #tpu.memory_space<hbm>>) target(%arg6 : memref<64xi32, #tpu.memory_space<vmem>>) target_semaphore(%run_scoped3A : memref<!tpu.dma_semaphore, #tpu.memory_space<semaphore_mem>>)
      %dma_wait3A_21 = tpu.memref_slice %arg3[%mul3A_2] : memref<2048xi32, #tpu.memory_space<hbm>> -> memref<64xi32, #tpu.memory_space<hbm>>
      %dma_wait3A_22 = tpu.memref_slice %arg3[%mul3A_2] : memref<2048xi32, #tpu.memory_space<hbm>> -> memref<64xi32, #tpu.memory_space<hbm>>
      tpu.wait_dma2 semaphore(%run_scoped3A : memref<!tpu.dma_semaphore, #tpu.memory_space<semaphore_mem>>) src(%dma_wait3A_22 : memref<64xi32, #tpu.memory_space<hbm>>) dst(%arg6 : memref<64xi32, #tpu.memory_space<vmem>>)
      tpu.yield
    }) : () -> ()
    "tpu.region"() ({
      %run_scoped3A = tpu.sem_alloc : memref<!tpu.dma_semaphore, #tpu.memory_space<semaphore_mem>>
      %dma_start3A_19 = tpu.memref_slice %arg4[%mul3A_2] : memref<2048xi32, #tpu.memory_space<hbm>> -> memref<64xi32, #tpu.memory_space<hbm>>
      %dma_start3A_20 = tpu.memref_slice %arg4[%mul3A_2] : memref<2048xi32, #tpu.memory_space<hbm>> -> memref<64xi32, #tpu.memory_space<hbm>>
      tpu.enqueue_dma source(%dma_start3A_20 : memref<64xi32, #tpu.memory_space<hbm>>) target(%arg7 : memref<64xi32, #tpu.memory_space<vmem>>) target_semaphore(%run_scoped3A : memref<!tpu.dma_semaphore, #tpu.memory_space<semaphore_mem>>)
      %dma_wait3A_21 = tpu.memref_slice %arg4[%mul3A_2] : memref<2048xi32, #tpu.memory_space<hbm>> -> memref<64xi32, #tpu.memory_space<hbm>>
      %dma_wait3A_22 = tpu.memref_slice %arg4[%mul3A_2] : memref<2048xi32, #tpu.memory_space<hbm>> -> memref<64xi32, #tpu.memory_space<hbm>>
      tpu.wait_dma2 semaphore(%run_scoped3A : memref<!tpu.dma_semaphore, #tpu.memory_space<semaphore_mem>>) src(%dma_wait3A_22 : memref<64xi32, #tpu.memory_space<hbm>>) dst(%arg7 : memref<64xi32, #tpu.memory_space<vmem>>)
      tpu.yield
    }) : () -> ()
    %dma_start3A = arith.constant 0 : i32
    %dma_start3A_3 = arith.constant 0 : i32
    %dma_start3A_4 = tpu.memref_slice %arg2[%dma_start3A, %dma_start3A_3] : memref<12288x768xf32, #tpu.memory_space<hbm>> -> memref<12288x768xf32, #tpu.memory_space<hbm>>
    tpu.enqueue_indirect_dma source(%dma_start3A_4 : memref<12288x768xf32, #tpu.memory_space<hbm>>) target(%arg8 : memref<64x768xf32, #tpu.memory_space<vmem>>) offsets(%arg6 : memref<64xi32, #tpu.memory_space<vmem>>) semaphore(%arg10 : memref<!tpu.dma_semaphore, #tpu.memory_space<semaphore_mem>>)
    %dma_start3A_5 = arith.constant 0 : i32
    %dma_start3A_6 = arith.constant 0 : i32
    %dma_start3A_7 = tpu.memref_slice %arg2[%dma_start3A_5, %dma_start3A_6] : memref<12288x768xf32, #tpu.memory_space<hbm>> -> memref<12288x768xf32, #tpu.memory_space<hbm>>
    tpu.enqueue_indirect_dma source(%dma_start3A_7 : memref<12288x768xf32, #tpu.memory_space<hbm>>) target(%arg9 : memref<64x768xf32, #tpu.memory_space<vmem>>) offsets(%arg7 : memref<64xi32, #tpu.memory_space<vmem>>) semaphore(%arg11 : memref<!tpu.dma_semaphore, #tpu.memory_space<semaphore_mem>>)
    %dma_wait3A = arith.constant 0 : i32
    %dma_wait3A_8 = arith.constant 0 : i32
    %dma_wait3A_9 = tpu.memref_slice %arg2[%dma_wait3A, %dma_wait3A_8] : memref<12288x768xf32, #tpu.memory_space<hbm>> -> memref<12288x768xf32, #tpu.memory_space<hbm>>
    tpu.wait_indirect_dma semaphore(%arg10 : memref<!tpu.dma_semaphore, #tpu.memory_space<semaphore_mem>>) src(%dma_wait3A_9 : memref<12288x768xf32, #tpu.memory_space<hbm>>) dst(%arg8 : memref<64x768xf32, #tpu.memory_space<vmem>>)
    %dma_wait3A_10 = arith.constant 0 : i32
    %dma_wait3A_11 = arith.constant 0 : i32
    %dma_wait3A_12 = tpu.memref_slice %arg2[%dma_wait3A_10, %dma_wait3A_11] : memref<12288x768xf32, #tpu.memory_space<hbm>> -> memref<12288x768xf32, #tpu.memory_space<hbm>>
    tpu.wait_indirect_dma semaphore(%arg11 : memref<!tpu.dma_semaphore, #tpu.memory_space<semaphore_mem>>) src(%dma_wait3A_12 : memref<12288x768xf32, #tpu.memory_space<hbm>>) dst(%arg9 : memref<64x768xf32, #tpu.memory_space<vmem>>)
    %scan3A = arith.constant 0 : i32
    %scan3A_13 = arith.constant 0 : i32
    %scan3A_14 = arith.constant 64 : i32
    %scan3A_15 = arith.addi %scan3A_13, %scan3A_14 : i32
    %scan3A_16 = arith.constant 1 : i32
    %scan3A_17 = scf.for %scan3A_19 = %scan3A_13 to %scan3A_15 step %scan3A_16 iter_args(%scan3A_20 = %scan3A) -> (i32)  : i32 {
      %scan3A_21 = arith.constant 0 : i32
      %scan3A_22 = arith.constant 0 : i32
      %scan3A_23 = arith.constant 48 : i32
      %scan3A_24 = arith.addi %scan3A_22, %scan3A_23 : i32
      %scan3A_25 = arith.constant 1 : i32
      %scan3A_26 = scf.for %scan3A_28 = %scan3A_22 to %scan3A_24 step %scan3A_25 iter_args(%scan3A_29 = %scan3A_21) -> (i32)  : i32 {
        %mul3A_30 = arith.constant 16 : i32
        %mul3A_31 = arith.muli %scan3A_28, %mul3A_30 : i32
        %get3A = arith.index_cast %scan3A_19 : i32 to index
        %get3A_32 = arith.index_cast %mul3A_31 : i32 to index
        %get3A_33 = tpu.vector_load %arg8[%get3A, %get3A_32] {strides = array<i32>} : memref<64x768xf32, #tpu.memory_space<vmem>>, vector<1x16xf32>,
        %get3A_34 = vector.shape_cast %get3A_33 : vector<1x16xf32> to vector<16xf32>
        %mul3A_35 = arith.constant 16 : i32
        %mul3A_36 = arith.muli %scan3A_28, %mul3A_35 : i32
        %get3A_37 = arith.index_cast %scan3A_19 : i32 to index
        %get3A_38 = arith.index_cast %mul3A_36 : i32 to index
        %get3A_39 = tpu.vector_load %arg9[%get3A_37, %get3A_38] {strides = array<i32>} : memref<64x768xf32, #tpu.memory_space<vmem>>, vector<1x16xf32>,
        %get3A_40 = vector.shape_cast %get3A_39 : vector<1x16xf32> to vector<16xf32>
        %add3A_41 = arith.addf %get3A_34, %get3A_40 : vector<16xf32>
        %mul3A_42 = arith.constant 16 : i32
        %mul3A_43 = arith.muli %scan3A_28, %mul3A_42 : i32
        %swap3A = arith.index_cast %scan3A_19 : i32 to index
        %swap3A_44 = arith.index_cast %mul3A_43 : i32 to index
        %swap3A_45 = tpu.vector_load %arg8[%swap3A, %swap3A_44] {strides = array<i32>} : memref<64x768xf32, #tpu.memory_space<vmem>>, vector<1x16xf32>,
        %swap3A_46 = vector.shape_cast %swap3A_45 : vector<1x16xf32> to vector<16xf32>
        %swap3A_47 = vector.shape_cast %add3A_41 : vector<16xf32> to vector<1x16xf32>
        tpu.vector_store %arg8[%swap3A, %swap3A_44], %swap3A_47 {strides = array<i32>} : memref<64x768xf32, #tpu.memory_space<vmem>>, vector<1x16xf32>,
        %scan3A_48 = arith.constant 0 : i32
        scf.yield %scan3A_48 : i32
      }
      %scan3A_27 = arith.constant 48 : i32
      scf.yield %scan3A_26 : i32
    }
    %scan3A_18 = arith.constant 64 : i32
    "tpu.region"() ({
      %run_scoped3A = tpu.sem_alloc : memref<!tpu.dma_semaphore, #tpu.memory_space<semaphore_mem>>
      %dma_start3A_19 = arith.constant 0 : i32
      %dma_start3A_20 = tpu.memref_slice %arg5[%mul3A_2, %dma_start3A_19] : memref<2048x768xf32, #tpu.memory_space<hbm>> -> memref<64x768xf32, #tpu.memory_space<hbm>>
      %dma_start3A_21 = arith.constant 0 : i32
      %dma_start3A_22 = tpu.memref_slice %arg5[%mul3A_2, %dma_start3A_21] : memref<2048x768xf32, #tpu.memory_space<hbm>> -> memref<64x768xf32, #tpu.memory_space<hbm>>
      tpu.enqueue_dma source(%arg8 : memref<64x768xf32, #tpu.memory_space<vmem>>) target(%dma_start3A_22 : memref<64x768xf32, #tpu.memory_space<hbm>>) target_semaphore(%run_scoped3A : memref<!tpu.dma_semaphore, #tpu.memory_space<semaphore_mem>>)
      %dma_wait3A_23 = arith.constant 0 : i32
      %dma_wait3A_24 = tpu.memref_slice %arg5[%mul3A_2, %dma_wait3A_23] : memref<2048x768xf32, #tpu.memory_space<hbm>> -> memref<64x768xf32, #tpu.memory_space<hbm>>
      %dma_wait3A_25 = arith.constant 0 : i32
      %dma_wait3A_26 = tpu.memref_slice %arg5[%mul3A_2, %dma_wait3A_25] : memref<2048x768xf32, #tpu.memory_space<hbm>> -> memref<64x768xf32, #tpu.memory_space<hbm>>
      tpu.wait_dma2 semaphore(%run_scoped3A : memref<!tpu.dma_semaphore, #tpu.memory_space<semaphore_mem>>) src(%arg8 : memref<64x768xf32, #tpu.memory_space<vmem>>) dst(%dma_wait3A_26 : memref<64x768xf32, #tpu.memory_space<hbm>>)
      tpu.yield
    }) : () -> ()
    return
  }
}

module attributes {stable_mosaic.version = 14 : i64} {
  func.func @_route_body(%arg0: memref<2048x768xf32, #tpu.memory_space<vmem>>, %arg1: memref<64x768xf32, #tpu.memory_space<vmem>>, %arg2: memref<1x64xf32, #tpu.memory_space<vmem>>, %arg3: memref<1x96xi32, #tpu.memory_space<vmem>>, %arg4: memref<1x1xi32, #tpu.memory_space<vmem>>, %arg5: memref<96x128xi32, #tpu.memory_space<vmem>>, %arg6: memref<96x128xf32, #tpu.memory_space<vmem>>, %arg7: memref<2048x1xi32, #tpu.memory_space<vmem>>, %arg8: memref<2048x1xi32, #tpu.memory_space<vmem>>) attributes {dimension_semantics = [], scalar_prefetch = 0 : i64, scratch_operands = 0 : i64, tpu.core_type = #tpu.core_type<tc>} {
    %get3A = arith.constant 0 : index
    %get3A_0 = arith.constant 0 : index
    %get3A_1 = vector.load %arg0[%get3A, %get3A_0] : memref<2048x768xf32, #tpu.memory_space<vmem>>, vector<2048x768xf32>
    %get3A_2 = arith.constant 0 : index
    %get3A_3 = arith.constant 0 : index
    %get3A_4 = vector.load %arg1[%get3A_2, %get3A_3] : memref<64x768xf32, #tpu.memory_space<vmem>>, vector<64x768xf32>
    %dot_general3A = arith.constant dense<0.000000e+00> : vector<2048x64xf32>
    %dot_general3A_5 = tpu.matmul %get3A_1, %get3A_4, %dot_general3A {dimension_numbers = #tpu.dot_dimension_numbers<[1], [1], [0], [0], [0, 0, 1, 0], [], []>, transpose_lhs_hint = false} : vector<2048x768xf32>, vector<64x768xf32>, vector<2048x64xf32> -> vector<2048x64xf32>
    %get3A_6 = arith.constant 0 : index
    %get3A_7 = arith.constant 0 : index
    %get3A_8 = vector.load %arg2[%get3A_6, %get3A_7] : memref<1x64xf32, #tpu.memory_space<vmem>>, vector<1x64xf32>
    %add3A = vector.broadcast %get3A_8 : vector<1x64xf32> to vector<2048x64xf32>
    %add3A_9 = arith.addf %dot_general3A_5, %add3A : vector<2048x64xf32>
    %iota3A = tpu.iota {dimensions = array<i32: 1>} : vector<2048x64xi32>
    %reduce_max3A = arith.constant dense<0xFF800000> : vector<2048xf32>
    %reduce_max3A_10 = vector.multi_reduction <maximumf>, %add3A_9, %reduce_max3A [1] : vector<2048x64xf32> to vector<2048xf32>
    %broadcast_in_dim3A = vector.shape_cast %reduce_max3A_10 : vector<2048xf32> to vector<2048x1xf32>
    %eq3A = vector.broadcast %broadcast_in_dim3A : vector<2048x1xf32> to vector<2048x64xf32>
    %eq3A_11 = arith.cmpf oeq, %add3A_9, %eq3A : vector<2048x64xf32>
    %jit3A = arith.constant 64 : i32
    %broadcast_in_dim3A_12 = vector.broadcast %jit3A : i32 to vector<2048x64xi32>
    %select_n3A = arith.select %eq3A_11, %iota3A, %broadcast_in_dim3A_12 : vector<2048x64xi1>, vector<2048x64xi32>
    %reduce_min3A = arith.constant dense<2147483647> : vector<2048xi32>
    %reduce_min3A_13 = vector.multi_reduction <minsi>, %select_n3A, %reduce_min3A [1] : vector<2048x64xi32> to vector<2048xi32>
    %broadcast_in_dim3A_14 = vector.shape_cast %reduce_min3A_13 : vector<2048xi32> to vector<2048x1xi32>
    %eq3A_15 = vector.broadcast %broadcast_in_dim3A_14 : vector<2048x1xi32> to vector<2048x64xi32>
    %eq3A_16 = arith.cmpi eq, %iota3A, %eq3A_15 : vector<2048x64xi32>
    %jit3A_17 = arith.constant 0xFF800000 : f32
    %broadcast_in_dim3A_18 = vector.broadcast %jit3A_17 : f32 to vector<2048x64xf32>
    %select_n3A_19 = arith.select %eq3A_16, %broadcast_in_dim3A_18, %add3A_9 : vector<2048x64xi1>, vector<2048x64xf32>
    %reduce_max3A_20 = arith.constant dense<0xFF800000> : vector<2048xf32>
    %reduce_max3A_21 = vector.multi_reduction <maximumf>, %select_n3A_19, %reduce_max3A_20 [1] : vector<2048x64xf32> to vector<2048xf32>
    %broadcast_in_dim3A_22 = vector.shape_cast %reduce_max3A_21 : vector<2048xf32> to vector<2048x1xf32>
    %eq3A_23 = vector.broadcast %broadcast_in_dim3A_22 : vector<2048x1xf32> to vector<2048x64xf32>
    %eq3A_24 = arith.cmpf oeq, %select_n3A_19, %eq3A_23 : vector<2048x64xf32>
    %jit3A_25 = arith.constant 64 : i32
    %broadcast_in_dim3A_26 = vector.broadcast %jit3A_25 : i32 to vector<2048x64xi32>
    %select_n3A_27 = arith.select %eq3A_24, %iota3A, %broadcast_in_dim3A_26 : vector<2048x64xi1>, vector<2048x64xi32>
    %reduce_min3A_28 = arith.constant dense<2147483647> : vector<2048xi32>
    %reduce_min3A_29 = vector.multi_reduction <minsi>, %select_n3A_27, %reduce_min3A_28 [1] : vector<2048x64xi32> to vector<2048xi32>
    %broadcast_in_dim3A_30 = vector.shape_cast %reduce_min3A_29 : vector<2048xi32> to vector<2048x1xi32>
    %sub3A = arith.subf %broadcast_in_dim3A_22, %broadcast_in_dim3A : vector<2048x1xf32>
    %exp3A = math.exp %sub3A : vector<2048x1xf32>
    %add3A_31 = arith.constant 1.000000e+00 : f32
    %add3A_32 = vector.broadcast %add3A_31 : f32 to vector<2048x1xf32>
    %add3A_33 = arith.addf %add3A_32, %exp3A : vector<2048x1xf32>
    %div3A = arith.constant 1.000000e+00 : f32
    %div3A_34 = vector.broadcast %div3A : f32 to vector<2048x1xf32>
    %div3A_35 = arith.divf %div3A_34, %add3A_33 : vector<2048x1xf32>
    %add3A_36 = arith.constant 1.000000e+00 : f32
    %add3A_37 = vector.broadcast %add3A_36 : f32 to vector<2048x1xf32>
    %add3A_38 = arith.addf %add3A_37, %exp3A : vector<2048x1xf32>
    %div3A_39 = arith.divf %exp3A, %add3A_38 : vector<2048x1xf32>
    %iota3A_40 = tpu.iota {dimensions = array<i32: 1>} : vector<128x64xi32>
    %iota3A_41 = tpu.iota {dimensions = array<i32: 1>} : vector<128x128xi32>
    %iota3A_42 = tpu.iota {dimensions = array<i32: 0>} : vector<128x128xi32>
    %lt3A = arith.cmpi slt, %iota3A_41, %iota3A_42 : vector<128x128xi32>
    %convert_element_type3A = arith.extui %lt3A : vector<128x128xi1> to vector<128x128xi32>
    %convert_element_type3A_43 = arith.sitofp %convert_element_type3A : vector<128x128xi32> to vector<128x128xf32>
    %broadcast_in_dim3A_44 = arith.constant 0.000000e+00 : f32
    %broadcast_in_dim3A_45 = vector.broadcast %broadcast_in_dim3A_44 : f32 to vector<1x64xf32>
    %slice3A = vector.extract_strided_slice %broadcast_in_dim3A_14 {offsets = [0, 0], sizes = [128, 1], strides = [1, 1]} : vector<2048x1xi32> to vector<128x1xi32>
    %eq3A_46 = vector.broadcast %slice3A : vector<128x1xi32> to vector<128x64xi32>
    %eq3A_47 = arith.cmpi eq, %eq3A_46, %iota3A_40 : vector<128x64xi32>
    %convert_element_type3A_48 = arith.extui %eq3A_47 : vector<128x64xi1> to vector<128x64xi32>
    %convert_element_type3A_49 = arith.sitofp %convert_element_type3A_48 : vector<128x64xi32> to vector<128x64xf32>
    %mul3A = vector.broadcast %broadcast_in_dim3A_45 : vector<1x64xf32> to vector<128x64xf32>
    %mul3A_50 = arith.mulf %mul3A, %convert_element_type3A_49 : vector<128x64xf32>
    %reduce_sum3A = arith.constant dense<0.000000e+00> : vector<128xf32>
    %reduce_sum3A_51 = vector.multi_reduction <add>, %mul3A_50, %reduce_sum3A [1] : vector<128x64xf32> to vector<128xf32>
    %broadcast_in_dim3A_52 = vector.shape_cast %reduce_sum3A_51 : vector<128xf32> to vector<128x1xf32>
    %dot_general3A_53 = arith.constant dense<0.000000e+00> : vector<128x64xf32>
    %dot_general3A_54 = tpu.matmul %convert_element_type3A_43, %convert_element_type3A_49, %dot_general3A_53 {dimension_numbers = #tpu.dot_dimension_numbers<[1], [0], [0], [1], [0, 0, 1, 1], [], []>, transpose_lhs_hint = false} : vector<128x128xf32>, vector<128x64xf32>, vector<128x64xf32> -> vector<128x64xf32>
    %mul3A_55 = arith.mulf %dot_general3A_54, %convert_element_type3A_49 : vector<128x64xf32>
    %reduce_sum3A_56 = arith.constant dense<0.000000e+00> : vector<128xf32>
    %reduce_sum3A_57 = vector.multi_reduction <add>, %mul3A_55, %reduce_sum3A_56 [1] : vector<128x64xf32> to vector<128xf32>
    %broadcast_in_dim3A_58 = vector.shape_cast %reduce_sum3A_57 : vector<128xf32> to vector<128x1xf32>
    %add3A_59 = arith.addf %broadcast_in_dim3A_52, %broadcast_in_dim3A_58 : vector<128x1xf32>
    %reduce_sum3A_60 = arith.constant dense<0.000000e+00> : vector<64xf32>
    %reduce_sum3A_61 = vector.multi_reduction <add>, %convert_element_type3A_49, %reduce_sum3A_60 [0] : vector<128x64xf32> to vector<64xf32>
    %broadcast_in_dim3A_62 = vector.shape_cast %reduce_sum3A_61 : vector<64xf32> to vector<1x64xf32>
    %add3A_63 = arith.addf %broadcast_in_dim3A_45, %broadcast_in_dim3A_62 : vector<1x64xf32>
    %slice3A_64 = vector.extract_strided_slice %broadcast_in_dim3A_14 {offsets = [128, 0], sizes = [128, 1], strides = [1, 1]} : vector<2048x1xi32> to vector<128x1xi32>
    %eq3A_65 = vector.broadcast %slice3A_64 : vector<128x1xi32> to vector<128x64xi32>
    %eq3A_66 = arith.cmpi eq, %eq3A_65, %iota3A_40 : vector<128x64xi32>
    %convert_element_type3A_67 = arith.extui %eq3A_66 : vector<128x64xi1> to vector<128x64xi32>
    %convert_element_type3A_68 = arith.sitofp %convert_element_type3A_67 : vector<128x64xi32> to vector<128x64xf32>
    %mul3A_69 = vector.broadcast %add3A_63 : vector<1x64xf32> to vector<128x64xf32>
    %mul3A_70 = arith.mulf %mul3A_69, %convert_element_type3A_68 : vector<128x64xf32>
    %reduce_sum3A_71 = arith.constant dense<0.000000e+00> : vector<128xf32>
    %reduce_sum3A_72 = vector.multi_reduction <add>, %mul3A_70, %reduce_sum3A_71 [1] : vector<128x64xf32> to vector<128xf32>
    %broadcast_in_dim3A_73 = vector.shape_cast %reduce_sum3A_72 : vector<128xf32> to vector<128x1xf32>
    %dot_general3A_74 = arith.constant dense<0.000000e+00> : vector<128x64xf32>
    %dot_general3A_75 = tpu.matmul %convert_element_type3A_43, %convert_element_type3A_68, %dot_general3A_74 {dimension_numbers = #tpu.dot_dimension_numbers<[1], [0], [0], [1], [0, 0, 1, 1], [], []>, transpose_lhs_hint = false} : vector<128x128xf32>, vector<128x64xf32>, vector<128x64xf32> -> vector<128x64xf32>
    %mul3A_76 = arith.mulf %dot_general3A_75, %convert_element_type3A_68 : vector<128x64xf32>
    %reduce_sum3A_77 = arith.constant dense<0.000000e+00> : vector<128xf32>
    %reduce_sum3A_78 = vector.multi_reduction <add>, %mul3A_76, %reduce_sum3A_77 [1] : vector<128x64xf32> to vector<128xf32>
    %broadcast_in_dim3A_79 = vector.shape_cast %reduce_sum3A_78 : vector<128xf32> to vector<128x1xf32>
    %add3A_80 = arith.addf %broadcast_in_dim3A_73, %broadcast_in_dim3A_79 : vector<128x1xf32>
    %reduce_sum3A_81 = arith.constant dense<0.000000e+00> : vector<64xf32>
    %reduce_sum3A_82 = vector.multi_reduction <add>, %convert_element_type3A_68, %reduce_sum3A_81 [0] : vector<128x64xf32> to vector<64xf32>
    %broadcast_in_dim3A_83 = vector.shape_cast %reduce_sum3A_82 : vector<64xf32> to vector<1x64xf32>
    %add3A_84 = arith.addf %add3A_63, %broadcast_in_dim3A_83 : vector<1x64xf32>
    %slice3A_85 = vector.extract_strided_slice %broadcast_in_dim3A_14 {offsets = [256, 0], sizes = [128, 1], strides = [1, 1]} : vector<2048x1xi32> to vector<128x1xi32>
    %eq3A_86 = vector.broadcast %slice3A_85 : vector<128x1xi32> to vector<128x64xi32>
    %eq3A_87 = arith.cmpi eq, %eq3A_86, %iota3A_40 : vector<128x64xi32>
    %convert_element_type3A_88 = arith.extui %eq3A_87 : vector<128x64xi1> to vector<128x64xi32>
    %convert_element_type3A_89 = arith.sitofp %convert_element_type3A_88 : vector<128x64xi32> to vector<128x64xf32>
    %mul3A_90 = vector.broadcast %add3A_84 : vector<1x64xf32> to vector<128x64xf32>
    %mul3A_91 = arith.mulf %mul3A_90, %convert_element_type3A_89 : vector<128x64xf32>
    %reduce_sum3A_92 = arith.constant dense<0.000000e+00> : vector<128xf32>
    %reduce_sum3A_93 = vector.multi_reduction <add>, %mul3A_91, %reduce_sum3A_92 [1] : vector<128x64xf32> to vector<128xf32>
    %broadcast_in_dim3A_94 = vector.shape_cast %reduce_sum3A_93 : vector<128xf32> to vector<128x1xf32>
    %dot_general3A_95 = arith.constant dense<0.000000e+00> : vector<128x64xf32>
    %dot_general3A_96 = tpu.matmul %convert_element_type3A_43, %convert_element_type3A_89, %dot_general3A_95 {dimension_numbers = #tpu.dot_dimension_numbers<[1], [0], [0], [1], [0, 0, 1, 1], [], []>, transpose_lhs_hint = false} : vector<128x128xf32>, vector<128x64xf32>, vector<128x64xf32> -> vector<128x64xf32>
    %mul3A_97 = arith.mulf %dot_general3A_96, %convert_element_type3A_89 : vector<128x64xf32>
    %reduce_sum3A_98 = arith.constant dense<0.000000e+00> : vector<128xf32>
    %reduce_sum3A_99 = vector.multi_reduction <add>, %mul3A_97, %reduce_sum3A_98 [1] : vector<128x64xf32> to vector<128xf32>
    %broadcast_in_dim3A_100 = vector.shape_cast %reduce_sum3A_99 : vector<128xf32> to vector<128x1xf32>
    %add3A_101 = arith.addf %broadcast_in_dim3A_94, %broadcast_in_dim3A_100 : vector<128x1xf32>
    %reduce_sum3A_102 = arith.constant dense<0.000000e+00> : vector<64xf32>
    %reduce_sum3A_103 = vector.multi_reduction <add>, %convert_element_type3A_89, %reduce_sum3A_102 [0] : vector<128x64xf32> to vector<64xf32>
    %broadcast_in_dim3A_104 = vector.shape_cast %reduce_sum3A_103 : vector<64xf32> to vector<1x64xf32>
    %add3A_105 = arith.addf %add3A_84, %broadcast_in_dim3A_104 : vector<1x64xf32>
    %slice3A_106 = vector.extract_strided_slice %broadcast_in_dim3A_14 {offsets = [384, 0], sizes = [128, 1], strides = [1, 1]} : vector<2048x1xi32> to vector<128x1xi32>
    %eq3A_107 = vector.broadcast %slice3A_106 : vector<128x1xi32> to vector<128x64xi32>
    %eq3A_108 = arith.cmpi eq, %eq3A_107, %iota3A_40 : vector<128x64xi32>
    %convert_element_type3A_109 = arith.extui %eq3A_108 : vector<128x64xi1> to vector<128x64xi32>
    %convert_element_type3A_110 = arith.sitofp %convert_element_type3A_109 : vector<128x64xi32> to vector<128x64xf32>
    %mul3A_111 = vector.broadcast %add3A_105 : vector<1x64xf32> to vector<128x64xf32>
    %mul3A_112 = arith.mulf %mul3A_111, %convert_element_type3A_110 : vector<128x64xf32>
    %reduce_sum3A_113 = arith.constant dense<0.000000e+00> : vector<128xf32>
    %reduce_sum3A_114 = vector.multi_reduction <add>, %mul3A_112, %reduce_sum3A_113 [1] : vector<128x64xf32> to vector<128xf32>
    %broadcast_in_dim3A_115 = vector.shape_cast %reduce_sum3A_114 : vector<128xf32> to vector<128x1xf32>
    %dot_general3A_116 = arith.constant dense<0.000000e+00> : vector<128x64xf32>
    %dot_general3A_117 = tpu.matmul %convert_element_type3A_43, %convert_element_type3A_110, %dot_general3A_116 {dimension_numbers = #tpu.dot_dimension_numbers<[1], [0], [0], [1], [0, 0, 1, 1], [], []>, transpose_lhs_hint = false} : vector<128x128xf32>, vector<128x64xf32>, vector<128x64xf32> -> vector<128x64xf32>
    %mul3A_118 = arith.mulf %dot_general3A_117, %convert_element_type3A_110 : vector<128x64xf32>
    %reduce_sum3A_119 = arith.constant dense<0.000000e+00> : vector<128xf32>
    %reduce_sum3A_120 = vector.multi_reduction <add>, %mul3A_118, %reduce_sum3A_119 [1] : vector<128x64xf32> to vector<128xf32>
    %broadcast_in_dim3A_121 = vector.shape_cast %reduce_sum3A_120 : vector<128xf32> to vector<128x1xf32>
    %add3A_122 = arith.addf %broadcast_in_dim3A_115, %broadcast_in_dim3A_121 : vector<128x1xf32>
    %reduce_sum3A_123 = arith.constant dense<0.000000e+00> : vector<64xf32>
    %reduce_sum3A_124 = vector.multi_reduction <add>, %convert_element_type3A_110, %reduce_sum3A_123 [0] : vector<128x64xf32> to vector<64xf32>
    %broadcast_in_dim3A_125 = vector.shape_cast %reduce_sum3A_124 : vector<64xf32> to vector<1x64xf32>
    %add3A_126 = arith.addf %add3A_105, %broadcast_in_dim3A_125 : vector<1x64xf32>
    %slice3A_127 = vector.extract_strided_slice %broadcast_in_dim3A_14 {offsets = [512, 0], sizes = [128, 1], strides = [1, 1]} : vector<2048x1xi32> to vector<128x1xi32>
    %eq3A_128 = vector.broadcast %slice3A_127 : vector<128x1xi32> to vector<128x64xi32>
    %eq3A_129 = arith.cmpi eq, %eq3A_128, %iota3A_40 : vector<128x64xi32>
    %convert_element_type3A_130 = arith.extui %eq3A_129 : vector<128x64xi1> to vector<128x64xi32>
    %convert_element_type3A_131 = arith.sitofp %convert_element_type3A_130 : vector<128x64xi32> to vector<128x64xf32>
    %mul3A_132 = vector.broadcast %add3A_126 : vector<1x64xf32> to vector<128x64xf32>
    %mul3A_133 = arith.mulf %mul3A_132, %convert_element_type3A_131 : vector<128x64xf32>
    %reduce_sum3A_134 = arith.constant dense<0.000000e+00> : vector<128xf32>
    %reduce_sum3A_135 = vector.multi_reduction <add>, %mul3A_133, %reduce_sum3A_134 [1] : vector<128x64xf32> to vector<128xf32>
    %broadcast_in_dim3A_136 = vector.shape_cast %reduce_sum3A_135 : vector<128xf32> to vector<128x1xf32>
    %dot_general3A_137 = arith.constant dense<0.000000e+00> : vector<128x64xf32>
    %dot_general3A_138 = tpu.matmul %convert_element_type3A_43, %convert_element_type3A_131, %dot_general3A_137 {dimension_numbers = #tpu.dot_dimension_numbers<[1], [0], [0], [1], [0, 0, 1, 1], [], []>, transpose_lhs_hint = false} : vector<128x128xf32>, vector<128x64xf32>, vector<128x64xf32> -> vector<128x64xf32>
    %mul3A_139 = arith.mulf %dot_general3A_138, %convert_element_type3A_131 : vector<128x64xf32>
    %reduce_sum3A_140 = arith.constant dense<0.000000e+00> : vector<128xf32>
    %reduce_sum3A_141 = vector.multi_reduction <add>, %mul3A_139, %reduce_sum3A_140 [1] : vector<128x64xf32> to vector<128xf32>
    %broadcast_in_dim3A_142 = vector.shape_cast %reduce_sum3A_141 : vector<128xf32> to vector<128x1xf32>
    %add3A_143 = arith.addf %broadcast_in_dim3A_136, %broadcast_in_dim3A_142 : vector<128x1xf32>
    %reduce_sum3A_144 = arith.constant dense<0.000000e+00> : vector<64xf32>
    %reduce_sum3A_145 = vector.multi_reduction <add>, %convert_element_type3A_131, %reduce_sum3A_144 [0] : vector<128x64xf32> to vector<64xf32>
    %broadcast_in_dim3A_146 = vector.shape_cast %reduce_sum3A_145 : vector<64xf32> to vector<1x64xf32>
    %add3A_147 = arith.addf %add3A_126, %broadcast_in_dim3A_146 : vector<1x64xf32>
    %slice3A_148 = vector.extract_strided_slice %broadcast_in_dim3A_14 {offsets = [640, 0], sizes = [128, 1], strides = [1, 1]} : vector<2048x1xi32> to vector<128x1xi32>
    %eq3A_149 = vector.broadcast %slice3A_148 : vector<128x1xi32> to vector<128x64xi32>
    %eq3A_150 = arith.cmpi eq, %eq3A_149, %iota3A_40 : vector<128x64xi32>
    %convert_element_type3A_151 = arith.extui %eq3A_150 : vector<128x64xi1> to vector<128x64xi32>
    %convert_element_type3A_152 = arith.sitofp %convert_element_type3A_151 : vector<128x64xi32> to vector<128x64xf32>
    %mul3A_153 = vector.broadcast %add3A_147 : vector<1x64xf32> to vector<128x64xf32>
    %mul3A_154 = arith.mulf %mul3A_153, %convert_element_type3A_152 : vector<128x64xf32>
    %reduce_sum3A_155 = arith.constant dense<0.000000e+00> : vector<128xf32>
    %reduce_sum3A_156 = vector.multi_reduction <add>, %mul3A_154, %reduce_sum3A_155 [1] : vector<128x64xf32> to vector<128xf32>
    %broadcast_in_dim3A_157 = vector.shape_cast %reduce_sum3A_156 : vector<128xf32> to vector<128x1xf32>
    %dot_general3A_158 = arith.constant dense<0.000000e+00> : vector<128x64xf32>
    %dot_general3A_159 = tpu.matmul %convert_element_type3A_43, %convert_element_type3A_152, %dot_general3A_158 {dimension_numbers = #tpu.dot_dimension_numbers<[1], [0], [0], [1], [0, 0, 1, 1], [], []>, transpose_lhs_hint = false} : vector<128x128xf32>, vector<128x64xf32>, vector<128x64xf32> -> vector<128x64xf32>
    %mul3A_160 = arith.mulf %dot_general3A_159, %convert_element_type3A_152 : vector<128x64xf32>
    %reduce_sum3A_161 = arith.constant dense<0.000000e+00> : vector<128xf32>
    %reduce_sum3A_162 = vector.multi_reduction <add>, %mul3A_160, %reduce_sum3A_161 [1] : vector<128x64xf32> to vector<128xf32>
    %broadcast_in_dim3A_163 = vector.shape_cast %reduce_sum3A_162 : vector<128xf32> to vector<128x1xf32>
    %add3A_164 = arith.addf %broadcast_in_dim3A_157, %broadcast_in_dim3A_163 : vector<128x1xf32>
    %reduce_sum3A_165 = arith.constant dense<0.000000e+00> : vector<64xf32>
    %reduce_sum3A_166 = vector.multi_reduction <add>, %convert_element_type3A_152, %reduce_sum3A_165 [0] : vector<128x64xf32> to vector<64xf32>
    %broadcast_in_dim3A_167 = vector.shape_cast %reduce_sum3A_166 : vector<64xf32> to vector<1x64xf32>
    %add3A_168 = arith.addf %add3A_147, %broadcast_in_dim3A_167 : vector<1x64xf32>
    %slice3A_169 = vector.extract_strided_slice %broadcast_in_dim3A_14 {offsets = [768, 0], sizes = [128, 1], strides = [1, 1]} : vector<2048x1xi32> to vector<128x1xi32>
    %eq3A_170 = vector.broadcast %slice3A_169 : vector<128x1xi32> to vector<128x64xi32>
    %eq3A_171 = arith.cmpi eq, %eq3A_170, %iota3A_40 : vector<128x64xi32>
    %convert_element_type3A_172 = arith.extui %eq3A_171 : vector<128x64xi1> to vector<128x64xi32>
    %convert_element_type3A_173 = arith.sitofp %convert_element_type3A_172 : vector<128x64xi32> to vector<128x64xf32>
    %mul3A_174 = vector.broadcast %add3A_168 : vector<1x64xf32> to vector<128x64xf32>
    %mul3A_175 = arith.mulf %mul3A_174, %convert_element_type3A_173 : vector<128x64xf32>
    %reduce_sum3A_176 = arith.constant dense<0.000000e+00> : vector<128xf32>
    %reduce_sum3A_177 = vector.multi_reduction <add>, %mul3A_175, %reduce_sum3A_176 [1] : vector<128x64xf32> to vector<128xf32>
    %broadcast_in_dim3A_178 = vector.shape_cast %reduce_sum3A_177 : vector<128xf32> to vector<128x1xf32>
    %dot_general3A_179 = arith.constant dense<0.000000e+00> : vector<128x64xf32>
    %dot_general3A_180 = tpu.matmul %convert_element_type3A_43, %convert_element_type3A_173, %dot_general3A_179 {dimension_numbers = #tpu.dot_dimension_numbers<[1], [0], [0], [1], [0, 0, 1, 1], [], []>, transpose_lhs_hint = false} : vector<128x128xf32>, vector<128x64xf32>, vector<128x64xf32> -> vector<128x64xf32>
    %mul3A_181 = arith.mulf %dot_general3A_180, %convert_element_type3A_173 : vector<128x64xf32>
    %reduce_sum3A_182 = arith.constant dense<0.000000e+00> : vector<128xf32>
    %reduce_sum3A_183 = vector.multi_reduction <add>, %mul3A_181, %reduce_sum3A_182 [1] : vector<128x64xf32> to vector<128xf32>
    %broadcast_in_dim3A_184 = vector.shape_cast %reduce_sum3A_183 : vector<128xf32> to vector<128x1xf32>
    %add3A_185 = arith.addf %broadcast_in_dim3A_178, %broadcast_in_dim3A_184 : vector<128x1xf32>
    %reduce_sum3A_186 = arith.constant dense<0.000000e+00> : vector<64xf32>
    %reduce_sum3A_187 = vector.multi_reduction <add>, %convert_element_type3A_173, %reduce_sum3A_186 [0] : vector<128x64xf32> to vector<64xf32>
    %broadcast_in_dim3A_188 = vector.shape_cast %reduce_sum3A_187 : vector<64xf32> to vector<1x64xf32>
    %add3A_189 = arith.addf %add3A_168, %broadcast_in_dim3A_188 : vector<1x64xf32>
    %slice3A_190 = vector.extract_strided_slice %broadcast_in_dim3A_14 {offsets = [896, 0], sizes = [128, 1], strides = [1, 1]} : vector<2048x1xi32> to vector<128x1xi32>
    %eq3A_191 = vector.broadcast %slice3A_190 : vector<128x1xi32> to vector<128x64xi32>
    %eq3A_192 = arith.cmpi eq, %eq3A_191, %iota3A_40 : vector<128x64xi32>
    %convert_element_type3A_193 = arith.extui %eq3A_192 : vector<128x64xi1> to vector<128x64xi32>
    %convert_element_type3A_194 = arith.sitofp %convert_element_type3A_193 : vector<128x64xi32> to vector<128x64xf32>
    %mul3A_195 = vector.broadcast %add3A_189 : vector<1x64xf32> to vector<128x64xf32>
    %mul3A_196 = arith.mulf %mul3A_195, %convert_element_type3A_194 : vector<128x64xf32>
    %reduce_sum3A_197 = arith.constant dense<0.000000e+00> : vector<128xf32>
    %reduce_sum3A_198 = vector.multi_reduction <add>, %mul3A_196, %reduce_sum3A_197 [1] : vector<128x64xf32> to vector<128xf32>
    %broadcast_in_dim3A_199 = vector.shape_cast %reduce_sum3A_198 : vector<128xf32> to vector<128x1xf32>
    %dot_general3A_200 = arith.constant dense<0.000000e+00> : vector<128x64xf32>
    %dot_general3A_201 = tpu.matmul %convert_element_type3A_43, %convert_element_type3A_194, %dot_general3A_200 {dimension_numbers = #tpu.dot_dimension_numbers<[1], [0], [0], [1], [0, 0, 1, 1], [], []>, transpose_lhs_hint = false} : vector<128x128xf32>, vector<128x64xf32>, vector<128x64xf32> -> vector<128x64xf32>
    %mul3A_202 = arith.mulf %dot_general3A_201, %convert_element_type3A_194 : vector<128x64xf32>
    %reduce_sum3A_203 = arith.constant dense<0.000000e+00> : vector<128xf32>
    %reduce_sum3A_204 = vector.multi_reduction <add>, %mul3A_202, %reduce_sum3A_203 [1] : vector<128x64xf32> to vector<128xf32>
    %broadcast_in_dim3A_205 = vector.shape_cast %reduce_sum3A_204 : vector<128xf32> to vector<128x1xf32>
    %add3A_206 = arith.addf %broadcast_in_dim3A_199, %broadcast_in_dim3A_205 : vector<128x1xf32>
    %reduce_sum3A_207 = arith.constant dense<0.000000e+00> : vector<64xf32>
    %reduce_sum3A_208 = vector.multi_reduction <add>, %convert_element_type3A_194, %reduce_sum3A_207 [0] : vector<128x64xf32> to vector<64xf32>
    %broadcast_in_dim3A_209 = vector.shape_cast %reduce_sum3A_208 : vector<64xf32> to vector<1x64xf32>
    %add3A_210 = arith.addf %add3A_189, %broadcast_in_dim3A_209 : vector<1x64xf32>
    %slice3A_211 = vector.extract_strided_slice %broadcast_in_dim3A_14 {offsets = [1024, 0], sizes = [128, 1], strides = [1, 1]} : vector<2048x1xi32> to vector<128x1xi32>
    %eq3A_212 = vector.broadcast %slice3A_211 : vector<128x1xi32> to vector<128x64xi32>
    %eq3A_213 = arith.cmpi eq, %eq3A_212, %iota3A_40 : vector<128x64xi32>
    %convert_element_type3A_214 = arith.extui %eq3A_213 : vector<128x64xi1> to vector<128x64xi32>
    %convert_element_type3A_215 = arith.sitofp %convert_element_type3A_214 : vector<128x64xi32> to vector<128x64xf32>
    %mul3A_216 = vector.broadcast %add3A_210 : vector<1x64xf32> to vector<128x64xf32>
    %mul3A_217 = arith.mulf %mul3A_216, %convert_element_type3A_215 : vector<128x64xf32>
    %reduce_sum3A_218 = arith.constant dense<0.000000e+00> : vector<128xf32>
    %reduce_sum3A_219 = vector.multi_reduction <add>, %mul3A_217, %reduce_sum3A_218 [1] : vector<128x64xf32> to vector<128xf32>
    %broadcast_in_dim3A_220 = vector.shape_cast %reduce_sum3A_219 : vector<128xf32> to vector<128x1xf32>
    %dot_general3A_221 = arith.constant dense<0.000000e+00> : vector<128x64xf32>
    %dot_general3A_222 = tpu.matmul %convert_element_type3A_43, %convert_element_type3A_215, %dot_general3A_221 {dimension_numbers = #tpu.dot_dimension_numbers<[1], [0], [0], [1], [0, 0, 1, 1], [], []>, transpose_lhs_hint = false} : vector<128x128xf32>, vector<128x64xf32>, vector<128x64xf32> -> vector<128x64xf32>
    %mul3A_223 = arith.mulf %dot_general3A_222, %convert_element_type3A_215 : vector<128x64xf32>
    %reduce_sum3A_224 = arith.constant dense<0.000000e+00> : vector<128xf32>
    %reduce_sum3A_225 = vector.multi_reduction <add>, %mul3A_223, %reduce_sum3A_224 [1] : vector<128x64xf32> to vector<128xf32>
    %broadcast_in_dim3A_226 = vector.shape_cast %reduce_sum3A_225 : vector<128xf32> to vector<128x1xf32>
    %add3A_227 = arith.addf %broadcast_in_dim3A_220, %broadcast_in_dim3A_226 : vector<128x1xf32>
    %reduce_sum3A_228 = arith.constant dense<0.000000e+00> : vector<64xf32>
    %reduce_sum3A_229 = vector.multi_reduction <add>, %convert_element_type3A_215, %reduce_sum3A_228 [0] : vector<128x64xf32> to vector<64xf32>
    %broadcast_in_dim3A_230 = vector.shape_cast %reduce_sum3A_229 : vector<64xf32> to vector<1x64xf32>
    %add3A_231 = arith.addf %add3A_210, %broadcast_in_dim3A_230 : vector<1x64xf32>
    %slice3A_232 = vector.extract_strided_slice %broadcast_in_dim3A_14 {offsets = [1152, 0], sizes = [128, 1], strides = [1, 1]} : vector<2048x1xi32> to vector<128x1xi32>
    %eq3A_233 = vector.broadcast %slice3A_232 : vector<128x1xi32> to vector<128x64xi32>
    %eq3A_234 = arith.cmpi eq, %eq3A_233, %iota3A_40 : vector<128x64xi32>
    %convert_element_type3A_235 = arith.extui %eq3A_234 : vector<128x64xi1> to vector<128x64xi32>
    %convert_element_type3A_236 = arith.sitofp %convert_element_type3A_235 : vector<128x64xi32> to vector<128x64xf32>
    %mul3A_237 = vector.broadcast %add3A_231 : vector<1x64xf32> to vector<128x64xf32>
    %mul3A_238 = arith.mulf %mul3A_237, %convert_element_type3A_236 : vector<128x64xf32>
    %reduce_sum3A_239 = arith.constant dense<0.000000e+00> : vector<128xf32>
    %reduce_sum3A_240 = vector.multi_reduction <add>, %mul3A_238, %reduce_sum3A_239 [1] : vector<128x64xf32> to vector<128xf32>
    %broadcast_in_dim3A_241 = vector.shape_cast %reduce_sum3A_240 : vector<128xf32> to vector<128x1xf32>
    %dot_general3A_242 = arith.constant dense<0.000000e+00> : vector<128x64xf32>
    %dot_general3A_243 = tpu.matmul %convert_element_type3A_43, %convert_element_type3A_236, %dot_general3A_242 {dimension_numbers = #tpu.dot_dimension_numbers<[1], [0], [0], [1], [0, 0, 1, 1], [], []>, transpose_lhs_hint = false} : vector<128x128xf32>, vector<128x64xf32>, vector<128x64xf32> -> vector<128x64xf32>
    %mul3A_244 = arith.mulf %dot_general3A_243, %convert_element_type3A_236 : vector<128x64xf32>
    %reduce_sum3A_245 = arith.constant dense<0.000000e+00> : vector<128xf32>
    %reduce_sum3A_246 = vector.multi_reduction <add>, %mul3A_244, %reduce_sum3A_245 [1] : vector<128x64xf32> to vector<128xf32>
    %broadcast_in_dim3A_247 = vector.shape_cast %reduce_sum3A_246 : vector<128xf32> to vector<128x1xf32>
    %add3A_248 = arith.addf %broadcast_in_dim3A_241, %broadcast_in_dim3A_247 : vector<128x1xf32>
    %reduce_sum3A_249 = arith.constant dense<0.000000e+00> : vector<64xf32>
    %reduce_sum3A_250 = vector.multi_reduction <add>, %convert_element_type3A_236, %reduce_sum3A_249 [0] : vector<128x64xf32> to vector<64xf32>
    %broadcast_in_dim3A_251 = vector.shape_cast %reduce_sum3A_250 : vector<64xf32> to vector<1x64xf32>
    %add3A_252 = arith.addf %add3A_231, %broadcast_in_dim3A_251 : vector<1x64xf32>
    %slice3A_253 = vector.extract_strided_slice %broadcast_in_dim3A_14 {offsets = [1280, 0], sizes = [128, 1], strides = [1, 1]} : vector<2048x1xi32> to vector<128x1xi32>
    %eq3A_254 = vector.broadcast %slice3A_253 : vector<128x1xi32> to vector<128x64xi32>
    %eq3A_255 = arith.cmpi eq, %eq3A_254, %iota3A_40 : vector<128x64xi32>
    %convert_element_type3A_256 = arith.extui %eq3A_255 : vector<128x64xi1> to vector<128x64xi32>
    %convert_element_type3A_257 = arith.sitofp %convert_element_type3A_256 : vector<128x64xi32> to vector<128x64xf32>
    %mul3A_258 = vector.broadcast %add3A_252 : vector<1x64xf32> to vector<128x64xf32>
    %mul3A_259 = arith.mulf %mul3A_258, %convert_element_type3A_257 : vector<128x64xf32>
    %reduce_sum3A_260 = arith.constant dense<0.000000e+00> : vector<128xf32>
    %reduce_sum3A_261 = vector.multi_reduction <add>, %mul3A_259, %reduce_sum3A_260 [1] : vector<128x64xf32> to vector<128xf32>
    %broadcast_in_dim3A_262 = vector.shape_cast %reduce_sum3A_261 : vector<128xf32> to vector<128x1xf32>
    %dot_general3A_263 = arith.constant dense<0.000000e+00> : vector<128x64xf32>
    %dot_general3A_264 = tpu.matmul %convert_element_type3A_43, %convert_element_type3A_257, %dot_general3A_263 {dimension_numbers = #tpu.dot_dimension_numbers<[1], [0], [0], [1], [0, 0, 1, 1], [], []>, transpose_lhs_hint = false} : vector<128x128xf32>, vector<128x64xf32>, vector<128x64xf32> -> vector<128x64xf32>
    %mul3A_265 = arith.mulf %dot_general3A_264, %convert_element_type3A_257 : vector<128x64xf32>
    %reduce_sum3A_266 = arith.constant dense<0.000000e+00> : vector<128xf32>
    %reduce_sum3A_267 = vector.multi_reduction <add>, %mul3A_265, %reduce_sum3A_266 [1] : vector<128x64xf32> to vector<128xf32>
    %broadcast_in_dim3A_268 = vector.shape_cast %reduce_sum3A_267 : vector<128xf32> to vector<128x1xf32>
    %add3A_269 = arith.addf %broadcast_in_dim3A_262, %broadcast_in_dim3A_268 : vector<128x1xf32>
    %reduce_sum3A_270 = arith.constant dense<0.000000e+00> : vector<64xf32>
    %reduce_sum3A_271 = vector.multi_reduction <add>, %convert_element_type3A_257, %reduce_sum3A_270 [0] : vector<128x64xf32> to vector<64xf32>
    %broadcast_in_dim3A_272 = vector.shape_cast %reduce_sum3A_271 : vector<64xf32> to vector<1x64xf32>
    %add3A_273 = arith.addf %add3A_252, %broadcast_in_dim3A_272 : vector<1x64xf32>
    %slice3A_274 = vector.extract_strided_slice %broadcast_in_dim3A_14 {offsets = [1408, 0], sizes = [128, 1], strides = [1, 1]} : vector<2048x1xi32> to vector<128x1xi32>
    %eq3A_275 = vector.broadcast %slice3A_274 : vector<128x1xi32> to vector<128x64xi32>
    %eq3A_276 = arith.cmpi eq, %eq3A_275, %iota3A_40 : vector<128x64xi32>
    %convert_element_type3A_277 = arith.extui %eq3A_276 : vector<128x64xi1> to vector<128x64xi32>
    %convert_element_type3A_278 = arith.sitofp %convert_element_type3A_277 : vector<128x64xi32> to vector<128x64xf32>
    %mul3A_279 = vector.broadcast %add3A_273 : vector<1x64xf32> to vector<128x64xf32>
    %mul3A_280 = arith.mulf %mul3A_279, %convert_element_type3A_278 : vector<128x64xf32>
    %reduce_sum3A_281 = arith.constant dense<0.000000e+00> : vector<128xf32>
    %reduce_sum3A_282 = vector.multi_reduction <add>, %mul3A_280, %reduce_sum3A_281 [1] : vector<128x64xf32> to vector<128xf32>
    %broadcast_in_dim3A_283 = vector.shape_cast %reduce_sum3A_282 : vector<128xf32> to vector<128x1xf32>
    %dot_general3A_284 = arith.constant dense<0.000000e+00> : vector<128x64xf32>
    %dot_general3A_285 = tpu.matmul %convert_element_type3A_43, %convert_element_type3A_278, %dot_general3A_284 {dimension_numbers = #tpu.dot_dimension_numbers<[1], [0], [0], [1], [0, 0, 1, 1], [], []>, transpose_lhs_hint = false} : vector<128x128xf32>, vector<128x64xf32>, vector<128x64xf32> -> vector<128x64xf32>
    %mul3A_286 = arith.mulf %dot_general3A_285, %convert_element_type3A_278 : vector<128x64xf32>
    %reduce_sum3A_287 = arith.constant dense<0.000000e+00> : vector<128xf32>
    %reduce_sum3A_288 = vector.multi_reduction <add>, %mul3A_286, %reduce_sum3A_287 [1] : vector<128x64xf32> to vector<128xf32>
    %broadcast_in_dim3A_289 = vector.shape_cast %reduce_sum3A_288 : vector<128xf32> to vector<128x1xf32>
    %add3A_290 = arith.addf %broadcast_in_dim3A_283, %broadcast_in_dim3A_289 : vector<128x1xf32>
    %reduce_sum3A_291 = arith.constant dense<0.000000e+00> : vector<64xf32>
    %reduce_sum3A_292 = vector.multi_reduction <add>, %convert_element_type3A_278, %reduce_sum3A_291 [0] : vector<128x64xf32> to vector<64xf32>
    %broadcast_in_dim3A_293 = vector.shape_cast %reduce_sum3A_292 : vector<64xf32> to vector<1x64xf32>
    %add3A_294 = arith.addf %add3A_273, %broadcast_in_dim3A_293 : vector<1x64xf32>
    %slice3A_295 = vector.extract_strided_slice %broadcast_in_dim3A_14 {offsets = [1536, 0], sizes = [128, 1], strides = [1, 1]} : vector<2048x1xi32> to vector<128x1xi32>
    %eq3A_296 = vector.broadcast %slice3A_295 : vector<128x1xi32> to vector<128x64xi32>
    %eq3A_297 = arith.cmpi eq, %eq3A_296, %iota3A_40 : vector<128x64xi32>
    %convert_element_type3A_298 = arith.extui %eq3A_297 : vector<128x64xi1> to vector<128x64xi32>
    %convert_element_type3A_299 = arith.sitofp %convert_element_type3A_298 : vector<128x64xi32> to vector<128x64xf32>
    %mul3A_300 = vector.broadcast %add3A_294 : vector<1x64xf32> to vector<128x64xf32>
    %mul3A_301 = arith.mulf %mul3A_300, %convert_element_type3A_299 : vector<128x64xf32>
    %reduce_sum3A_302 = arith.constant dense<0.000000e+00> : vector<128xf32>
    %reduce_sum3A_303 = vector.multi_reduction <add>, %mul3A_301, %reduce_sum3A_302 [1] : vector<128x64xf32> to vector<128xf32>
    %broadcast_in_dim3A_304 = vector.shape_cast %reduce_sum3A_303 : vector<128xf32> to vector<128x1xf32>
    %dot_general3A_305 = arith.constant dense<0.000000e+00> : vector<128x64xf32>
    %dot_general3A_306 = tpu.matmul %convert_element_type3A_43, %convert_element_type3A_299, %dot_general3A_305 {dimension_numbers = #tpu.dot_dimension_numbers<[1], [0], [0], [1], [0, 0, 1, 1], [], []>, transpose_lhs_hint = false} : vector<128x128xf32>, vector<128x64xf32>, vector<128x64xf32> -> vector<128x64xf32>
    %mul3A_307 = arith.mulf %dot_general3A_306, %convert_element_type3A_299 : vector<128x64xf32>
    %reduce_sum3A_308 = arith.constant dense<0.000000e+00> : vector<128xf32>
    %reduce_sum3A_309 = vector.multi_reduction <add>, %mul3A_307, %reduce_sum3A_308 [1] : vector<128x64xf32> to vector<128xf32>
    %broadcast_in_dim3A_310 = vector.shape_cast %reduce_sum3A_309 : vector<128xf32> to vector<128x1xf32>
    %add3A_311 = arith.addf %broadcast_in_dim3A_304, %broadcast_in_dim3A_310 : vector<128x1xf32>
    %reduce_sum3A_312 = arith.constant dense<0.000000e+00> : vector<64xf32>
    %reduce_sum3A_313 = vector.multi_reduction <add>, %convert_element_type3A_299, %reduce_sum3A_312 [0] : vector<128x64xf32> to vector<64xf32>
    %broadcast_in_dim3A_314 = vector.shape_cast %reduce_sum3A_313 : vector<64xf32> to vector<1x64xf32>
    %add3A_315 = arith.addf %add3A_294, %broadcast_in_dim3A_314 : vector<1x64xf32>
    %slice3A_316 = vector.extract_strided_slice %broadcast_in_dim3A_14 {offsets = [1664, 0], sizes = [128, 1], strides = [1, 1]} : vector<2048x1xi32> to vector<128x1xi32>
    %eq3A_317 = vector.broadcast %slice3A_316 : vector<128x1xi32> to vector<128x64xi32>
    %eq3A_318 = arith.cmpi eq, %eq3A_317, %iota3A_40 : vector<128x64xi32>
    %convert_element_type3A_319 = arith.extui %eq3A_318 : vector<128x64xi1> to vector<128x64xi32>
    %convert_element_type3A_320 = arith.sitofp %convert_element_type3A_319 : vector<128x64xi32> to vector<128x64xf32>
    %mul3A_321 = vector.broadcast %add3A_315 : vector<1x64xf32> to vector<128x64xf32>
    %mul3A_322 = arith.mulf %mul3A_321, %convert_element_type3A_320 : vector<128x64xf32>
    %reduce_sum3A_323 = arith.constant dense<0.000000e+00> : vector<128xf32>
    %reduce_sum3A_324 = vector.multi_reduction <add>, %mul3A_322, %reduce_sum3A_323 [1] : vector<128x64xf32> to vector<128xf32>
    %broadcast_in_dim3A_325 = vector.shape_cast %reduce_sum3A_324 : vector<128xf32> to vector<128x1xf32>
    %dot_general3A_326 = arith.constant dense<0.000000e+00> : vector<128x64xf32>
    %dot_general3A_327 = tpu.matmul %convert_element_type3A_43, %convert_element_type3A_320, %dot_general3A_326 {dimension_numbers = #tpu.dot_dimension_numbers<[1], [0], [0], [1], [0, 0, 1, 1], [], []>, transpose_lhs_hint = false} : vector<128x128xf32>, vector<128x64xf32>, vector<128x64xf32> -> vector<128x64xf32>
    %mul3A_328 = arith.mulf %dot_general3A_327, %convert_element_type3A_320 : vector<128x64xf32>
    %reduce_sum3A_329 = arith.constant dense<0.000000e+00> : vector<128xf32>
    %reduce_sum3A_330 = vector.multi_reduction <add>, %mul3A_328, %reduce_sum3A_329 [1] : vector<128x64xf32> to vector<128xf32>
    %broadcast_in_dim3A_331 = vector.shape_cast %reduce_sum3A_330 : vector<128xf32> to vector<128x1xf32>
    %add3A_332 = arith.addf %broadcast_in_dim3A_325, %broadcast_in_dim3A_331 : vector<128x1xf32>
    %reduce_sum3A_333 = arith.constant dense<0.000000e+00> : vector<64xf32>
    %reduce_sum3A_334 = vector.multi_reduction <add>, %convert_element_type3A_320, %reduce_sum3A_333 [0] : vector<128x64xf32> to vector<64xf32>
    %broadcast_in_dim3A_335 = vector.shape_cast %reduce_sum3A_334 : vector<64xf32> to vector<1x64xf32>
    %add3A_336 = arith.addf %add3A_315, %broadcast_in_dim3A_335 : vector<1x64xf32>
    %slice3A_337 = vector.extract_strided_slice %broadcast_in_dim3A_14 {offsets = [1792, 0], sizes = [128, 1], strides = [1, 1]} : vector<2048x1xi32> to vector<128x1xi32>
    %eq3A_338 = vector.broadcast %slice3A_337 : vector<128x1xi32> to vector<128x64xi32>
    %eq3A_339 = arith.cmpi eq, %eq3A_338, %iota3A_40 : vector<128x64xi32>
    %convert_element_type3A_340 = arith.extui %eq3A_339 : vector<128x64xi1> to vector<128x64xi32>
    %convert_element_type3A_341 = arith.sitofp %convert_element_type3A_340 : vector<128x64xi32> to vector<128x64xf32>
    %mul3A_342 = vector.broadcast %add3A_336 : vector<1x64xf32> to vector<128x64xf32>
    %mul3A_343 = arith.mulf %mul3A_342, %convert_element_type3A_341 : vector<128x64xf32>
    %reduce_sum3A_344 = arith.constant dense<0.000000e+00> : vector<128xf32>
    %reduce_sum3A_345 = vector.multi_reduction <add>, %mul3A_343, %reduce_sum3A_344 [1] : vector<128x64xf32> to vector<128xf32>
    %broadcast_in_dim3A_346 = vector.shape_cast %reduce_sum3A_345 : vector<128xf32> to vector<128x1xf32>
    %dot_general3A_347 = arith.constant dense<0.000000e+00> : vector<128x64xf32>
    %dot_general3A_348 = tpu.matmul %convert_element_type3A_43, %convert_element_type3A_341, %dot_general3A_347 {dimension_numbers = #tpu.dot_dimension_numbers<[1], [0], [0], [1], [0, 0, 1, 1], [], []>, transpose_lhs_hint = false} : vector<128x128xf32>, vector<128x64xf32>, vector<128x64xf32> -> vector<128x64xf32>
    %mul3A_349 = arith.mulf %dot_general3A_348, %convert_element_type3A_341 : vector<128x64xf32>
    %reduce_sum3A_350 = arith.constant dense<0.000000e+00> : vector<128xf32>
    %reduce_sum3A_351 = vector.multi_reduction <add>, %mul3A_349, %reduce_sum3A_350 [1] : vector<128x64xf32> to vector<128xf32>
    %broadcast_in_dim3A_352 = vector.shape_cast %reduce_sum3A_351 : vector<128xf32> to vector<128x1xf32>
    %add3A_353 = arith.addf %broadcast_in_dim3A_346, %broadcast_in_dim3A_352 : vector<128x1xf32>
    %reduce_sum3A_354 = arith.constant dense<0.000000e+00> : vector<64xf32>
    %reduce_sum3A_355 = vector.multi_reduction <add>, %convert_element_type3A_341, %reduce_sum3A_354 [0] : vector<128x64xf32> to vector<64xf32>
    %broadcast_in_dim3A_356 = vector.shape_cast %reduce_sum3A_355 : vector<64xf32> to vector<1x64xf32>
    %add3A_357 = arith.addf %add3A_336, %broadcast_in_dim3A_356 : vector<1x64xf32>
    %slice3A_358 = vector.extract_strided_slice %broadcast_in_dim3A_14 {offsets = [1920, 0], sizes = [128, 1], strides = [1, 1]} : vector<2048x1xi32> to vector<128x1xi32>
    %eq3A_359 = vector.broadcast %slice3A_358 : vector<128x1xi32> to vector<128x64xi32>
    %eq3A_360 = arith.cmpi eq, %eq3A_359, %iota3A_40 : vector<128x64xi32>
    %convert_element_type3A_361 = arith.extui %eq3A_360 : vector<128x64xi1> to vector<128x64xi32>
    %convert_element_type3A_362 = arith.sitofp %convert_element_type3A_361 : vector<128x64xi32> to vector<128x64xf32>
    %mul3A_363 = vector.broadcast %add3A_357 : vector<1x64xf32> to vector<128x64xf32>
    %mul3A_364 = arith.mulf %mul3A_363, %convert_element_type3A_362 : vector<128x64xf32>
    %reduce_sum3A_365 = arith.constant dense<0.000000e+00> : vector<128xf32>
    %reduce_sum3A_366 = vector.multi_reduction <add>, %mul3A_364, %reduce_sum3A_365 [1] : vector<128x64xf32> to vector<128xf32>
    %broadcast_in_dim3A_367 = vector.shape_cast %reduce_sum3A_366 : vector<128xf32> to vector<128x1xf32>
    %dot_general3A_368 = arith.constant dense<0.000000e+00> : vector<128x64xf32>
    %dot_general3A_369 = tpu.matmul %convert_element_type3A_43, %convert_element_type3A_362, %dot_general3A_368 {dimension_numbers = #tpu.dot_dimension_numbers<[1], [0], [0], [1], [0, 0, 1, 1], [], []>, transpose_lhs_hint = false} : vector<128x128xf32>, vector<128x64xf32>, vector<128x64xf32> -> vector<128x64xf32>
    %mul3A_370 = arith.mulf %dot_general3A_369, %convert_element_type3A_362 : vector<128x64xf32>
    %reduce_sum3A_371 = arith.constant dense<0.000000e+00> : vector<128xf32>
    %reduce_sum3A_372 = vector.multi_reduction <add>, %mul3A_370, %reduce_sum3A_371 [1] : vector<128x64xf32> to vector<128xf32>
    %broadcast_in_dim3A_373 = vector.shape_cast %reduce_sum3A_372 : vector<128xf32> to vector<128x1xf32>
    %add3A_374 = arith.addf %broadcast_in_dim3A_367, %broadcast_in_dim3A_373 : vector<128x1xf32>
    %reduce_sum3A_375 = arith.constant dense<0.000000e+00> : vector<64xf32>
    %reduce_sum3A_376 = vector.multi_reduction <add>, %convert_element_type3A_362, %reduce_sum3A_375 [0] : vector<128x64xf32> to vector<64xf32>
    %broadcast_in_dim3A_377 = vector.shape_cast %reduce_sum3A_376 : vector<64xf32> to vector<1x64xf32>
    %add3A_378 = arith.addf %add3A_357, %broadcast_in_dim3A_377 : vector<1x64xf32>
    %slice3A_379 = vector.extract_strided_slice %broadcast_in_dim3A_30 {offsets = [0, 0], sizes = [128, 1], strides = [1, 1]} : vector<2048x1xi32> to vector<128x1xi32>
    %eq3A_380 = vector.broadcast %slice3A_379 : vector<128x1xi32> to vector<128x64xi32>
    %eq3A_381 = arith.cmpi eq, %eq3A_380, %iota3A_40 : vector<128x64xi32>
    %convert_element_type3A_382 = arith.extui %eq3A_381 : vector<128x64xi1> to vector<128x64xi32>
    %convert_element_type3A_383 = arith.sitofp %convert_element_type3A_382 : vector<128x64xi32> to vector<128x64xf32>
    %mul3A_384 = vector.broadcast %add3A_378 : vector<1x64xf32> to vector<128x64xf32>
    %mul3A_385 = arith.mulf %mul3A_384, %convert_element_type3A_383 : vector<128x64xf32>
    %reduce_sum3A_386 = arith.constant dense<0.000000e+00> : vector<128xf32>
    %reduce_sum3A_387 = vector.multi_reduction <add>, %mul3A_385, %reduce_sum3A_386 [1] : vector<128x64xf32> to vector<128xf32>
    %broadcast_in_dim3A_388 = vector.shape_cast %reduce_sum3A_387 : vector<128xf32> to vector<128x1xf32>
    %dot_general3A_389 = arith.constant dense<0.000000e+00> : vector<128x64xf32>
    %dot_general3A_390 = tpu.matmul %convert_element_type3A_43, %convert_element_type3A_383, %dot_general3A_389 {dimension_numbers = #tpu.dot_dimension_numbers<[1], [0], [0], [1], [0, 0, 1, 1], [], []>, transpose_lhs_hint = false} : vector<128x128xf32>, vector<128x64xf32>, vector<128x64xf32> -> vector<128x64xf32>
    %mul3A_391 = arith.mulf %dot_general3A_390, %convert_element_type3A_383 : vector<128x64xf32>
    %reduce_sum3A_392 = arith.constant dense<0.000000e+00> : vector<128xf32>
    %reduce_sum3A_393 = vector.multi_reduction <add>, %mul3A_391, %reduce_sum3A_392 [1] : vector<128x64xf32> to vector<128xf32>
    %broadcast_in_dim3A_394 = vector.shape_cast %reduce_sum3A_393 : vector<128xf32> to vector<128x1xf32>
    %add3A_395 = arith.addf %broadcast_in_dim3A_388, %broadcast_in_dim3A_394 : vector<128x1xf32>
    %reduce_sum3A_396 = arith.constant dense<0.000000e+00> : vector<64xf32>
    %reduce_sum3A_397 = vector.multi_reduction <add>, %convert_element_type3A_383, %reduce_sum3A_396 [0] : vector<128x64xf32> to vector<64xf32>
    %broadcast_in_dim3A_398 = vector.shape_cast %reduce_sum3A_397 : vector<64xf32> to vector<1x64xf32>
    %add3A_399 = arith.addf %add3A_378, %broadcast_in_dim3A_398 : vector<1x64xf32>
    %slice3A_400 = vector.extract_strided_slice %broadcast_in_dim3A_30 {offsets = [128, 0], sizes = [128, 1], strides = [1, 1]} : vector<2048x1xi32> to vector<128x1xi32>
    %eq3A_401 = vector.broadcast %slice3A_400 : vector<128x1xi32> to vector<128x64xi32>
    %eq3A_402 = arith.cmpi eq, %eq3A_401, %iota3A_40 : vector<128x64xi32>
    %convert_element_type3A_403 = arith.extui %eq3A_402 : vector<128x64xi1> to vector<128x64xi32>
    %convert_element_type3A_404 = arith.sitofp %convert_element_type3A_403 : vector<128x64xi32> to vector<128x64xf32>
    %mul3A_405 = vector.broadcast %add3A_399 : vector<1x64xf32> to vector<128x64xf32>
    %mul3A_406 = arith.mulf %mul3A_405, %convert_element_type3A_404 : vector<128x64xf32>
    %reduce_sum3A_407 = arith.constant dense<0.000000e+00> : vector<128xf32>
    %reduce_sum3A_408 = vector.multi_reduction <add>, %mul3A_406, %reduce_sum3A_407 [1] : vector<128x64xf32> to vector<128xf32>
    %broadcast_in_dim3A_409 = vector.shape_cast %reduce_sum3A_408 : vector<128xf32> to vector<128x1xf32>
    %dot_general3A_410 = arith.constant dense<0.000000e+00> : vector<128x64xf32>
    %dot_general3A_411 = tpu.matmul %convert_element_type3A_43, %convert_element_type3A_404, %dot_general3A_410 {dimension_numbers = #tpu.dot_dimension_numbers<[1], [0], [0], [1], [0, 0, 1, 1], [], []>, transpose_lhs_hint = false} : vector<128x128xf32>, vector<128x64xf32>, vector<128x64xf32> -> vector<128x64xf32>
    %mul3A_412 = arith.mulf %dot_general3A_411, %convert_element_type3A_404 : vector<128x64xf32>
    %reduce_sum3A_413 = arith.constant dense<0.000000e+00> : vector<128xf32>
    %reduce_sum3A_414 = vector.multi_reduction <add>, %mul3A_412, %reduce_sum3A_413 [1] : vector<128x64xf32> to vector<128xf32>
    %broadcast_in_dim3A_415 = vector.shape_cast %reduce_sum3A_414 : vector<128xf32> to vector<128x1xf32>
    %add3A_416 = arith.addf %broadcast_in_dim3A_409, %broadcast_in_dim3A_415 : vector<128x1xf32>
    %reduce_sum3A_417 = arith.constant dense<0.000000e+00> : vector<64xf32>
    %reduce_sum3A_418 = vector.multi_reduction <add>, %convert_element_type3A_404, %reduce_sum3A_417 [0] : vector<128x64xf32> to vector<64xf32>
    %broadcast_in_dim3A_419 = vector.shape_cast %reduce_sum3A_418 : vector<64xf32> to vector<1x64xf32>
    %add3A_420 = arith.addf %add3A_399, %broadcast_in_dim3A_419 : vector<1x64xf32>
    %slice3A_421 = vector.extract_strided_slice %broadcast_in_dim3A_30 {offsets = [256, 0], sizes = [128, 1], strides = [1, 1]} : vector<2048x1xi32> to vector<128x1xi32>
    %eq3A_422 = vector.broadcast %slice3A_421 : vector<128x1xi32> to vector<128x64xi32>
    %eq3A_423 = arith.cmpi eq, %eq3A_422, %iota3A_40 : vector<128x64xi32>
    %convert_element_type3A_424 = arith.extui %eq3A_423 : vector<128x64xi1> to vector<128x64xi32>
    %convert_element_type3A_425 = arith.sitofp %convert_element_type3A_424 : vector<128x64xi32> to vector<128x64xf32>
    %mul3A_426 = vector.broadcast %add3A_420 : vector<1x64xf32> to vector<128x64xf32>
    %mul3A_427 = arith.mulf %mul3A_426, %convert_element_type3A_425 : vector<128x64xf32>
    %reduce_sum3A_428 = arith.constant dense<0.000000e+00> : vector<128xf32>
    %reduce_sum3A_429 = vector.multi_reduction <add>, %mul3A_427, %reduce_sum3A_428 [1] : vector<128x64xf32> to vector<128xf32>
    %broadcast_in_dim3A_430 = vector.shape_cast %reduce_sum3A_429 : vector<128xf32> to vector<128x1xf32>
    %dot_general3A_431 = arith.constant dense<0.000000e+00> : vector<128x64xf32>
    %dot_general3A_432 = tpu.matmul %convert_element_type3A_43, %convert_element_type3A_425, %dot_general3A_431 {dimension_numbers = #tpu.dot_dimension_numbers<[1], [0], [0], [1], [0, 0, 1, 1], [], []>, transpose_lhs_hint = false} : vector<128x128xf32>, vector<128x64xf32>, vector<128x64xf32> -> vector<128x64xf32>
    %mul3A_433 = arith.mulf %dot_general3A_432, %convert_element_type3A_425 : vector<128x64xf32>
    %reduce_sum3A_434 = arith.constant dense<0.000000e+00> : vector<128xf32>
    %reduce_sum3A_435 = vector.multi_reduction <add>, %mul3A_433, %reduce_sum3A_434 [1] : vector<128x64xf32> to vector<128xf32>
    %broadcast_in_dim3A_436 = vector.shape_cast %reduce_sum3A_435 : vector<128xf32> to vector<128x1xf32>
    %add3A_437 = arith.addf %broadcast_in_dim3A_430, %broadcast_in_dim3A_436 : vector<128x1xf32>
    %reduce_sum3A_438 = arith.constant dense<0.000000e+00> : vector<64xf32>
    %reduce_sum3A_439 = vector.multi_reduction <add>, %convert_element_type3A_425, %reduce_sum3A_438 [0] : vector<128x64xf32> to vector<64xf32>
    %broadcast_in_dim3A_440 = vector.shape_cast %reduce_sum3A_439 : vector<64xf32> to vector<1x64xf32>
    %add3A_441 = arith.addf %add3A_420, %broadcast_in_dim3A_440 : vector<1x64xf32>
    %slice3A_442 = vector.extract_strided_slice %broadcast_in_dim3A_30 {offsets = [384, 0], sizes = [128, 1], strides = [1, 1]} : vector<2048x1xi32> to vector<128x1xi32>
    %eq3A_443 = vector.broadcast %slice3A_442 : vector<128x1xi32> to vector<128x64xi32>
    %eq3A_444 = arith.cmpi eq, %eq3A_443, %iota3A_40 : vector<128x64xi32>
    %convert_element_type3A_445 = arith.extui %eq3A_444 : vector<128x64xi1> to vector<128x64xi32>
    %convert_element_type3A_446 = arith.sitofp %convert_element_type3A_445 : vector<128x64xi32> to vector<128x64xf32>
    %mul3A_447 = vector.broadcast %add3A_441 : vector<1x64xf32> to vector<128x64xf32>
    %mul3A_448 = arith.mulf %mul3A_447, %convert_element_type3A_446 : vector<128x64xf32>
    %reduce_sum3A_449 = arith.constant dense<0.000000e+00> : vector<128xf32>
    %reduce_sum3A_450 = vector.multi_reduction <add>, %mul3A_448, %reduce_sum3A_449 [1] : vector<128x64xf32> to vector<128xf32>
    %broadcast_in_dim3A_451 = vector.shape_cast %reduce_sum3A_450 : vector<128xf32> to vector<128x1xf32>
    %dot_general3A_452 = arith.constant dense<0.000000e+00> : vector<128x64xf32>
    %dot_general3A_453 = tpu.matmul %convert_element_type3A_43, %convert_element_type3A_446, %dot_general3A_452 {dimension_numbers = #tpu.dot_dimension_numbers<[1], [0], [0], [1], [0, 0, 1, 1], [], []>, transpose_lhs_hint = false} : vector<128x128xf32>, vector<128x64xf32>, vector<128x64xf32> -> vector<128x64xf32>
    %mul3A_454 = arith.mulf %dot_general3A_453, %convert_element_type3A_446 : vector<128x64xf32>
    %reduce_sum3A_455 = arith.constant dense<0.000000e+00> : vector<128xf32>
    %reduce_sum3A_456 = vector.multi_reduction <add>, %mul3A_454, %reduce_sum3A_455 [1] : vector<128x64xf32> to vector<128xf32>
    %broadcast_in_dim3A_457 = vector.shape_cast %reduce_sum3A_456 : vector<128xf32> to vector<128x1xf32>
    %add3A_458 = arith.addf %broadcast_in_dim3A_451, %broadcast_in_dim3A_457 : vector<128x1xf32>
    %reduce_sum3A_459 = arith.constant dense<0.000000e+00> : vector<64xf32>
    %reduce_sum3A_460 = vector.multi_reduction <add>, %convert_element_type3A_446, %reduce_sum3A_459 [0] : vector<128x64xf32> to vector<64xf32>
    %broadcast_in_dim3A_461 = vector.shape_cast %reduce_sum3A_460 : vector<64xf32> to vector<1x64xf32>
    %add3A_462 = arith.addf %add3A_441, %broadcast_in_dim3A_461 : vector<1x64xf32>
    %slice3A_463 = vector.extract_strided_slice %broadcast_in_dim3A_30 {offsets = [512, 0], sizes = [128, 1], strides = [1, 1]} : vector<2048x1xi32> to vector<128x1xi32>
    %eq3A_464 = vector.broadcast %slice3A_463 : vector<128x1xi32> to vector<128x64xi32>
    %eq3A_465 = arith.cmpi eq, %eq3A_464, %iota3A_40 : vector<128x64xi32>
    %convert_element_type3A_466 = arith.extui %eq3A_465 : vector<128x64xi1> to vector<128x64xi32>
    %convert_element_type3A_467 = arith.sitofp %convert_element_type3A_466 : vector<128x64xi32> to vector<128x64xf32>
    %mul3A_468 = vector.broadcast %add3A_462 : vector<1x64xf32> to vector<128x64xf32>
    %mul3A_469 = arith.mulf %mul3A_468, %convert_element_type3A_467 : vector<128x64xf32>
    %reduce_sum3A_470 = arith.constant dense<0.000000e+00> : vector<128xf32>
    %reduce_sum3A_471 = vector.multi_reduction <add>, %mul3A_469, %reduce_sum3A_470 [1] : vector<128x64xf32> to vector<128xf32>
    %broadcast_in_dim3A_472 = vector.shape_cast %reduce_sum3A_471 : vector<128xf32> to vector<128x1xf32>
    %dot_general3A_473 = arith.constant dense<0.000000e+00> : vector<128x64xf32>
    %dot_general3A_474 = tpu.matmul %convert_element_type3A_43, %convert_element_type3A_467, %dot_general3A_473 {dimension_numbers = #tpu.dot_dimension_numbers<[1], [0], [0], [1], [0, 0, 1, 1], [], []>, transpose_lhs_hint = false} : vector<128x128xf32>, vector<128x64xf32>, vector<128x64xf32> -> vector<128x64xf32>
    %mul3A_475 = arith.mulf %dot_general3A_474, %convert_element_type3A_467 : vector<128x64xf32>
    %reduce_sum3A_476 = arith.constant dense<0.000000e+00> : vector<128xf32>
    %reduce_sum3A_477 = vector.multi_reduction <add>, %mul3A_475, %reduce_sum3A_476 [1] : vector<128x64xf32> to vector<128xf32>
    %broadcast_in_dim3A_478 = vector.shape_cast %reduce_sum3A_477 : vector<128xf32> to vector<128x1xf32>
    %add3A_479 = arith.addf %broadcast_in_dim3A_472, %broadcast_in_dim3A_478 : vector<128x1xf32>
    %reduce_sum3A_480 = arith.constant dense<0.000000e+00> : vector<64xf32>
    %reduce_sum3A_481 = vector.multi_reduction <add>, %convert_element_type3A_467, %reduce_sum3A_480 [0] : vector<128x64xf32> to vector<64xf32>
    %broadcast_in_dim3A_482 = vector.shape_cast %reduce_sum3A_481 : vector<64xf32> to vector<1x64xf32>
    %add3A_483 = arith.addf %add3A_462, %broadcast_in_dim3A_482 : vector<1x64xf32>
    %slice3A_484 = vector.extract_strided_slice %broadcast_in_dim3A_30 {offsets = [640, 0], sizes = [128, 1], strides = [1, 1]} : vector<2048x1xi32> to vector<128x1xi32>
    %eq3A_485 = vector.broadcast %slice3A_484 : vector<128x1xi32> to vector<128x64xi32>
    %eq3A_486 = arith.cmpi eq, %eq3A_485, %iota3A_40 : vector<128x64xi32>
    %convert_element_type3A_487 = arith.extui %eq3A_486 : vector<128x64xi1> to vector<128x64xi32>
    %convert_element_type3A_488 = arith.sitofp %convert_element_type3A_487 : vector<128x64xi32> to vector<128x64xf32>
    %mul3A_489 = vector.broadcast %add3A_483 : vector<1x64xf32> to vector<128x64xf32>
    %mul3A_490 = arith.mulf %mul3A_489, %convert_element_type3A_488 : vector<128x64xf32>
    %reduce_sum3A_491 = arith.constant dense<0.000000e+00> : vector<128xf32>
    %reduce_sum3A_492 = vector.multi_reduction <add>, %mul3A_490, %reduce_sum3A_491 [1] : vector<128x64xf32> to vector<128xf32>
    %broadcast_in_dim3A_493 = vector.shape_cast %reduce_sum3A_492 : vector<128xf32> to vector<128x1xf32>
    %dot_general3A_494 = arith.constant dense<0.000000e+00> : vector<128x64xf32>
    %dot_general3A_495 = tpu.matmul %convert_element_type3A_43, %convert_element_type3A_488, %dot_general3A_494 {dimension_numbers = #tpu.dot_dimension_numbers<[1], [0], [0], [1], [0, 0, 1, 1], [], []>, transpose_lhs_hint = false} : vector<128x128xf32>, vector<128x64xf32>, vector<128x64xf32> -> vector<128x64xf32>
    %mul3A_496 = arith.mulf %dot_general3A_495, %convert_element_type3A_488 : vector<128x64xf32>
    %reduce_sum3A_497 = arith.constant dense<0.000000e+00> : vector<128xf32>
    %reduce_sum3A_498 = vector.multi_reduction <add>, %mul3A_496, %reduce_sum3A_497 [1] : vector<128x64xf32> to vector<128xf32>
    %broadcast_in_dim3A_499 = vector.shape_cast %reduce_sum3A_498 : vector<128xf32> to vector<128x1xf32>
    %add3A_500 = arith.addf %broadcast_in_dim3A_493, %broadcast_in_dim3A_499 : vector<128x1xf32>
    %reduce_sum3A_501 = arith.constant dense<0.000000e+00> : vector<64xf32>
    %reduce_sum3A_502 = vector.multi_reduction <add>, %convert_element_type3A_488, %reduce_sum3A_501 [0] : vector<128x64xf32> to vector<64xf32>
    %broadcast_in_dim3A_503 = vector.shape_cast %reduce_sum3A_502 : vector<64xf32> to vector<1x64xf32>
    %add3A_504 = arith.addf %add3A_483, %broadcast_in_dim3A_503 : vector<1x64xf32>
    %slice3A_505 = vector.extract_strided_slice %broadcast_in_dim3A_30 {offsets = [768, 0], sizes = [128, 1], strides = [1, 1]} : vector<2048x1xi32> to vector<128x1xi32>
    %eq3A_506 = vector.broadcast %slice3A_505 : vector<128x1xi32> to vector<128x64xi32>
    %eq3A_507 = arith.cmpi eq, %eq3A_506, %iota3A_40 : vector<128x64xi32>
    %convert_element_type3A_508 = arith.extui %eq3A_507 : vector<128x64xi1> to vector<128x64xi32>
    %convert_element_type3A_509 = arith.sitofp %convert_element_type3A_508 : vector<128x64xi32> to vector<128x64xf32>
    %mul3A_510 = vector.broadcast %add3A_504 : vector<1x64xf32> to vector<128x64xf32>
    %mul3A_511 = arith.mulf %mul3A_510, %convert_element_type3A_509 : vector<128x64xf32>
    %reduce_sum3A_512 = arith.constant dense<0.000000e+00> : vector<128xf32>
    %reduce_sum3A_513 = vector.multi_reduction <add>, %mul3A_511, %reduce_sum3A_512 [1] : vector<128x64xf32> to vector<128xf32>
    %broadcast_in_dim3A_514 = vector.shape_cast %reduce_sum3A_513 : vector<128xf32> to vector<128x1xf32>
    %dot_general3A_515 = arith.constant dense<0.000000e+00> : vector<128x64xf32>
    %dot_general3A_516 = tpu.matmul %convert_element_type3A_43, %convert_element_type3A_509, %dot_general3A_515 {dimension_numbers = #tpu.dot_dimension_numbers<[1], [0], [0], [1], [0, 0, 1, 1], [], []>, transpose_lhs_hint = false} : vector<128x128xf32>, vector<128x64xf32>, vector<128x64xf32> -> vector<128x64xf32>
    %mul3A_517 = arith.mulf %dot_general3A_516, %convert_element_type3A_509 : vector<128x64xf32>
    %reduce_sum3A_518 = arith.constant dense<0.000000e+00> : vector<128xf32>
    %reduce_sum3A_519 = vector.multi_reduction <add>, %mul3A_517, %reduce_sum3A_518 [1] : vector<128x64xf32> to vector<128xf32>
    %broadcast_in_dim3A_520 = vector.shape_cast %reduce_sum3A_519 : vector<128xf32> to vector<128x1xf32>
    %add3A_521 = arith.addf %broadcast_in_dim3A_514, %broadcast_in_dim3A_520 : vector<128x1xf32>
    %reduce_sum3A_522 = arith.constant dense<0.000000e+00> : vector<64xf32>
    %reduce_sum3A_523 = vector.multi_reduction <add>, %convert_element_type3A_509, %reduce_sum3A_522 [0] : vector<128x64xf32> to vector<64xf32>
    %broadcast_in_dim3A_524 = vector.shape_cast %reduce_sum3A_523 : vector<64xf32> to vector<1x64xf32>
    %add3A_525 = arith.addf %add3A_504, %broadcast_in_dim3A_524 : vector<1x64xf32>
    %slice3A_526 = vector.extract_strided_slice %broadcast_in_dim3A_30 {offsets = [896, 0], sizes = [128, 1], strides = [1, 1]} : vector<2048x1xi32> to vector<128x1xi32>
    %eq3A_527 = vector.broadcast %slice3A_526 : vector<128x1xi32> to vector<128x64xi32>
    %eq3A_528 = arith.cmpi eq, %eq3A_527, %iota3A_40 : vector<128x64xi32>
    %convert_element_type3A_529 = arith.extui %eq3A_528 : vector<128x64xi1> to vector<128x64xi32>
    %convert_element_type3A_530 = arith.sitofp %convert_element_type3A_529 : vector<128x64xi32> to vector<128x64xf32>
    %mul3A_531 = vector.broadcast %add3A_525 : vector<1x64xf32> to vector<128x64xf32>
    %mul3A_532 = arith.mulf %mul3A_531, %convert_element_type3A_530 : vector<128x64xf32>
    %reduce_sum3A_533 = arith.constant dense<0.000000e+00> : vector<128xf32>
    %reduce_sum3A_534 = vector.multi_reduction <add>, %mul3A_532, %reduce_sum3A_533 [1] : vector<128x64xf32> to vector<128xf32>
    %broadcast_in_dim3A_535 = vector.shape_cast %reduce_sum3A_534 : vector<128xf32> to vector<128x1xf32>
    %dot_general3A_536 = arith.constant dense<0.000000e+00> : vector<128x64xf32>
    %dot_general3A_537 = tpu.matmul %convert_element_type3A_43, %convert_element_type3A_530, %dot_general3A_536 {dimension_numbers = #tpu.dot_dimension_numbers<[1], [0], [0], [1], [0, 0, 1, 1], [], []>, transpose_lhs_hint = false} : vector<128x128xf32>, vector<128x64xf32>, vector<128x64xf32> -> vector<128x64xf32>
    %mul3A_538 = arith.mulf %dot_general3A_537, %convert_element_type3A_530 : vector<128x64xf32>
    %reduce_sum3A_539 = arith.constant dense<0.000000e+00> : vector<128xf32>
    %reduce_sum3A_540 = vector.multi_reduction <add>, %mul3A_538, %reduce_sum3A_539 [1] : vector<128x64xf32> to vector<128xf32>
    %broadcast_in_dim3A_541 = vector.shape_cast %reduce_sum3A_540 : vector<128xf32> to vector<128x1xf32>
    %add3A_542 = arith.addf %broadcast_in_dim3A_535, %broadcast_in_dim3A_541 : vector<128x1xf32>
    %reduce_sum3A_543 = arith.constant dense<0.000000e+00> : vector<64xf32>
    %reduce_sum3A_544 = vector.multi_reduction <add>, %convert_element_type3A_530, %reduce_sum3A_543 [0] : vector<128x64xf32> to vector<64xf32>
    %broadcast_in_dim3A_545 = vector.shape_cast %reduce_sum3A_544 : vector<64xf32> to vector<1x64xf32>
    %add3A_546 = arith.addf %add3A_525, %broadcast_in_dim3A_545 : vector<1x64xf32>
    %slice3A_547 = vector.extract_strided_slice %broadcast_in_dim3A_30 {offsets = [1024, 0], sizes = [128, 1], strides = [1, 1]} : vector<2048x1xi32> to vector<128x1xi32>
    %eq3A_548 = vector.broadcast %slice3A_547 : vector<128x1xi32> to vector<128x64xi32>
    %eq3A_549 = arith.cmpi eq, %eq3A_548, %iota3A_40 : vector<128x64xi32>
    %convert_element_type3A_550 = arith.extui %eq3A_549 : vector<128x64xi1> to vector<128x64xi32>
    %convert_element_type3A_551 = arith.sitofp %convert_element_type3A_550 : vector<128x64xi32> to vector<128x64xf32>
    %mul3A_552 = vector.broadcast %add3A_546 : vector<1x64xf32> to vector<128x64xf32>
    %mul3A_553 = arith.mulf %mul3A_552, %convert_element_type3A_551 : vector<128x64xf32>
    %reduce_sum3A_554 = arith.constant dense<0.000000e+00> : vector<128xf32>
    %reduce_sum3A_555 = vector.multi_reduction <add>, %mul3A_553, %reduce_sum3A_554 [1] : vector<128x64xf32> to vector<128xf32>
    %broadcast_in_dim3A_556 = vector.shape_cast %reduce_sum3A_555 : vector<128xf32> to vector<128x1xf32>
    %dot_general3A_557 = arith.constant dense<0.000000e+00> : vector<128x64xf32>
    %dot_general3A_558 = tpu.matmul %convert_element_type3A_43, %convert_element_type3A_551, %dot_general3A_557 {dimension_numbers = #tpu.dot_dimension_numbers<[1], [0], [0], [1], [0, 0, 1, 1], [], []>, transpose_lhs_hint = false} : vector<128x128xf32>, vector<128x64xf32>, vector<128x64xf32> -> vector<128x64xf32>
    %mul3A_559 = arith.mulf %dot_general3A_558, %convert_element_type3A_551 : vector<128x64xf32>
    %reduce_sum3A_560 = arith.constant dense<0.000000e+00> : vector<128xf32>
    %reduce_sum3A_561 = vector.multi_reduction <add>, %mul3A_559, %reduce_sum3A_560 [1] : vector<128x64xf32> to vector<128xf32>
    %broadcast_in_dim3A_562 = vector.shape_cast %reduce_sum3A_561 : vector<128xf32> to vector<128x1xf32>
    %add3A_563 = arith.addf %broadcast_in_dim3A_556, %broadcast_in_dim3A_562 : vector<128x1xf32>
    %reduce_sum3A_564 = arith.constant dense<0.000000e+00> : vector<64xf32>
    %reduce_sum3A_565 = vector.multi_reduction <add>, %convert_element_type3A_551, %reduce_sum3A_564 [0] : vector<128x64xf32> to vector<64xf32>
    %broadcast_in_dim3A_566 = vector.shape_cast %reduce_sum3A_565 : vector<64xf32> to vector<1x64xf32>
    %add3A_567 = arith.addf %add3A_546, %broadcast_in_dim3A_566 : vector<1x64xf32>
    %slice3A_568 = vector.extract_strided_slice %broadcast_in_dim3A_30 {offsets = [1152, 0], sizes = [128, 1], strides = [1, 1]} : vector<2048x1xi32> to vector<128x1xi32>
    %eq3A_569 = vector.broadcast %slice3A_568 : vector<128x1xi32> to vector<128x64xi32>
    %eq3A_570 = arith.cmpi eq, %eq3A_569, %iota3A_40 : vector<128x64xi32>
    %convert_element_type3A_571 = arith.extui %eq3A_570 : vector<128x64xi1> to vector<128x64xi32>
    %convert_element_type3A_572 = arith.sitofp %convert_element_type3A_571 : vector<128x64xi32> to vector<128x64xf32>
    %mul3A_573 = vector.broadcast %add3A_567 : vector<1x64xf32> to vector<128x64xf32>
    %mul3A_574 = arith.mulf %mul3A_573, %convert_element_type3A_572 : vector<128x64xf32>
    %reduce_sum3A_575 = arith.constant dense<0.000000e+00> : vector<128xf32>
    %reduce_sum3A_576 = vector.multi_reduction <add>, %mul3A_574, %reduce_sum3A_575 [1] : vector<128x64xf32> to vector<128xf32>
    %broadcast_in_dim3A_577 = vector.shape_cast %reduce_sum3A_576 : vector<128xf32> to vector<128x1xf32>
    %dot_general3A_578 = arith.constant dense<0.000000e+00> : vector<128x64xf32>
    %dot_general3A_579 = tpu.matmul %convert_element_type3A_43, %convert_element_type3A_572, %dot_general3A_578 {dimension_numbers = #tpu.dot_dimension_numbers<[1], [0], [0], [1], [0, 0, 1, 1], [], []>, transpose_lhs_hint = false} : vector<128x128xf32>, vector<128x64xf32>, vector<128x64xf32> -> vector<128x64xf32>
    %mul3A_580 = arith.mulf %dot_general3A_579, %convert_element_type3A_572 : vector<128x64xf32>
    %reduce_sum3A_581 = arith.constant dense<0.000000e+00> : vector<128xf32>
    %reduce_sum3A_582 = vector.multi_reduction <add>, %mul3A_580, %reduce_sum3A_581 [1] : vector<128x64xf32> to vector<128xf32>
    %broadcast_in_dim3A_583 = vector.shape_cast %reduce_sum3A_582 : vector<128xf32> to vector<128x1xf32>
    %add3A_584 = arith.addf %broadcast_in_dim3A_577, %broadcast_in_dim3A_583 : vector<128x1xf32>
    %reduce_sum3A_585 = arith.constant dense<0.000000e+00> : vector<64xf32>
    %reduce_sum3A_586 = vector.multi_reduction <add>, %convert_element_type3A_572, %reduce_sum3A_585 [0] : vector<128x64xf32> to vector<64xf32>
    %broadcast_in_dim3A_587 = vector.shape_cast %reduce_sum3A_586 : vector<64xf32> to vector<1x64xf32>
    %add3A_588 = arith.addf %add3A_567, %broadcast_in_dim3A_587 : vector<1x64xf32>
    %slice3A_589 = vector.extract_strided_slice %broadcast_in_dim3A_30 {offsets = [1280, 0], sizes = [128, 1], strides = [1, 1]} : vector<2048x1xi32> to vector<128x1xi32>
    %eq3A_590 = vector.broadcast %slice3A_589 : vector<128x1xi32> to vector<128x64xi32>
    %eq3A_591 = arith.cmpi eq, %eq3A_590, %iota3A_40 : vector<128x64xi32>
    %convert_element_type3A_592 = arith.extui %eq3A_591 : vector<128x64xi1> to vector<128x64xi32>
    %convert_element_type3A_593 = arith.sitofp %convert_element_type3A_592 : vector<128x64xi32> to vector<128x64xf32>
    %mul3A_594 = vector.broadcast %add3A_588 : vector<1x64xf32> to vector<128x64xf32>
    %mul3A_595 = arith.mulf %mul3A_594, %convert_element_type3A_593 : vector<128x64xf32>
    %reduce_sum3A_596 = arith.constant dense<0.000000e+00> : vector<128xf32>
    %reduce_sum3A_597 = vector.multi_reduction <add>, %mul3A_595, %reduce_sum3A_596 [1] : vector<128x64xf32> to vector<128xf32>
    %broadcast_in_dim3A_598 = vector.shape_cast %reduce_sum3A_597 : vector<128xf32> to vector<128x1xf32>
    %dot_general3A_599 = arith.constant dense<0.000000e+00> : vector<128x64xf32>
    %dot_general3A_600 = tpu.matmul %convert_element_type3A_43, %convert_element_type3A_593, %dot_general3A_599 {dimension_numbers = #tpu.dot_dimension_numbers<[1], [0], [0], [1], [0, 0, 1, 1], [], []>, transpose_lhs_hint = false} : vector<128x128xf32>, vector<128x64xf32>, vector<128x64xf32> -> vector<128x64xf32>
    %mul3A_601 = arith.mulf %dot_general3A_600, %convert_element_type3A_593 : vector<128x64xf32>
    %reduce_sum3A_602 = arith.constant dense<0.000000e+00> : vector<128xf32>
    %reduce_sum3A_603 = vector.multi_reduction <add>, %mul3A_601, %reduce_sum3A_602 [1] : vector<128x64xf32> to vector<128xf32>
    %broadcast_in_dim3A_604 = vector.shape_cast %reduce_sum3A_603 : vector<128xf32> to vector<128x1xf32>
    %add3A_605 = arith.addf %broadcast_in_dim3A_598, %broadcast_in_dim3A_604 : vector<128x1xf32>
    %reduce_sum3A_606 = arith.constant dense<0.000000e+00> : vector<64xf32>
    %reduce_sum3A_607 = vector.multi_reduction <add>, %convert_element_type3A_593, %reduce_sum3A_606 [0] : vector<128x64xf32> to vector<64xf32>
    %broadcast_in_dim3A_608 = vector.shape_cast %reduce_sum3A_607 : vector<64xf32> to vector<1x64xf32>
    %add3A_609 = arith.addf %add3A_588, %broadcast_in_dim3A_608 : vector<1x64xf32>
    %slice3A_610 = vector.extract_strided_slice %broadcast_in_dim3A_30 {offsets = [1408, 0], sizes = [128, 1], strides = [1, 1]} : vector<2048x1xi32> to vector<128x1xi32>
    %eq3A_611 = vector.broadcast %slice3A_610 : vector<128x1xi32> to vector<128x64xi32>
    %eq3A_612 = arith.cmpi eq, %eq3A_611, %iota3A_40 : vector<128x64xi32>
    %convert_element_type3A_613 = arith.extui %eq3A_612 : vector<128x64xi1> to vector<128x64xi32>
    %convert_element_type3A_614 = arith.sitofp %convert_element_type3A_613 : vector<128x64xi32> to vector<128x64xf32>
    %mul3A_615 = vector.broadcast %add3A_609 : vector<1x64xf32> to vector<128x64xf32>
    %mul3A_616 = arith.mulf %mul3A_615, %convert_element_type3A_614 : vector<128x64xf32>
    %reduce_sum3A_617 = arith.constant dense<0.000000e+00> : vector<128xf32>
    %reduce_sum3A_618 = vector.multi_reduction <add>, %mul3A_616, %reduce_sum3A_617 [1] : vector<128x64xf32> to vector<128xf32>
    %broadcast_in_dim3A_619 = vector.shape_cast %reduce_sum3A_618 : vector<128xf32> to vector<128x1xf32>
    %dot_general3A_620 = arith.constant dense<0.000000e+00> : vector<128x64xf32>
    %dot_general3A_621 = tpu.matmul %convert_element_type3A_43, %convert_element_type3A_614, %dot_general3A_620 {dimension_numbers = #tpu.dot_dimension_numbers<[1], [0], [0], [1], [0, 0, 1, 1], [], []>, transpose_lhs_hint = false} : vector<128x128xf32>, vector<128x64xf32>, vector<128x64xf32> -> vector<128x64xf32>
    %mul3A_622 = arith.mulf %dot_general3A_621, %convert_element_type3A_614 : vector<128x64xf32>
    %reduce_sum3A_623 = arith.constant dense<0.000000e+00> : vector<128xf32>
    %reduce_sum3A_624 = vector.multi_reduction <add>, %mul3A_622, %reduce_sum3A_623 [1] : vector<128x64xf32> to vector<128xf32>
    %broadcast_in_dim3A_625 = vector.shape_cast %reduce_sum3A_624 : vector<128xf32> to vector<128x1xf32>
    %add3A_626 = arith.addf %broadcast_in_dim3A_619, %broadcast_in_dim3A_625 : vector<128x1xf32>
    %reduce_sum3A_627 = arith.constant dense<0.000000e+00> : vector<64xf32>
    %reduce_sum3A_628 = vector.multi_reduction <add>, %convert_element_type3A_614, %reduce_sum3A_627 [0] : vector<128x64xf32> to vector<64xf32>
    %broadcast_in_dim3A_629 = vector.shape_cast %reduce_sum3A_628 : vector<64xf32> to vector<1x64xf32>
    %add3A_630 = arith.addf %add3A_609, %broadcast_in_dim3A_629 : vector<1x64xf32>
    %slice3A_631 = vector.extract_strided_slice %broadcast_in_dim3A_30 {offsets = [1536, 0], sizes = [128, 1], strides = [1, 1]} : vector<2048x1xi32> to vector<128x1xi32>
    %eq3A_632 = vector.broadcast %slice3A_631 : vector<128x1xi32> to vector<128x64xi32>
    %eq3A_633 = arith.cmpi eq, %eq3A_632, %iota3A_40 : vector<128x64xi32>
    %convert_element_type3A_634 = arith.extui %eq3A_633 : vector<128x64xi1> to vector<128x64xi32>
    %convert_element_type3A_635 = arith.sitofp %convert_element_type3A_634 : vector<128x64xi32> to vector<128x64xf32>
    %mul3A_636 = vector.broadcast %add3A_630 : vector<1x64xf32> to vector<128x64xf32>
    %mul3A_637 = arith.mulf %mul3A_636, %convert_element_type3A_635 : vector<128x64xf32>
    %reduce_sum3A_638 = arith.constant dense<0.000000e+00> : vector<128xf32>
    %reduce_sum3A_639 = vector.multi_reduction <add>, %mul3A_637, %reduce_sum3A_638 [1] : vector<128x64xf32> to vector<128xf32>
    %broadcast_in_dim3A_640 = vector.shape_cast %reduce_sum3A_639 : vector<128xf32> to vector<128x1xf32>
    %dot_general3A_641 = arith.constant dense<0.000000e+00> : vector<128x64xf32>
    %dot_general3A_642 = tpu.matmul %convert_element_type3A_43, %convert_element_type3A_635, %dot_general3A_641 {dimension_numbers = #tpu.dot_dimension_numbers<[1], [0], [0], [1], [0, 0, 1, 1], [], []>, transpose_lhs_hint = false} : vector<128x128xf32>, vector<128x64xf32>, vector<128x64xf32> -> vector<128x64xf32>
    %mul3A_643 = arith.mulf %dot_general3A_642, %convert_element_type3A_635 : vector<128x64xf32>
    %reduce_sum3A_644 = arith.constant dense<0.000000e+00> : vector<128xf32>
    %reduce_sum3A_645 = vector.multi_reduction <add>, %mul3A_643, %reduce_sum3A_644 [1] : vector<128x64xf32> to vector<128xf32>
    %broadcast_in_dim3A_646 = vector.shape_cast %reduce_sum3A_645 : vector<128xf32> to vector<128x1xf32>
    %add3A_647 = arith.addf %broadcast_in_dim3A_640, %broadcast_in_dim3A_646 : vector<128x1xf32>
    %reduce_sum3A_648 = arith.constant dense<0.000000e+00> : vector<64xf32>
    %reduce_sum3A_649 = vector.multi_reduction <add>, %convert_element_type3A_635, %reduce_sum3A_648 [0] : vector<128x64xf32> to vector<64xf32>
    %broadcast_in_dim3A_650 = vector.shape_cast %reduce_sum3A_649 : vector<64xf32> to vector<1x64xf32>
    %add3A_651 = arith.addf %add3A_630, %broadcast_in_dim3A_650 : vector<1x64xf32>
    %slice3A_652 = vector.extract_strided_slice %broadcast_in_dim3A_30 {offsets = [1664, 0], sizes = [128, 1], strides = [1, 1]} : vector<2048x1xi32> to vector<128x1xi32>
    %eq3A_653 = vector.broadcast %slice3A_652 : vector<128x1xi32> to vector<128x64xi32>
    %eq3A_654 = arith.cmpi eq, %eq3A_653, %iota3A_40 : vector<128x64xi32>
    %convert_element_type3A_655 = arith.extui %eq3A_654 : vector<128x64xi1> to vector<128x64xi32>
    %convert_element_type3A_656 = arith.sitofp %convert_element_type3A_655 : vector<128x64xi32> to vector<128x64xf32>
    %mul3A_657 = vector.broadcast %add3A_651 : vector<1x64xf32> to vector<128x64xf32>
    %mul3A_658 = arith.mulf %mul3A_657, %convert_element_type3A_656 : vector<128x64xf32>
    %reduce_sum3A_659 = arith.constant dense<0.000000e+00> : vector<128xf32>
    %reduce_sum3A_660 = vector.multi_reduction <add>, %mul3A_658, %reduce_sum3A_659 [1] : vector<128x64xf32> to vector<128xf32>
    %broadcast_in_dim3A_661 = vector.shape_cast %reduce_sum3A_660 : vector<128xf32> to vector<128x1xf32>
    %dot_general3A_662 = arith.constant dense<0.000000e+00> : vector<128x64xf32>
    %dot_general3A_663 = tpu.matmul %convert_element_type3A_43, %convert_element_type3A_656, %dot_general3A_662 {dimension_numbers = #tpu.dot_dimension_numbers<[1], [0], [0], [1], [0, 0, 1, 1], [], []>, transpose_lhs_hint = false} : vector<128x128xf32>, vector<128x64xf32>, vector<128x64xf32> -> vector<128x64xf32>
    %mul3A_664 = arith.mulf %dot_general3A_663, %convert_element_type3A_656 : vector<128x64xf32>
    %reduce_sum3A_665 = arith.constant dense<0.000000e+00> : vector<128xf32>
    %reduce_sum3A_666 = vector.multi_reduction <add>, %mul3A_664, %reduce_sum3A_665 [1] : vector<128x64xf32> to vector<128xf32>
    %broadcast_in_dim3A_667 = vector.shape_cast %reduce_sum3A_666 : vector<128xf32> to vector<128x1xf32>
    %add3A_668 = arith.addf %broadcast_in_dim3A_661, %broadcast_in_dim3A_667 : vector<128x1xf32>
    %reduce_sum3A_669 = arith.constant dense<0.000000e+00> : vector<64xf32>
    %reduce_sum3A_670 = vector.multi_reduction <add>, %convert_element_type3A_656, %reduce_sum3A_669 [0] : vector<128x64xf32> to vector<64xf32>
    %broadcast_in_dim3A_671 = vector.shape_cast %reduce_sum3A_670 : vector<64xf32> to vector<1x64xf32>
    %add3A_672 = arith.addf %add3A_651, %broadcast_in_dim3A_671 : vector<1x64xf32>
    %slice3A_673 = vector.extract_strided_slice %broadcast_in_dim3A_30 {offsets = [1792, 0], sizes = [128, 1], strides = [1, 1]} : vector<2048x1xi32> to vector<128x1xi32>
    %eq3A_674 = vector.broadcast %slice3A_673 : vector<128x1xi32> to vector<128x64xi32>
    %eq3A_675 = arith.cmpi eq, %eq3A_674, %iota3A_40 : vector<128x64xi32>
    %convert_element_type3A_676 = arith.extui %eq3A_675 : vector<128x64xi1> to vector<128x64xi32>
    %convert_element_type3A_677 = arith.sitofp %convert_element_type3A_676 : vector<128x64xi32> to vector<128x64xf32>
    %mul3A_678 = vector.broadcast %add3A_672 : vector<1x64xf32> to vector<128x64xf32>
    %mul3A_679 = arith.mulf %mul3A_678, %convert_element_type3A_677 : vector<128x64xf32>
    %reduce_sum3A_680 = arith.constant dense<0.000000e+00> : vector<128xf32>
    %reduce_sum3A_681 = vector.multi_reduction <add>, %mul3A_679, %reduce_sum3A_680 [1] : vector<128x64xf32> to vector<128xf32>
    %broadcast_in_dim3A_682 = vector.shape_cast %reduce_sum3A_681 : vector<128xf32> to vector<128x1xf32>
    %dot_general3A_683 = arith.constant dense<0.000000e+00> : vector<128x64xf32>
    %dot_general3A_684 = tpu.matmul %convert_element_type3A_43, %convert_element_type3A_677, %dot_general3A_683 {dimension_numbers = #tpu.dot_dimension_numbers<[1], [0], [0], [1], [0, 0, 1, 1], [], []>, transpose_lhs_hint = false} : vector<128x128xf32>, vector<128x64xf32>, vector<128x64xf32> -> vector<128x64xf32>
    %mul3A_685 = arith.mulf %dot_general3A_684, %convert_element_type3A_677 : vector<128x64xf32>
    %reduce_sum3A_686 = arith.constant dense<0.000000e+00> : vector<128xf32>
    %reduce_sum3A_687 = vector.multi_reduction <add>, %mul3A_685, %reduce_sum3A_686 [1] : vector<128x64xf32> to vector<128xf32>
    %broadcast_in_dim3A_688 = vector.shape_cast %reduce_sum3A_687 : vector<128xf32> to vector<128x1xf32>
    %add3A_689 = arith.addf %broadcast_in_dim3A_682, %broadcast_in_dim3A_688 : vector<128x1xf32>
    %reduce_sum3A_690 = arith.constant dense<0.000000e+00> : vector<64xf32>
    %reduce_sum3A_691 = vector.multi_reduction <add>, %convert_element_type3A_677, %reduce_sum3A_690 [0] : vector<128x64xf32> to vector<64xf32>
    %broadcast_in_dim3A_692 = vector.shape_cast %reduce_sum3A_691 : vector<64xf32> to vector<1x64xf32>
    %add3A_693 = arith.addf %add3A_672, %broadcast_in_dim3A_692 : vector<1x64xf32>
    %slice3A_694 = vector.extract_strided_slice %broadcast_in_dim3A_30 {offsets = [1920, 0], sizes = [128, 1], strides = [1, 1]} : vector<2048x1xi32> to vector<128x1xi32>
    %eq3A_695 = vector.broadcast %slice3A_694 : vector<128x1xi32> to vector<128x64xi32>
    %eq3A_696 = arith.cmpi eq, %eq3A_695, %iota3A_40 : vector<128x64xi32>
    %convert_element_type3A_697 = arith.extui %eq3A_696 : vector<128x64xi1> to vector<128x64xi32>
    %convert_element_type3A_698 = arith.sitofp %convert_element_type3A_697 : vector<128x64xi32> to vector<128x64xf32>
    %mul3A_699 = vector.broadcast %add3A_693 : vector<1x64xf32> to vector<128x64xf32>
    %mul3A_700 = arith.mulf %mul3A_699, %convert_element_type3A_698 : vector<128x64xf32>
    %reduce_sum3A_701 = arith.constant dense<0.000000e+00> : vector<128xf32>
    %reduce_sum3A_702 = vector.multi_reduction <add>, %mul3A_700, %reduce_sum3A_701 [1] : vector<128x64xf32> to vector<128xf32>
    %broadcast_in_dim3A_703 = vector.shape_cast %reduce_sum3A_702 : vector<128xf32> to vector<128x1xf32>
    %dot_general3A_704 = arith.constant dense<0.000000e+00> : vector<128x64xf32>
    %dot_general3A_705 = tpu.matmul %convert_element_type3A_43, %convert_element_type3A_698, %dot_general3A_704 {dimension_numbers = #tpu.dot_dimension_numbers<[1], [0], [0], [1], [0, 0, 1, 1], [], []>, transpose_lhs_hint = false} : vector<128x128xf32>, vector<128x64xf32>, vector<128x64xf32> -> vector<128x64xf32>
    %mul3A_706 = arith.mulf %dot_general3A_705, %convert_element_type3A_698 : vector<128x64xf32>
    %reduce_sum3A_707 = arith.constant dense<0.000000e+00> : vector<128xf32>
    %reduce_sum3A_708 = vector.multi_reduction <add>, %mul3A_706, %reduce_sum3A_707 [1] : vector<128x64xf32> to vector<128xf32>
    %broadcast_in_dim3A_709 = vector.shape_cast %reduce_sum3A_708 : vector<128xf32> to vector<128x1xf32>
    %add3A_710 = arith.addf %broadcast_in_dim3A_703, %broadcast_in_dim3A_709 : vector<128x1xf32>
    %reduce_sum3A_711 = arith.constant dense<0.000000e+00> : vector<64xf32>
    %reduce_sum3A_712 = vector.multi_reduction <add>, %convert_element_type3A_698, %reduce_sum3A_711 [0] : vector<128x64xf32> to vector<64xf32>
    %broadcast_in_dim3A_713 = vector.shape_cast %reduce_sum3A_712 : vector<64xf32> to vector<1x64xf32>
    %add3A_714 = arith.addf %add3A_693, %broadcast_in_dim3A_713 : vector<1x64xf32>
    %iota3A_715 = tpu.iota {dimensions = array<i32: 0>} : vector<64x64xi32>
    %iota3A_716 = tpu.iota {dimensions = array<i32: 1>} : vector<64x64xi32>
    %le3A = arith.cmpi sle, %iota3A_715, %iota3A_716 : vector<64x64xi32>
    %convert_element_type3A_717 = arith.extui %le3A : vector<64x64xi1> to vector<64x64xi32>
    %convert_element_type3A_718 = arith.sitofp %convert_element_type3A_717 : vector<64x64xi32> to vector<64x64xf32>
    %add3A_719 = arith.constant 1.270000e+02 : f32
    %add3A_720 = vector.broadcast %add3A_719 : f32 to vector<1x64xf32>
    %add3A_721 = arith.addf %add3A_714, %add3A_720 : vector<1x64xf32>
    %mul3A_722 = arith.constant 7.812500e-03 : f32
    %mul3A_723 = vector.broadcast %mul3A_722 : f32 to vector<1x64xf32>
    %mul3A_724 = arith.mulf %add3A_721, %mul3A_723 : vector<1x64xf32>
    %floor3A = math.floor %mul3A_724 : vector<1x64xf32>
    %dot_general3A_725 = arith.constant dense<0.000000e+00> : vector<1x64xf32>
    %dot_general3A_726 = tpu.matmul %floor3A, %convert_element_type3A_718, %dot_general3A_725 {dimension_numbers = #tpu.dot_dimension_numbers<[1], [0], [0], [1], [0, 0, 1, 1], [], []>, transpose_lhs_hint = false} : vector<1x64xf32>, vector<64x64xf32>, vector<1x64xf32> -> vector<1x64xf32>
    %sub3A_727 = arith.subf %dot_general3A_726, %floor3A : vector<1x64xf32>
    %mul3A_728 = arith.constant 1.280000e+02 : f32
    %mul3A_729 = vector.broadcast %mul3A_728 : f32 to vector<1x64xf32>
    %mul3A_730 = arith.mulf %sub3A_727, %mul3A_729 : vector<1x64xf32>
    %slice3A_731 = vector.extract_strided_slice %dot_general3A_726 {offsets = [0, 63], sizes = [1, 1], strides = [1, 1]} : vector<1x64xf32> to vector<1x1xf32>
    %convert_element_type3A_732 = arith.fptosi %slice3A_731 : vector<1x1xf32> to vector<1x1xi32>
    %swap3A = arith.constant 0 : index
    %swap3A_733 = arith.constant 0 : index
    %swap3A_734 = vector.load %arg4[%swap3A, %swap3A_733] : memref<1x1xi32, #tpu.memory_space<vmem>>, vector<1x1xi32>
    tpu.vector_store %arg4[%swap3A, %swap3A_733], %convert_element_type3A_732 {strides = array<i32>} : memref<1x1xi32, #tpu.memory_space<vmem>>, vector<1x1xi32>,
    %iota3A_735 = tpu.iota {dimensions = array<i32: 0>} : vector<64x64xi32>
    %iota3A_736 = tpu.iota {dimensions = array<i32: 1>} : vector<64x64xi32>
    %eq3A_737 = arith.cmpi eq, %iota3A_735, %iota3A_736 : vector<64x64xi32>
    %convert_element_type3A_738 = arith.extui %eq3A_737 : vector<64x64xi1> to vector<64x64xi32>
    %convert_element_type3A_739 = arith.sitofp %convert_element_type3A_738 : vector<64x64xi32> to vector<64x64xf32>
    %dot_general3A_740 = arith.constant dense<0.000000e+00> : vector<64x1xf32>
    %dot_general3A_741 = tpu.matmul %convert_element_type3A_739, %dot_general3A_726, %dot_general3A_740 {dimension_numbers = #tpu.dot_dimension_numbers<[1], [1], [0], [0], [0, 0, 1, 0], [], []>, transpose_lhs_hint = false} : vector<64x64xf32>, vector<1x64xf32>, vector<64x1xf32> -> vector<64x1xf32>
    %iota3A_742 = tpu.iota {dimensions = array<i32: 1>} : vector<1x96xi32>
    %convert_element_type3A_743 = arith.sitofp %iota3A_742 : vector<1x96xi32> to vector<1x96xf32>
    %le3A_744 = vector.broadcast %dot_general3A_741 : vector<64x1xf32> to vector<64x96xf32>
    %le3A_745 = vector.broadcast %convert_element_type3A_743 : vector<1x96xf32> to vector<64x96xf32>
    %le3A_746 = arith.cmpf ole, %le3A_744, %le3A_745 : vector<64x96xf32>
    %convert_element_type3A_747 = arith.extui %le3A_746 : vector<64x96xi1> to vector<64x96xi32>
    %convert_element_type3A_748 = arith.sitofp %convert_element_type3A_747 : vector<64x96xi32> to vector<64x96xf32>
    %reduce_sum3A_749 = arith.constant dense<0.000000e+00> : vector<96xf32>
    %reduce_sum3A_750 = vector.multi_reduction <add>, %convert_element_type3A_748, %reduce_sum3A_749 [0] : vector<64x96xf32> to vector<96xf32>
    %broadcast_in_dim3A_751 = vector.shape_cast %reduce_sum3A_750 : vector<96xf32> to vector<1x96xf32>
    %iota3A_752 = tpu.iota {dimensions = array<i32: 1>} : vector<1x64xi32>
    %convert_element_type3A_753 = arith.sitofp %iota3A_752 : vector<1x64xi32> to vector<1x64xf32>
    %gt3A = arith.constant 0.000000e+00 : f32
    %gt3A_754 = vector.broadcast %gt3A : f32 to vector<1x64xf32>
    %gt3A_755 = arith.cmpf ogt, %add3A_714, %gt3A_754 : vector<1x64xf32>
    %jit3A_756 = arith.constant 0.000000e+00 : f32
    %broadcast_in_dim3A_757 = vector.broadcast %jit3A_756 : f32 to vector<1x64xf32>
    %select_n3A_758 = arith.select %gt3A_755, %convert_element_type3A_753, %broadcast_in_dim3A_757 : vector<1x64xi1>, vector<1x64xf32>
    %reduce_max3A_759 = vector.shape_cast %select_n3A_758 : vector<1x64xf32> to vector<1x1x64xf32>
    %reduce_max3A_760 = arith.constant dense<0xFF800000> : vector<1xf32>
    %reduce_max3A_761 = vector.multi_reduction <maximumf>, %reduce_max3A_759, %reduce_max3A_760 [1, 2] : vector<1x1x64xf32> to vector<1xf32>
    %reduce_max3A_762 = vector.shape_cast %reduce_max3A_761 : vector<1xf32> to vector<1x1x1xf32>
    %reduce_max3A_763 = vector.extract %reduce_max3A_762[0, 0, 0] : f32 from vector<1x1x1xf32>
    %min3A = vector.broadcast %reduce_max3A_763 : f32 to vector<1x96xf32>
    %min3A_764 = arith.minimumf %broadcast_in_dim3A_751, %min3A : vector<1x96xf32>
    %convert_element_type3A_765 = arith.fptosi %min3A_764 : vector<1x96xf32> to vector<1x96xi32>
    %swap3A_766 = arith.constant 0 : index
    %swap3A_767 = arith.constant 0 : index
    %swap3A_768 = vector.load %arg3[%swap3A_766, %swap3A_767] : memref<1x96xi32, #tpu.memory_space<vmem>>, vector<1x96xi32>
    tpu.vector_store %arg3[%swap3A_766, %swap3A_767], %convert_element_type3A_765 {strides = array<i32>} : memref<1x96xi32, #tpu.memory_space<vmem>>, vector<1x96xi32>,
    %iota3A_769 = tpu.iota {dimensions = array<i32: 0>} : vector<128x1xi32>
    %convert_element_type3A_770 = arith.sitofp %iota3A_769 : vector<128x1xi32> to vector<128x1xf32>
    %iota3A_771 = tpu.iota {dimensions = array<i32: 1>} : vector<128x96xi32>
    %iota3A_772 = tpu.iota {dimensions = array<i32: 1>} : vector<128x128xi32>
    %broadcast_in_dim3A_773 = arith.constant 0.000000e+00 : f32
    %broadcast_in_dim3A_774 = vector.broadcast %broadcast_in_dim3A_773 : f32 to vector<96x128xf32>
    %broadcast_in_dim3A_775 = arith.constant 0.000000e+00 : f32
    %broadcast_in_dim3A_776 = vector.broadcast %broadcast_in_dim3A_775 : f32 to vector<96x128xf32>
    %slice3A_777 = vector.extract_strided_slice %broadcast_in_dim3A_14 {offsets = [0, 0], sizes = [128, 1], strides = [1, 1]} : vector<2048x1xi32> to vector<128x1xi32>
    %slice3A_778 = vector.extract_strided_slice %div3A_35 {offsets = [0, 0], sizes = [128, 1], strides = [1, 1]} : vector<2048x1xf32> to vector<128x1xf32>
    %eq3A_779 = vector.broadcast %slice3A_777 : vector<128x1xi32> to vector<128x64xi32>
    %eq3A_780 = arith.cmpi eq, %eq3A_779, %iota3A_40 : vector<128x64xi32>
    %convert_element_type3A_781 = arith.extui %eq3A_780 : vector<128x64xi1> to vector<128x64xi32>
    %convert_element_type3A_782 = arith.sitofp %convert_element_type3A_781 : vector<128x64xi32> to vector<128x64xf32>
    %mul3A_783 = vector.broadcast %mul3A_730 : vector<1x64xf32> to vector<128x64xf32>
    %mul3A_784 = arith.mulf %mul3A_783, %convert_element_type3A_782 : vector<128x64xf32>
    %reduce_sum3A_785 = arith.constant dense<0.000000e+00> : vector<128xf32>
    %reduce_sum3A_786 = vector.multi_reduction <add>, %mul3A_784, %reduce_sum3A_785 [1] : vector<128x64xf32> to vector<128xf32>
    %broadcast_in_dim3A_787 = vector.shape_cast %reduce_sum3A_786 : vector<128xf32> to vector<128x1xf32>
    %add3A_788 = arith.addf %broadcast_in_dim3A_787, %add3A_59 : vector<128x1xf32>
    %convert_element_type3A_789 = arith.fptosi %add3A_788 : vector<128x1xf32> to vector<128x1xi32>
    %swap3A_790 = arith.constant 0 : index
    %swap3A_791 = arith.constant 0 : index
    %swap3A_792 = vector.load %arg7[%swap3A_790, %swap3A_791] : memref<2048x1xi32, #tpu.memory_space<vmem>>, vector<128x1xi32>
    tpu.vector_store %arg7[%swap3A_790, %swap3A_791], %convert_element_type3A_789 {strides = array<i32>} : memref<2048x1xi32, #tpu.memory_space<vmem>>, vector<128x1xi32>,
    %mul3A_793 = arith.constant 7.812500e-03 : f32
    %mul3A_794 = vector.broadcast %mul3A_793 : f32 to vector<128x1xf32>
    %mul3A_795 = arith.mulf %add3A_788, %mul3A_794 : vector<128x1xf32>
    %floor3A_796 = math.floor %mul3A_795 : vector<128x1xf32>
    %mul3A_797 = arith.constant 1.280000e+02 : f32
    %mul3A_798 = vector.broadcast %mul3A_797 : f32 to vector<128x1xf32>
    %mul3A_799 = arith.mulf %floor3A_796, %mul3A_798 : vector<128x1xf32>
    %sub3A_800 = arith.subf %add3A_788, %mul3A_799 : vector<128x1xf32>
    %convert_element_type3A_801 = arith.fptosi %floor3A_796 : vector<128x1xf32> to vector<128x1xi32>
    %eq3A_802 = vector.broadcast %convert_element_type3A_801 : vector<128x1xi32> to vector<128x96xi32>
    %eq3A_803 = arith.cmpi eq, %eq3A_802, %iota3A_771 : vector<128x96xi32>
    %convert_element_type3A_804 = arith.extui %eq3A_803 : vector<128x96xi1> to vector<128x96xi32>
    %convert_element_type3A_805 = arith.sitofp %convert_element_type3A_804 : vector<128x96xi32> to vector<128x96xf32>
    %convert_element_type3A_806 = arith.fptosi %sub3A_800 : vector<128x1xf32> to vector<128x1xi32>
    %eq3A_807 = vector.broadcast %convert_element_type3A_806 : vector<128x1xi32> to vector<128x128xi32>
    %eq3A_808 = arith.cmpi eq, %eq3A_807, %iota3A_772 : vector<128x128xi32>
    %convert_element_type3A_809 = arith.extui %eq3A_808 : vector<128x128xi1> to vector<128x128xi32>
    %convert_element_type3A_810 = arith.sitofp %convert_element_type3A_809 : vector<128x128xi32> to vector<128x128xf32>
    %add3A_811 = arith.constant 0.000000e+00 : f32
    %add3A_812 = vector.broadcast %add3A_811 : f32 to vector<128x1xf32>
    %add3A_813 = arith.addf %add3A_812, %convert_element_type3A_770 : vector<128x1xf32>
    %mul3A_814 = vector.broadcast %add3A_813 : vector<128x1xf32> to vector<128x96xf32>
    %mul3A_815 = arith.mulf %convert_element_type3A_805, %mul3A_814 : vector<128x96xf32>
    %dot_general3A_816 = arith.constant dense<0.000000e+00> : vector<96x128xf32>
    %dot_general3A_817 = tpu.matmul %mul3A_815, %convert_element_type3A_810, %dot_general3A_816 {dimension_numbers = #tpu.dot_dimension_numbers<[0], [0], [1], [1], [0, 1, 1, 1], [], []>, precision = #tpu.contract_precision<fp32>, transpose_lhs_hint = false} : vector<128x96xf32>, vector<128x128xf32>, vector<96x128xf32> -> vector<96x128xf32>
    %add3A_818 = arith.addf %broadcast_in_dim3A_774, %dot_general3A_817 : vector<96x128xf32>
    %mul3A_819 = vector.broadcast %slice3A_778 : vector<128x1xf32> to vector<128x96xf32>
    %mul3A_820 = arith.mulf %convert_element_type3A_805, %mul3A_819 : vector<128x96xf32>
    %dot_general3A_821 = arith.constant dense<0.000000e+00> : vector<96x128xf32>
    %dot_general3A_822 = tpu.matmul %mul3A_820, %convert_element_type3A_810, %dot_general3A_821 {dimension_numbers = #tpu.dot_dimension_numbers<[0], [0], [1], [1], [0, 1, 1, 1], [], []>, precision = #tpu.contract_precision<fp32>, transpose_lhs_hint = false} : vector<128x96xf32>, vector<128x128xf32>, vector<96x128xf32> -> vector<96x128xf32>
    %add3A_823 = arith.addf %broadcast_in_dim3A_776, %dot_general3A_822 : vector<96x128xf32>
    %slice3A_824 = vector.extract_strided_slice %broadcast_in_dim3A_14 {offsets = [128, 0], sizes = [128, 1], strides = [1, 1]} : vector<2048x1xi32> to vector<128x1xi32>
    %slice3A_825 = vector.extract_strided_slice %div3A_35 {offsets = [128, 0], sizes = [128, 1], strides = [1, 1]} : vector<2048x1xf32> to vector<128x1xf32>
    %eq3A_826 = vector.broadcast %slice3A_824 : vector<128x1xi32> to vector<128x64xi32>
    %eq3A_827 = arith.cmpi eq, %eq3A_826, %iota3A_40 : vector<128x64xi32>
    %convert_element_type3A_828 = arith.extui %eq3A_827 : vector<128x64xi1> to vector<128x64xi32>
    %convert_element_type3A_829 = arith.sitofp %convert_element_type3A_828 : vector<128x64xi32> to vector<128x64xf32>
    %mul3A_830 = vector.broadcast %mul3A_730 : vector<1x64xf32> to vector<128x64xf32>
    %mul3A_831 = arith.mulf %mul3A_830, %convert_element_type3A_829 : vector<128x64xf32>
    %reduce_sum3A_832 = arith.constant dense<0.000000e+00> : vector<128xf32>
    %reduce_sum3A_833 = vector.multi_reduction <add>, %mul3A_831, %reduce_sum3A_832 [1] : vector<128x64xf32> to vector<128xf32>
    %broadcast_in_dim3A_834 = vector.shape_cast %reduce_sum3A_833 : vector<128xf32> to vector<128x1xf32>
    %add3A_835 = arith.addf %broadcast_in_dim3A_834, %add3A_80 : vector<128x1xf32>
    %convert_element_type3A_836 = arith.fptosi %add3A_835 : vector<128x1xf32> to vector<128x1xi32>
    %swap3A_837 = arith.constant 128 : index
    %swap3A_838 = arith.constant 0 : index
    %swap3A_839 = vector.load %arg7[%swap3A_837, %swap3A_838] : memref<2048x1xi32, #tpu.memory_space<vmem>>, vector<128x1xi32>
    tpu.vector_store %arg7[%swap3A_837, %swap3A_838], %convert_element_type3A_836 {strides = array<i32>} : memref<2048x1xi32, #tpu.memory_space<vmem>>, vector<128x1xi32>,
    %mul3A_840 = arith.constant 7.812500e-03 : f32
    %mul3A_841 = vector.broadcast %mul3A_840 : f32 to vector<128x1xf32>
    %mul3A_842 = arith.mulf %add3A_835, %mul3A_841 : vector<128x1xf32>
    %floor3A_843 = math.floor %mul3A_842 : vector<128x1xf32>
    %mul3A_844 = arith.constant 1.280000e+02 : f32
    %mul3A_845 = vector.broadcast %mul3A_844 : f32 to vector<128x1xf32>
    %mul3A_846 = arith.mulf %floor3A_843, %mul3A_845 : vector<128x1xf32>
    %sub3A_847 = arith.subf %add3A_835, %mul3A_846 : vector<128x1xf32>
    %convert_element_type3A_848 = arith.fptosi %floor3A_843 : vector<128x1xf32> to vector<128x1xi32>
    %eq3A_849 = vector.broadcast %convert_element_type3A_848 : vector<128x1xi32> to vector<128x96xi32>
    %eq3A_850 = arith.cmpi eq, %eq3A_849, %iota3A_771 : vector<128x96xi32>
    %convert_element_type3A_851 = arith.extui %eq3A_850 : vector<128x96xi1> to vector<128x96xi32>
    %convert_element_type3A_852 = arith.sitofp %convert_element_type3A_851 : vector<128x96xi32> to vector<128x96xf32>
    %convert_element_type3A_853 = arith.fptosi %sub3A_847 : vector<128x1xf32> to vector<128x1xi32>
    %eq3A_854 = vector.broadcast %convert_element_type3A_853 : vector<128x1xi32> to vector<128x128xi32>
    %eq3A_855 = arith.cmpi eq, %eq3A_854, %iota3A_772 : vector<128x128xi32>
    %convert_element_type3A_856 = arith.extui %eq3A_855 : vector<128x128xi1> to vector<128x128xi32>
    %convert_element_type3A_857 = arith.sitofp %convert_element_type3A_856 : vector<128x128xi32> to vector<128x128xf32>
    %add3A_858 = arith.constant 1.280000e+02 : f32
    %add3A_859 = vector.broadcast %add3A_858 : f32 to vector<128x1xf32>
    %add3A_860 = arith.addf %add3A_859, %convert_element_type3A_770 : vector<128x1xf32>
    %mul3A_861 = vector.broadcast %add3A_860 : vector<128x1xf32> to vector<128x96xf32>
    %mul3A_862 = arith.mulf %convert_element_type3A_852, %mul3A_861 : vector<128x96xf32>
    %dot_general3A_863 = arith.constant dense<0.000000e+00> : vector<96x128xf32>
    %dot_general3A_864 = tpu.matmul %mul3A_862, %convert_element_type3A_857, %dot_general3A_863 {dimension_numbers = #tpu.dot_dimension_numbers<[0], [0], [1], [1], [0, 1, 1, 1], [], []>, precision = #tpu.contract_precision<fp32>, transpose_lhs_hint = false} : vector<128x96xf32>, vector<128x128xf32>, vector<96x128xf32> -> vector<96x128xf32>
    %add3A_865 = arith.addf %add3A_818, %dot_general3A_864 : vector<96x128xf32>
    %mul3A_866 = vector.broadcast %slice3A_825 : vector<128x1xf32> to vector<128x96xf32>
    %mul3A_867 = arith.mulf %convert_element_type3A_852, %mul3A_866 : vector<128x96xf32>
    %dot_general3A_868 = arith.constant dense<0.000000e+00> : vector<96x128xf32>
    %dot_general3A_869 = tpu.matmul %mul3A_867, %convert_element_type3A_857, %dot_general3A_868 {dimension_numbers = #tpu.dot_dimension_numbers<[0], [0], [1], [1], [0, 1, 1, 1], [], []>, precision = #tpu.contract_precision<fp32>, transpose_lhs_hint = false} : vector<128x96xf32>, vector<128x128xf32>, vector<96x128xf32> -> vector<96x128xf32>
    %add3A_870 = arith.addf %add3A_823, %dot_general3A_869 : vector<96x128xf32>
    %slice3A_871 = vector.extract_strided_slice %broadcast_in_dim3A_14 {offsets = [256, 0], sizes = [128, 1], strides = [1, 1]} : vector<2048x1xi32> to vector<128x1xi32>
    %slice3A_872 = vector.extract_strided_slice %div3A_35 {offsets = [256, 0], sizes = [128, 1], strides = [1, 1]} : vector<2048x1xf32> to vector<128x1xf32>
    %eq3A_873 = vector.broadcast %slice3A_871 : vector<128x1xi32> to vector<128x64xi32>
    %eq3A_874 = arith.cmpi eq, %eq3A_873, %iota3A_40 : vector<128x64xi32>
    %convert_element_type3A_875 = arith.extui %eq3A_874 : vector<128x64xi1> to vector<128x64xi32>
    %convert_element_type3A_876 = arith.sitofp %convert_element_type3A_875 : vector<128x64xi32> to vector<128x64xf32>
    %mul3A_877 = vector.broadcast %mul3A_730 : vector<1x64xf32> to vector<128x64xf32>
    %mul3A_878 = arith.mulf %mul3A_877, %convert_element_type3A_876 : vector<128x64xf32>
    %reduce_sum3A_879 = arith.constant dense<0.000000e+00> : vector<128xf32>
    %reduce_sum3A_880 = vector.multi_reduction <add>, %mul3A_878, %reduce_sum3A_879 [1] : vector<128x64xf32> to vector<128xf32>
    %broadcast_in_dim3A_881 = vector.shape_cast %reduce_sum3A_880 : vector<128xf32> to vector<128x1xf32>
    %add3A_882 = arith.addf %broadcast_in_dim3A_881, %add3A_101 : vector<128x1xf32>
    %convert_element_type3A_883 = arith.fptosi %add3A_882 : vector<128x1xf32> to vector<128x1xi32>
    %swap3A_884 = arith.constant 256 : index
    %swap3A_885 = arith.constant 0 : index
    %swap3A_886 = vector.load %arg7[%swap3A_884, %swap3A_885] : memref<2048x1xi32, #tpu.memory_space<vmem>>, vector<128x1xi32>
    tpu.vector_store %arg7[%swap3A_884, %swap3A_885], %convert_element_type3A_883 {strides = array<i32>} : memref<2048x1xi32, #tpu.memory_space<vmem>>, vector<128x1xi32>,
    %mul3A_887 = arith.constant 7.812500e-03 : f32
    %mul3A_888 = vector.broadcast %mul3A_887 : f32 to vector<128x1xf32>
    %mul3A_889 = arith.mulf %add3A_882, %mul3A_888 : vector<128x1xf32>
    %floor3A_890 = math.floor %mul3A_889 : vector<128x1xf32>
    %mul3A_891 = arith.constant 1.280000e+02 : f32
    %mul3A_892 = vector.broadcast %mul3A_891 : f32 to vector<128x1xf32>
    %mul3A_893 = arith.mulf %floor3A_890, %mul3A_892 : vector<128x1xf32>
    %sub3A_894 = arith.subf %add3A_882, %mul3A_893 : vector<128x1xf32>
    %convert_element_type3A_895 = arith.fptosi %floor3A_890 : vector<128x1xf32> to vector<128x1xi32>
    %eq3A_896 = vector.broadcast %convert_element_type3A_895 : vector<128x1xi32> to vector<128x96xi32>
    %eq3A_897 = arith.cmpi eq, %eq3A_896, %iota3A_771 : vector<128x96xi32>
    %convert_element_type3A_898 = arith.extui %eq3A_897 : vector<128x96xi1> to vector<128x96xi32>
    %convert_element_type3A_899 = arith.sitofp %convert_element_type3A_898 : vector<128x96xi32> to vector<128x96xf32>
    %convert_element_type3A_900 = arith.fptosi %sub3A_894 : vector<128x1xf32> to vector<128x1xi32>
    %eq3A_901 = vector.broadcast %convert_element_type3A_900 : vector<128x1xi32> to vector<128x128xi32>
    %eq3A_902 = arith.cmpi eq, %eq3A_901, %iota3A_772 : vector<128x128xi32>
    %convert_element_type3A_903 = arith.extui %eq3A_902 : vector<128x128xi1> to vector<128x128xi32>
    %convert_element_type3A_904 = arith.sitofp %convert_element_type3A_903 : vector<128x128xi32> to vector<128x128xf32>
    %add3A_905 = arith.constant 2.560000e+02 : f32
    %add3A_906 = vector.broadcast %add3A_905 : f32 to vector<128x1xf32>
    %add3A_907 = arith.addf %add3A_906, %convert_element_type3A_770 : vector<128x1xf32>
    %mul3A_908 = vector.broadcast %add3A_907 : vector<128x1xf32> to vector<128x96xf32>
    %mul3A_909 = arith.mulf %convert_element_type3A_899, %mul3A_908 : vector<128x96xf32>
    %dot_general3A_910 = arith.constant dense<0.000000e+00> : vector<96x128xf32>
    %dot_general3A_911 = tpu.matmul %mul3A_909, %convert_element_type3A_904, %dot_general3A_910 {dimension_numbers = #tpu.dot_dimension_numbers<[0], [0], [1], [1], [0, 1, 1, 1], [], []>, precision = #tpu.contract_precision<fp32>, transpose_lhs_hint = false} : vector<128x96xf32>, vector<128x128xf32>, vector<96x128xf32> -> vector<96x128xf32>
    %add3A_912 = arith.addf %add3A_865, %dot_general3A_911 : vector<96x128xf32>
    %mul3A_913 = vector.broadcast %slice3A_872 : vector<128x1xf32> to vector<128x96xf32>
    %mul3A_914 = arith.mulf %convert_element_type3A_899, %mul3A_913 : vector<128x96xf32>
    %dot_general3A_915 = arith.constant dense<0.000000e+00> : vector<96x128xf32>
    %dot_general3A_916 = tpu.matmul %mul3A_914, %convert_element_type3A_904, %dot_general3A_915 {dimension_numbers = #tpu.dot_dimension_numbers<[0], [0], [1], [1], [0, 1, 1, 1], [], []>, precision = #tpu.contract_precision<fp32>, transpose_lhs_hint = false} : vector<128x96xf32>, vector<128x128xf32>, vector<96x128xf32> -> vector<96x128xf32>
    %add3A_917 = arith.addf %add3A_870, %dot_general3A_916 : vector<96x128xf32>
    %slice3A_918 = vector.extract_strided_slice %broadcast_in_dim3A_14 {offsets = [384, 0], sizes = [128, 1], strides = [1, 1]} : vector<2048x1xi32> to vector<128x1xi32>
    %slice3A_919 = vector.extract_strided_slice %div3A_35 {offsets = [384, 0], sizes = [128, 1], strides = [1, 1]} : vector<2048x1xf32> to vector<128x1xf32>
    %eq3A_920 = vector.broadcast %slice3A_918 : vector<128x1xi32> to vector<128x64xi32>
    %eq3A_921 = arith.cmpi eq, %eq3A_920, %iota3A_40 : vector<128x64xi32>
    %convert_element_type3A_922 = arith.extui %eq3A_921 : vector<128x64xi1> to vector<128x64xi32>
    %convert_element_type3A_923 = arith.sitofp %convert_element_type3A_922 : vector<128x64xi32> to vector<128x64xf32>
    %mul3A_924 = vector.broadcast %mul3A_730 : vector<1x64xf32> to vector<128x64xf32>
    %mul3A_925 = arith.mulf %mul3A_924, %convert_element_type3A_923 : vector<128x64xf32>
    %reduce_sum3A_926 = arith.constant dense<0.000000e+00> : vector<128xf32>
    %reduce_sum3A_927 = vector.multi_reduction <add>, %mul3A_925, %reduce_sum3A_926 [1] : vector<128x64xf32> to vector<128xf32>
    %broadcast_in_dim3A_928 = vector.shape_cast %reduce_sum3A_927 : vector<128xf32> to vector<128x1xf32>
    %add3A_929 = arith.addf %broadcast_in_dim3A_928, %add3A_122 : vector<128x1xf32>
    %convert_element_type3A_930 = arith.fptosi %add3A_929 : vector<128x1xf32> to vector<128x1xi32>
    %swap3A_931 = arith.constant 384 : index
    %swap3A_932 = arith.constant 0 : index
    %swap3A_933 = vector.load %arg7[%swap3A_931, %swap3A_932] : memref<2048x1xi32, #tpu.memory_space<vmem>>, vector<128x1xi32>
    tpu.vector_store %arg7[%swap3A_931, %swap3A_932], %convert_element_type3A_930 {strides = array<i32>} : memref<2048x1xi32, #tpu.memory_space<vmem>>, vector<128x1xi32>,
    %mul3A_934 = arith.constant 7.812500e-03 : f32
    %mul3A_935 = vector.broadcast %mul3A_934 : f32 to vector<128x1xf32>
    %mul3A_936 = arith.mulf %add3A_929, %mul3A_935 : vector<128x1xf32>
    %floor3A_937 = math.floor %mul3A_936 : vector<128x1xf32>
    %mul3A_938 = arith.constant 1.280000e+02 : f32
    %mul3A_939 = vector.broadcast %mul3A_938 : f32 to vector<128x1xf32>
    %mul3A_940 = arith.mulf %floor3A_937, %mul3A_939 : vector<128x1xf32>
    %sub3A_941 = arith.subf %add3A_929, %mul3A_940 : vector<128x1xf32>
    %convert_element_type3A_942 = arith.fptosi %floor3A_937 : vector<128x1xf32> to vector<128x1xi32>
    %eq3A_943 = vector.broadcast %convert_element_type3A_942 : vector<128x1xi32> to vector<128x96xi32>
    %eq3A_944 = arith.cmpi eq, %eq3A_943, %iota3A_771 : vector<128x96xi32>
    %convert_element_type3A_945 = arith.extui %eq3A_944 : vector<128x96xi1> to vector<128x96xi32>
    %convert_element_type3A_946 = arith.sitofp %convert_element_type3A_945 : vector<128x96xi32> to vector<128x96xf32>
    %convert_element_type3A_947 = arith.fptosi %sub3A_941 : vector<128x1xf32> to vector<128x1xi32>
    %eq3A_948 = vector.broadcast %convert_element_type3A_947 : vector<128x1xi32> to vector<128x128xi32>
    %eq3A_949 = arith.cmpi eq, %eq3A_948, %iota3A_772 : vector<128x128xi32>
    %convert_element_type3A_950 = arith.extui %eq3A_949 : vector<128x128xi1> to vector<128x128xi32>
    %convert_element_type3A_951 = arith.sitofp %convert_element_type3A_950 : vector<128x128xi32> to vector<128x128xf32>
    %add3A_952 = arith.constant 3.840000e+02 : f32
    %add3A_953 = vector.broadcast %add3A_952 : f32 to vector<128x1xf32>
    %add3A_954 = arith.addf %add3A_953, %convert_element_type3A_770 : vector<128x1xf32>
    %mul3A_955 = vector.broadcast %add3A_954 : vector<128x1xf32> to vector<128x96xf32>
    %mul3A_956 = arith.mulf %convert_element_type3A_946, %mul3A_955 : vector<128x96xf32>
    %dot_general3A_957 = arith.constant dense<0.000000e+00> : vector<96x128xf32>
    %dot_general3A_958 = tpu.matmul %mul3A_956, %convert_element_type3A_951, %dot_general3A_957 {dimension_numbers = #tpu.dot_dimension_numbers<[0], [0], [1], [1], [0, 1, 1, 1], [], []>, precision = #tpu.contract_precision<fp32>, transpose_lhs_hint = false} : vector<128x96xf32>, vector<128x128xf32>, vector<96x128xf32> -> vector<96x128xf32>
    %add3A_959 = arith.addf %add3A_912, %dot_general3A_958 : vector<96x128xf32>
    %mul3A_960 = vector.broadcast %slice3A_919 : vector<128x1xf32> to vector<128x96xf32>
    %mul3A_961 = arith.mulf %convert_element_type3A_946, %mul3A_960 : vector<128x96xf32>
    %dot_general3A_962 = arith.constant dense<0.000000e+00> : vector<96x128xf32>
    %dot_general3A_963 = tpu.matmul %mul3A_961, %convert_element_type3A_951, %dot_general3A_962 {dimension_numbers = #tpu.dot_dimension_numbers<[0], [0], [1], [1], [0, 1, 1, 1], [], []>, precision = #tpu.contract_precision<fp32>, transpose_lhs_hint = false} : vector<128x96xf32>, vector<128x128xf32>, vector<96x128xf32> -> vector<96x128xf32>
    %add3A_964 = arith.addf %add3A_917, %dot_general3A_963 : vector<96x128xf32>
    %slice3A_965 = vector.extract_strided_slice %broadcast_in_dim3A_14 {offsets = [512, 0], sizes = [128, 1], strides = [1, 1]} : vector<2048x1xi32> to vector<128x1xi32>
    %slice3A_966 = vector.extract_strided_slice %div3A_35 {offsets = [512, 0], sizes = [128, 1], strides = [1, 1]} : vector<2048x1xf32> to vector<128x1xf32>
    %eq3A_967 = vector.broadcast %slice3A_965 : vector<128x1xi32> to vector<128x64xi32>
    %eq3A_968 = arith.cmpi eq, %eq3A_967, %iota3A_40 : vector<128x64xi32>
    %convert_element_type3A_969 = arith.extui %eq3A_968 : vector<128x64xi1> to vector<128x64xi32>
    %convert_element_type3A_970 = arith.sitofp %convert_element_type3A_969 : vector<128x64xi32> to vector<128x64xf32>
    %mul3A_971 = vector.broadcast %mul3A_730 : vector<1x64xf32> to vector<128x64xf32>
    %mul3A_972 = arith.mulf %mul3A_971, %convert_element_type3A_970 : vector<128x64xf32>
    %reduce_sum3A_973 = arith.constant dense<0.000000e+00> : vector<128xf32>
    %reduce_sum3A_974 = vector.multi_reduction <add>, %mul3A_972, %reduce_sum3A_973 [1] : vector<128x64xf32> to vector<128xf32>
    %broadcast_in_dim3A_975 = vector.shape_cast %reduce_sum3A_974 : vector<128xf32> to vector<128x1xf32>
    %add3A_976 = arith.addf %broadcast_in_dim3A_975, %add3A_143 : vector<128x1xf32>
    %convert_element_type3A_977 = arith.fptosi %add3A_976 : vector<128x1xf32> to vector<128x1xi32>
    %swap3A_978 = arith.constant 512 : index
    %swap3A_979 = arith.constant 0 : index
    %swap3A_980 = vector.load %arg7[%swap3A_978, %swap3A_979] : memref<2048x1xi32, #tpu.memory_space<vmem>>, vector<128x1xi32>
    tpu.vector_store %arg7[%swap3A_978, %swap3A_979], %convert_element_type3A_977 {strides = array<i32>} : memref<2048x1xi32, #tpu.memory_space<vmem>>, vector<128x1xi32>,
    %mul3A_981 = arith.constant 7.812500e-03 : f32
    %mul3A_982 = vector.broadcast %mul3A_981 : f32 to vector<128x1xf32>
    %mul3A_983 = arith.mulf %add3A_976, %mul3A_982 : vector<128x1xf32>
    %floor3A_984 = math.floor %mul3A_983 : vector<128x1xf32>
    %mul3A_985 = arith.constant 1.280000e+02 : f32
    %mul3A_986 = vector.broadcast %mul3A_985 : f32 to vector<128x1xf32>
    %mul3A_987 = arith.mulf %floor3A_984, %mul3A_986 : vector<128x1xf32>
    %sub3A_988 = arith.subf %add3A_976, %mul3A_987 : vector<128x1xf32>
    %convert_element_type3A_989 = arith.fptosi %floor3A_984 : vector<128x1xf32> to vector<128x1xi32>
    %eq3A_990 = vector.broadcast %convert_element_type3A_989 : vector<128x1xi32> to vector<128x96xi32>
    %eq3A_991 = arith.cmpi eq, %eq3A_990, %iota3A_771 : vector<128x96xi32>
    %convert_element_type3A_992 = arith.extui %eq3A_991 : vector<128x96xi1> to vector<128x96xi32>
    %convert_element_type3A_993 = arith.sitofp %convert_element_type3A_992 : vector<128x96xi32> to vector<128x96xf32>
    %convert_element_type3A_994 = arith.fptosi %sub3A_988 : vector<128x1xf32> to vector<128x1xi32>
    %eq3A_995 = vector.broadcast %convert_element_type3A_994 : vector<128x1xi32> to vector<128x128xi32>
    %eq3A_996 = arith.cmpi eq, %eq3A_995, %iota3A_772 : vector<128x128xi32>
    %convert_element_type3A_997 = arith.extui %eq3A_996 : vector<128x128xi1> to vector<128x128xi32>
    %convert_element_type3A_998 = arith.sitofp %convert_element_type3A_997 : vector<128x128xi32> to vector<128x128xf32>
    %add3A_999 = arith.constant 5.120000e+02 : f32
    %add3A_1000 = vector.broadcast %add3A_999 : f32 to vector<128x1xf32>
    %add3A_1001 = arith.addf %add3A_1000, %convert_element_type3A_770 : vector<128x1xf32>
    %mul3A_1002 = vector.broadcast %add3A_1001 : vector<128x1xf32> to vector<128x96xf32>
    %mul3A_1003 = arith.mulf %convert_element_type3A_993, %mul3A_1002 : vector<128x96xf32>
    %dot_general3A_1004 = arith.constant dense<0.000000e+00> : vector<96x128xf32>
    %dot_general3A_1005 = tpu.matmul %mul3A_1003, %convert_element_type3A_998, %dot_general3A_1004 {dimension_numbers = #tpu.dot_dimension_numbers<[0], [0], [1], [1], [0, 1, 1, 1], [], []>, precision = #tpu.contract_precision<fp32>, transpose_lhs_hint = false} : vector<128x96xf32>, vector<128x128xf32>, vector<96x128xf32> -> vector<96x128xf32>
    %add3A_1006 = arith.addf %add3A_959, %dot_general3A_1005 : vector<96x128xf32>
    %mul3A_1007 = vector.broadcast %slice3A_966 : vector<128x1xf32> to vector<128x96xf32>
    %mul3A_1008 = arith.mulf %convert_element_type3A_993, %mul3A_1007 : vector<128x96xf32>
    %dot_general3A_1009 = arith.constant dense<0.000000e+00> : vector<96x128xf32>
    %dot_general3A_1010 = tpu.matmul %mul3A_1008, %convert_element_type3A_998, %dot_general3A_1009 {dimension_numbers = #tpu.dot_dimension_numbers<[0], [0], [1], [1], [0, 1, 1, 1], [], []>, precision = #tpu.contract_precision<fp32>, transpose_lhs_hint = false} : vector<128x96xf32>, vector<128x128xf32>, vector<96x128xf32> -> vector<96x128xf32>
    %add3A_1011 = arith.addf %add3A_964, %dot_general3A_1010 : vector<96x128xf32>
    %slice3A_1012 = vector.extract_strided_slice %broadcast_in_dim3A_14 {offsets = [640, 0], sizes = [128, 1], strides = [1, 1]} : vector<2048x1xi32> to vector<128x1xi32>
    %slice3A_1013 = vector.extract_strided_slice %div3A_35 {offsets = [640, 0], sizes = [128, 1], strides = [1, 1]} : vector<2048x1xf32> to vector<128x1xf32>
    %eq3A_1014 = vector.broadcast %slice3A_1012 : vector<128x1xi32> to vector<128x64xi32>
    %eq3A_1015 = arith.cmpi eq, %eq3A_1014, %iota3A_40 : vector<128x64xi32>
    %convert_element_type3A_1016 = arith.extui %eq3A_1015 : vector<128x64xi1> to vector<128x64xi32>
    %convert_element_type3A_1017 = arith.sitofp %convert_element_type3A_1016 : vector<128x64xi32> to vector<128x64xf32>
    %mul3A_1018 = vector.broadcast %mul3A_730 : vector<1x64xf32> to vector<128x64xf32>
    %mul3A_1019 = arith.mulf %mul3A_1018, %convert_element_type3A_1017 : vector<128x64xf32>
    %reduce_sum3A_1020 = arith.constant dense<0.000000e+00> : vector<128xf32>
    %reduce_sum3A_1021 = vector.multi_reduction <add>, %mul3A_1019, %reduce_sum3A_1020 [1] : vector<128x64xf32> to vector<128xf32>
    %broadcast_in_dim3A_1022 = vector.shape_cast %reduce_sum3A_1021 : vector<128xf32> to vector<128x1xf32>
    %add3A_1023 = arith.addf %broadcast_in_dim3A_1022, %add3A_164 : vector<128x1xf32>
    %convert_element_type3A_1024 = arith.fptosi %add3A_1023 : vector<128x1xf32> to vector<128x1xi32>
    %swap3A_1025 = arith.constant 640 : index
    %swap3A_1026 = arith.constant 0 : index
    %swap3A_1027 = vector.load %arg7[%swap3A_1025, %swap3A_1026] : memref<2048x1xi32, #tpu.memory_space<vmem>>, vector<128x1xi32>
    tpu.vector_store %arg7[%swap3A_1025, %swap3A_1026], %convert_element_type3A_1024 {strides = array<i32>} : memref<2048x1xi32, #tpu.memory_space<vmem>>, vector<128x1xi32>,
    %mul3A_1028 = arith.constant 7.812500e-03 : f32
    %mul3A_1029 = vector.broadcast %mul3A_1028 : f32 to vector<128x1xf32>
    %mul3A_1030 = arith.mulf %add3A_1023, %mul3A_1029 : vector<128x1xf32>
    %floor3A_1031 = math.floor %mul3A_1030 : vector<128x1xf32>
    %mul3A_1032 = arith.constant 1.280000e+02 : f32
    %mul3A_1033 = vector.broadcast %mul3A_1032 : f32 to vector<128x1xf32>
    %mul3A_1034 = arith.mulf %floor3A_1031, %mul3A_1033 : vector<128x1xf32>
    %sub3A_1035 = arith.subf %add3A_1023, %mul3A_1034 : vector<128x1xf32>
    %convert_element_type3A_1036 = arith.fptosi %floor3A_1031 : vector<128x1xf32> to vector<128x1xi32>
    %eq3A_1037 = vector.broadcast %convert_element_type3A_1036 : vector<128x1xi32> to vector<128x96xi32>
    %eq3A_1038 = arith.cmpi eq, %eq3A_1037, %iota3A_771 : vector<128x96xi32>
    %convert_element_type3A_1039 = arith.extui %eq3A_1038 : vector<128x96xi1> to vector<128x96xi32>
    %convert_element_type3A_1040 = arith.sitofp %convert_element_type3A_1039 : vector<128x96xi32> to vector<128x96xf32>
    %convert_element_type3A_1041 = arith.fptosi %sub3A_1035 : vector<128x1xf32> to vector<128x1xi32>
    %eq3A_1042 = vector.broadcast %convert_element_type3A_1041 : vector<128x1xi32> to vector<128x128xi32>
    %eq3A_1043 = arith.cmpi eq, %eq3A_1042, %iota3A_772 : vector<128x128xi32>
    %convert_element_type3A_1044 = arith.extui %eq3A_1043 : vector<128x128xi1> to vector<128x128xi32>
    %convert_element_type3A_1045 = arith.sitofp %convert_element_type3A_1044 : vector<128x128xi32> to vector<128x128xf32>
    %add3A_1046 = arith.constant 6.400000e+02 : f32
    %add3A_1047 = vector.broadcast %add3A_1046 : f32 to vector<128x1xf32>
    %add3A_1048 = arith.addf %add3A_1047, %convert_element_type3A_770 : vector<128x1xf32>
    %mul3A_1049 = vector.broadcast %add3A_1048 : vector<128x1xf32> to vector<128x96xf32>
    %mul3A_1050 = arith.mulf %convert_element_type3A_1040, %mul3A_1049 : vector<128x96xf32>
    %dot_general3A_1051 = arith.constant dense<0.000000e+00> : vector<96x128xf32>
    %dot_general3A_1052 = tpu.matmul %mul3A_1050, %convert_element_type3A_1045, %dot_general3A_1051 {dimension_numbers = #tpu.dot_dimension_numbers<[0], [0], [1], [1], [0, 1, 1, 1], [], []>, precision = #tpu.contract_precision<fp32>, transpose_lhs_hint = false} : vector<128x96xf32>, vector<128x128xf32>, vector<96x128xf32> -> vector<96x128xf32>
    %add3A_1053 = arith.addf %add3A_1006, %dot_general3A_1052 : vector<96x128xf32>
    %mul3A_1054 = vector.broadcast %slice3A_1013 : vector<128x1xf32> to vector<128x96xf32>
    %mul3A_1055 = arith.mulf %convert_element_type3A_1040, %mul3A_1054 : vector<128x96xf32>
    %dot_general3A_1056 = arith.constant dense<0.000000e+00> : vector<96x128xf32>
    %dot_general3A_1057 = tpu.matmul %mul3A_1055, %convert_element_type3A_1045, %dot_general3A_1056 {dimension_numbers = #tpu.dot_dimension_numbers<[0], [0], [1], [1], [0, 1, 1, 1], [], []>, precision = #tpu.contract_precision<fp32>, transpose_lhs_hint = false} : vector<128x96xf32>, vector<128x128xf32>, vector<96x128xf32> -> vector<96x128xf32>
    %add3A_1058 = arith.addf %add3A_1011, %dot_general3A_1057 : vector<96x128xf32>
    %slice3A_1059 = vector.extract_strided_slice %broadcast_in_dim3A_14 {offsets = [768, 0], sizes = [128, 1], strides = [1, 1]} : vector<2048x1xi32> to vector<128x1xi32>
    %slice3A_1060 = vector.extract_strided_slice %div3A_35 {offsets = [768, 0], sizes = [128, 1], strides = [1, 1]} : vector<2048x1xf32> to vector<128x1xf32>
    %eq3A_1061 = vector.broadcast %slice3A_1059 : vector<128x1xi32> to vector<128x64xi32>
    %eq3A_1062 = arith.cmpi eq, %eq3A_1061, %iota3A_40 : vector<128x64xi32>
    %convert_element_type3A_1063 = arith.extui %eq3A_1062 : vector<128x64xi1> to vector<128x64xi32>
    %convert_element_type3A_1064 = arith.sitofp %convert_element_type3A_1063 : vector<128x64xi32> to vector<128x64xf32>
    %mul3A_1065 = vector.broadcast %mul3A_730 : vector<1x64xf32> to vector<128x64xf32>
    %mul3A_1066 = arith.mulf %mul3A_1065, %convert_element_type3A_1064 : vector<128x64xf32>
    %reduce_sum3A_1067 = arith.constant dense<0.000000e+00> : vector<128xf32>
    %reduce_sum3A_1068 = vector.multi_reduction <add>, %mul3A_1066, %reduce_sum3A_1067 [1] : vector<128x64xf32> to vector<128xf32>
    %broadcast_in_dim3A_1069 = vector.shape_cast %reduce_sum3A_1068 : vector<128xf32> to vector<128x1xf32>
    %add3A_1070 = arith.addf %broadcast_in_dim3A_1069, %add3A_185 : vector<128x1xf32>
    %convert_element_type3A_1071 = arith.fptosi %add3A_1070 : vector<128x1xf32> to vector<128x1xi32>
    %swap3A_1072 = arith.constant 768 : index
    %swap3A_1073 = arith.constant 0 : index
    %swap3A_1074 = vector.load %arg7[%swap3A_1072, %swap3A_1073] : memref<2048x1xi32, #tpu.memory_space<vmem>>, vector<128x1xi32>
    tpu.vector_store %arg7[%swap3A_1072, %swap3A_1073], %convert_element_type3A_1071 {strides = array<i32>} : memref<2048x1xi32, #tpu.memory_space<vmem>>, vector<128x1xi32>,
    %mul3A_1075 = arith.constant 7.812500e-03 : f32
    %mul3A_1076 = vector.broadcast %mul3A_1075 : f32 to vector<128x1xf32>
    %mul3A_1077 = arith.mulf %add3A_1070, %mul3A_1076 : vector<128x1xf32>
    %floor3A_1078 = math.floor %mul3A_1077 : vector<128x1xf32>
    %mul3A_1079 = arith.constant 1.280000e+02 : f32
    %mul3A_1080 = vector.broadcast %mul3A_1079 : f32 to vector<128x1xf32>
    %mul3A_1081 = arith.mulf %floor3A_1078, %mul3A_1080 : vector<128x1xf32>
    %sub3A_1082 = arith.subf %add3A_1070, %mul3A_1081 : vector<128x1xf32>
    %convert_element_type3A_1083 = arith.fptosi %floor3A_1078 : vector<128x1xf32> to vector<128x1xi32>
    %eq3A_1084 = vector.broadcast %convert_element_type3A_1083 : vector<128x1xi32> to vector<128x96xi32>
    %eq3A_1085 = arith.cmpi eq, %eq3A_1084, %iota3A_771 : vector<128x96xi32>
    %convert_element_type3A_1086 = arith.extui %eq3A_1085 : vector<128x96xi1> to vector<128x96xi32>
    %convert_element_type3A_1087 = arith.sitofp %convert_element_type3A_1086 : vector<128x96xi32> to vector<128x96xf32>
    %convert_element_type3A_1088 = arith.fptosi %sub3A_1082 : vector<128x1xf32> to vector<128x1xi32>
    %eq3A_1089 = vector.broadcast %convert_element_type3A_1088 : vector<128x1xi32> to vector<128x128xi32>
    %eq3A_1090 = arith.cmpi eq, %eq3A_1089, %iota3A_772 : vector<128x128xi32>
    %convert_element_type3A_1091 = arith.extui %eq3A_1090 : vector<128x128xi1> to vector<128x128xi32>
    %convert_element_type3A_1092 = arith.sitofp %convert_element_type3A_1091 : vector<128x128xi32> to vector<128x128xf32>
    %add3A_1093 = arith.constant 7.680000e+02 : f32
    %add3A_1094 = vector.broadcast %add3A_1093 : f32 to vector<128x1xf32>
    %add3A_1095 = arith.addf %add3A_1094, %convert_element_type3A_770 : vector<128x1xf32>
    %mul3A_1096 = vector.broadcast %add3A_1095 : vector<128x1xf32> to vector<128x96xf32>
    %mul3A_1097 = arith.mulf %convert_element_type3A_1087, %mul3A_1096 : vector<128x96xf32>
    %dot_general3A_1098 = arith.constant dense<0.000000e+00> : vector<96x128xf32>
    %dot_general3A_1099 = tpu.matmul %mul3A_1097, %convert_element_type3A_1092, %dot_general3A_1098 {dimension_numbers = #tpu.dot_dimension_numbers<[0], [0], [1], [1], [0, 1, 1, 1], [], []>, precision = #tpu.contract_precision<fp32>, transpose_lhs_hint = false} : vector<128x96xf32>, vector<128x128xf32>, vector<96x128xf32> -> vector<96x128xf32>
    %add3A_1100 = arith.addf %add3A_1053, %dot_general3A_1099 : vector<96x128xf32>
    %mul3A_1101 = vector.broadcast %slice3A_1060 : vector<128x1xf32> to vector<128x96xf32>
    %mul3A_1102 = arith.mulf %convert_element_type3A_1087, %mul3A_1101 : vector<128x96xf32>
    %dot_general3A_1103 = arith.constant dense<0.000000e+00> : vector<96x128xf32>
    %dot_general3A_1104 = tpu.matmul %mul3A_1102, %convert_element_type3A_1092, %dot_general3A_1103 {dimension_numbers = #tpu.dot_dimension_numbers<[0], [0], [1], [1], [0, 1, 1, 1], [], []>, precision = #tpu.contract_precision<fp32>, transpose_lhs_hint = false} : vector<128x96xf32>, vector<128x128xf32>, vector<96x128xf32> -> vector<96x128xf32>
    %add3A_1105 = arith.addf %add3A_1058, %dot_general3A_1104 : vector<96x128xf32>
    %slice3A_1106 = vector.extract_strided_slice %broadcast_in_dim3A_14 {offsets = [896, 0], sizes = [128, 1], strides = [1, 1]} : vector<2048x1xi32> to vector<128x1xi32>
    %slice3A_1107 = vector.extract_strided_slice %div3A_35 {offsets = [896, 0], sizes = [128, 1], strides = [1, 1]} : vector<2048x1xf32> to vector<128x1xf32>
    %eq3A_1108 = vector.broadcast %slice3A_1106 : vector<128x1xi32> to vector<128x64xi32>
    %eq3A_1109 = arith.cmpi eq, %eq3A_1108, %iota3A_40 : vector<128x64xi32>
    %convert_element_type3A_1110 = arith.extui %eq3A_1109 : vector<128x64xi1> to vector<128x64xi32>
    %convert_element_type3A_1111 = arith.sitofp %convert_element_type3A_1110 : vector<128x64xi32> to vector<128x64xf32>
    %mul3A_1112 = vector.broadcast %mul3A_730 : vector<1x64xf32> to vector<128x64xf32>
    %mul3A_1113 = arith.mulf %mul3A_1112, %convert_element_type3A_1111 : vector<128x64xf32>
    %reduce_sum3A_1114 = arith.constant dense<0.000000e+00> : vector<128xf32>
    %reduce_sum3A_1115 = vector.multi_reduction <add>, %mul3A_1113, %reduce_sum3A_1114 [1] : vector<128x64xf32> to vector<128xf32>
    %broadcast_in_dim3A_1116 = vector.shape_cast %reduce_sum3A_1115 : vector<128xf32> to vector<128x1xf32>
    %add3A_1117 = arith.addf %broadcast_in_dim3A_1116, %add3A_206 : vector<128x1xf32>
    %convert_element_type3A_1118 = arith.fptosi %add3A_1117 : vector<128x1xf32> to vector<128x1xi32>
    %swap3A_1119 = arith.constant 896 : index
    %swap3A_1120 = arith.constant 0 : index
    %swap3A_1121 = vector.load %arg7[%swap3A_1119, %swap3A_1120] : memref<2048x1xi32, #tpu.memory_space<vmem>>, vector<128x1xi32>
    tpu.vector_store %arg7[%swap3A_1119, %swap3A_1120], %convert_element_type3A_1118 {strides = array<i32>} : memref<2048x1xi32, #tpu.memory_space<vmem>>, vector<128x1xi32>,
    %mul3A_1122 = arith.constant 7.812500e-03 : f32
    %mul3A_1123 = vector.broadcast %mul3A_1122 : f32 to vector<128x1xf32>
    %mul3A_1124 = arith.mulf %add3A_1117, %mul3A_1123 : vector<128x1xf32>
    %floor3A_1125 = math.floor %mul3A_1124 : vector<128x1xf32>
    %mul3A_1126 = arith.constant 1.280000e+02 : f32
    %mul3A_1127 = vector.broadcast %mul3A_1126 : f32 to vector<128x1xf32>
    %mul3A_1128 = arith.mulf %floor3A_1125, %mul3A_1127 : vector<128x1xf32>
    %sub3A_1129 = arith.subf %add3A_1117, %mul3A_1128 : vector<128x1xf32>
    %convert_element_type3A_1130 = arith.fptosi %floor3A_1125 : vector<128x1xf32> to vector<128x1xi32>
    %eq3A_1131 = vector.broadcast %convert_element_type3A_1130 : vector<128x1xi32> to vector<128x96xi32>
    %eq3A_1132 = arith.cmpi eq, %eq3A_1131, %iota3A_771 : vector<128x96xi32>
    %convert_element_type3A_1133 = arith.extui %eq3A_1132 : vector<128x96xi1> to vector<128x96xi32>
    %convert_element_type3A_1134 = arith.sitofp %convert_element_type3A_1133 : vector<128x96xi32> to vector<128x96xf32>
    %convert_element_type3A_1135 = arith.fptosi %sub3A_1129 : vector<128x1xf32> to vector<128x1xi32>
    %eq3A_1136 = vector.broadcast %convert_element_type3A_1135 : vector<128x1xi32> to vector<128x128xi32>
    %eq3A_1137 = arith.cmpi eq, %eq3A_1136, %iota3A_772 : vector<128x128xi32>
    %convert_element_type3A_1138 = arith.extui %eq3A_1137 : vector<128x128xi1> to vector<128x128xi32>
    %convert_element_type3A_1139 = arith.sitofp %convert_element_type3A_1138 : vector<128x128xi32> to vector<128x128xf32>
    %add3A_1140 = arith.constant 8.960000e+02 : f32
    %add3A_1141 = vector.broadcast %add3A_1140 : f32 to vector<128x1xf32>
    %add3A_1142 = arith.addf %add3A_1141, %convert_element_type3A_770 : vector<128x1xf32>
    %mul3A_1143 = vector.broadcast %add3A_1142 : vector<128x1xf32> to vector<128x96xf32>
    %mul3A_1144 = arith.mulf %convert_element_type3A_1134, %mul3A_1143 : vector<128x96xf32>
    %dot_general3A_1145 = arith.constant dense<0.000000e+00> : vector<96x128xf32>
    %dot_general3A_1146 = tpu.matmul %mul3A_1144, %convert_element_type3A_1139, %dot_general3A_1145 {dimension_numbers = #tpu.dot_dimension_numbers<[0], [0], [1], [1], [0, 1, 1, 1], [], []>, precision = #tpu.contract_precision<fp32>, transpose_lhs_hint = false} : vector<128x96xf32>, vector<128x128xf32>, vector<96x128xf32> -> vector<96x128xf32>
    %add3A_1147 = arith.addf %add3A_1100, %dot_general3A_1146 : vector<96x128xf32>
    %mul3A_1148 = vector.broadcast %slice3A_1107 : vector<128x1xf32> to vector<128x96xf32>
    %mul3A_1149 = arith.mulf %convert_element_type3A_1134, %mul3A_1148 : vector<128x96xf32>
    %dot_general3A_1150 = arith.constant dense<0.000000e+00> : vector<96x128xf32>
    %dot_general3A_1151 = tpu.matmul %mul3A_1149, %convert_element_type3A_1139, %dot_general3A_1150 {dimension_numbers = #tpu.dot_dimension_numbers<[0], [0], [1], [1], [0, 1, 1, 1], [], []>, precision = #tpu.contract_precision<fp32>, transpose_lhs_hint = false} : vector<128x96xf32>, vector<128x128xf32>, vector<96x128xf32> -> vector<96x128xf32>
    %add3A_1152 = arith.addf %add3A_1105, %dot_general3A_1151 : vector<96x128xf32>
    %slice3A_1153 = vector.extract_strided_slice %broadcast_in_dim3A_14 {offsets = [1024, 0], sizes = [128, 1], strides = [1, 1]} : vector<2048x1xi32> to vector<128x1xi32>
    %slice3A_1154 = vector.extract_strided_slice %div3A_35 {offsets = [1024, 0], sizes = [128, 1], strides = [1, 1]} : vector<2048x1xf32> to vector<128x1xf32>
    %eq3A_1155 = vector.broadcast %slice3A_1153 : vector<128x1xi32> to vector<128x64xi32>
    %eq3A_1156 = arith.cmpi eq, %eq3A_1155, %iota3A_40 : vector<128x64xi32>
    %convert_element_type3A_1157 = arith.extui %eq3A_1156 : vector<128x64xi1> to vector<128x64xi32>
    %convert_element_type3A_1158 = arith.sitofp %convert_element_type3A_1157 : vector<128x64xi32> to vector<128x64xf32>
    %mul3A_1159 = vector.broadcast %mul3A_730 : vector<1x64xf32> to vector<128x64xf32>
    %mul3A_1160 = arith.mulf %mul3A_1159, %convert_element_type3A_1158 : vector<128x64xf32>
    %reduce_sum3A_1161 = arith.constant dense<0.000000e+00> : vector<128xf32>
    %reduce_sum3A_1162 = vector.multi_reduction <add>, %mul3A_1160, %reduce_sum3A_1161 [1] : vector<128x64xf32> to vector<128xf32>
    %broadcast_in_dim3A_1163 = vector.shape_cast %reduce_sum3A_1162 : vector<128xf32> to vector<128x1xf32>
    %add3A_1164 = arith.addf %broadcast_in_dim3A_1163, %add3A_227 : vector<128x1xf32>
    %convert_element_type3A_1165 = arith.fptosi %add3A_1164 : vector<128x1xf32> to vector<128x1xi32>
    %swap3A_1166 = arith.constant 1024 : index
    %swap3A_1167 = arith.constant 0 : index
    %swap3A_1168 = vector.load %arg7[%swap3A_1166, %swap3A_1167] : memref<2048x1xi32, #tpu.memory_space<vmem>>, vector<128x1xi32>
    tpu.vector_store %arg7[%swap3A_1166, %swap3A_1167], %convert_element_type3A_1165 {strides = array<i32>} : memref<2048x1xi32, #tpu.memory_space<vmem>>, vector<128x1xi32>,
    %mul3A_1169 = arith.constant 7.812500e-03 : f32
    %mul3A_1170 = vector.broadcast %mul3A_1169 : f32 to vector<128x1xf32>
    %mul3A_1171 = arith.mulf %add3A_1164, %mul3A_1170 : vector<128x1xf32>
    %floor3A_1172 = math.floor %mul3A_1171 : vector<128x1xf32>
    %mul3A_1173 = arith.constant 1.280000e+02 : f32
    %mul3A_1174 = vector.broadcast %mul3A_1173 : f32 to vector<128x1xf32>
    %mul3A_1175 = arith.mulf %floor3A_1172, %mul3A_1174 : vector<128x1xf32>
    %sub3A_1176 = arith.subf %add3A_1164, %mul3A_1175 : vector<128x1xf32>
    %convert_element_type3A_1177 = arith.fptosi %floor3A_1172 : vector<128x1xf32> to vector<128x1xi32>
    %eq3A_1178 = vector.broadcast %convert_element_type3A_1177 : vector<128x1xi32> to vector<128x96xi32>
    %eq3A_1179 = arith.cmpi eq, %eq3A_1178, %iota3A_771 : vector<128x96xi32>
    %convert_element_type3A_1180 = arith.extui %eq3A_1179 : vector<128x96xi1> to vector<128x96xi32>
    %convert_element_type3A_1181 = arith.sitofp %convert_element_type3A_1180 : vector<128x96xi32> to vector<128x96xf32>
    %convert_element_type3A_1182 = arith.fptosi %sub3A_1176 : vector<128x1xf32> to vector<128x1xi32>
    %eq3A_1183 = vector.broadcast %convert_element_type3A_1182 : vector<128x1xi32> to vector<128x128xi32>
    %eq3A_1184 = arith.cmpi eq, %eq3A_1183, %iota3A_772 : vector<128x128xi32>
    %convert_element_type3A_1185 = arith.extui %eq3A_1184 : vector<128x128xi1> to vector<128x128xi32>
    %convert_element_type3A_1186 = arith.sitofp %convert_element_type3A_1185 : vector<128x128xi32> to vector<128x128xf32>
    %add3A_1187 = arith.constant 1.024000e+03 : f32
    %add3A_1188 = vector.broadcast %add3A_1187 : f32 to vector<128x1xf32>
    %add3A_1189 = arith.addf %add3A_1188, %convert_element_type3A_770 : vector<128x1xf32>
    %mul3A_1190 = vector.broadcast %add3A_1189 : vector<128x1xf32> to vector<128x96xf32>
    %mul3A_1191 = arith.mulf %convert_element_type3A_1181, %mul3A_1190 : vector<128x96xf32>
    %dot_general3A_1192 = arith.constant dense<0.000000e+00> : vector<96x128xf32>
    %dot_general3A_1193 = tpu.matmul %mul3A_1191, %convert_element_type3A_1186, %dot_general3A_1192 {dimension_numbers = #tpu.dot_dimension_numbers<[0], [0], [1], [1], [0, 1, 1, 1], [], []>, precision = #tpu.contract_precision<fp32>, transpose_lhs_hint = false} : vector<128x96xf32>, vector<128x128xf32>, vector<96x128xf32> -> vector<96x128xf32>
    %add3A_1194 = arith.addf %add3A_1147, %dot_general3A_1193 : vector<96x128xf32>
    %mul3A_1195 = vector.broadcast %slice3A_1154 : vector<128x1xf32> to vector<128x96xf32>
    %mul3A_1196 = arith.mulf %convert_element_type3A_1181, %mul3A_1195 : vector<128x96xf32>
    %dot_general3A_1197 = arith.constant dense<0.000000e+00> : vector<96x128xf32>
    %dot_general3A_1198 = tpu.matmul %mul3A_1196, %convert_element_type3A_1186, %dot_general3A_1197 {dimension_numbers = #tpu.dot_dimension_numbers<[0], [0], [1], [1], [0, 1, 1, 1], [], []>, precision = #tpu.contract_precision<fp32>, transpose_lhs_hint = false} : vector<128x96xf32>, vector<128x128xf32>, vector<96x128xf32> -> vector<96x128xf32>
    %add3A_1199 = arith.addf %add3A_1152, %dot_general3A_1198 : vector<96x128xf32>
    %slice3A_1200 = vector.extract_strided_slice %broadcast_in_dim3A_14 {offsets = [1152, 0], sizes = [128, 1], strides = [1, 1]} : vector<2048x1xi32> to vector<128x1xi32>
    %slice3A_1201 = vector.extract_strided_slice %div3A_35 {offsets = [1152, 0], sizes = [128, 1], strides = [1, 1]} : vector<2048x1xf32> to vector<128x1xf32>
    %eq3A_1202 = vector.broadcast %slice3A_1200 : vector<128x1xi32> to vector<128x64xi32>
    %eq3A_1203 = arith.cmpi eq, %eq3A_1202, %iota3A_40 : vector<128x64xi32>
    %convert_element_type3A_1204 = arith.extui %eq3A_1203 : vector<128x64xi1> to vector<128x64xi32>
    %convert_element_type3A_1205 = arith.sitofp %convert_element_type3A_1204 : vector<128x64xi32> to vector<128x64xf32>
    %mul3A_1206 = vector.broadcast %mul3A_730 : vector<1x64xf32> to vector<128x64xf32>
    %mul3A_1207 = arith.mulf %mul3A_1206, %convert_element_type3A_1205 : vector<128x64xf32>
    %reduce_sum3A_1208 = arith.constant dense<0.000000e+00> : vector<128xf32>
    %reduce_sum3A_1209 = vector.multi_reduction <add>, %mul3A_1207, %reduce_sum3A_1208 [1] : vector<128x64xf32> to vector<128xf32>
    %broadcast_in_dim3A_1210 = vector.shape_cast %reduce_sum3A_1209 : vector<128xf32> to vector<128x1xf32>
    %add3A_1211 = arith.addf %broadcast_in_dim3A_1210, %add3A_248 : vector<128x1xf32>
    %convert_element_type3A_1212 = arith.fptosi %add3A_1211 : vector<128x1xf32> to vector<128x1xi32>
    %swap3A_1213 = arith.constant 1152 : index
    %swap3A_1214 = arith.constant 0 : index
    %swap3A_1215 = vector.load %arg7[%swap3A_1213, %swap3A_1214] : memref<2048x1xi32, #tpu.memory_space<vmem>>, vector<128x1xi32>
    tpu.vector_store %arg7[%swap3A_1213, %swap3A_1214], %convert_element_type3A_1212 {strides = array<i32>} : memref<2048x1xi32, #tpu.memory_space<vmem>>, vector<128x1xi32>,
    %mul3A_1216 = arith.constant 7.812500e-03 : f32
    %mul3A_1217 = vector.broadcast %mul3A_1216 : f32 to vector<128x1xf32>
    %mul3A_1218 = arith.mulf %add3A_1211, %mul3A_1217 : vector<128x1xf32>
    %floor3A_1219 = math.floor %mul3A_1218 : vector<128x1xf32>
    %mul3A_1220 = arith.constant 1.280000e+02 : f32
    %mul3A_1221 = vector.broadcast %mul3A_1220 : f32 to vector<128x1xf32>
    %mul3A_1222 = arith.mulf %floor3A_1219, %mul3A_1221 : vector<128x1xf32>
    %sub3A_1223 = arith.subf %add3A_1211, %mul3A_1222 : vector<128x1xf32>
    %convert_element_type3A_1224 = arith.fptosi %floor3A_1219 : vector<128x1xf32> to vector<128x1xi32>
    %eq3A_1225 = vector.broadcast %convert_element_type3A_1224 : vector<128x1xi32> to vector<128x96xi32>
    %eq3A_1226 = arith.cmpi eq, %eq3A_1225, %iota3A_771 : vector<128x96xi32>
    %convert_element_type3A_1227 = arith.extui %eq3A_1226 : vector<128x96xi1> to vector<128x96xi32>
    %convert_element_type3A_1228 = arith.sitofp %convert_element_type3A_1227 : vector<128x96xi32> to vector<128x96xf32>
    %convert_element_type3A_1229 = arith.fptosi %sub3A_1223 : vector<128x1xf32> to vector<128x1xi32>
    %eq3A_1230 = vector.broadcast %convert_element_type3A_1229 : vector<128x1xi32> to vector<128x128xi32>
    %eq3A_1231 = arith.cmpi eq, %eq3A_1230, %iota3A_772 : vector<128x128xi32>
    %convert_element_type3A_1232 = arith.extui %eq3A_1231 : vector<128x128xi1> to vector<128x128xi32>
    %convert_element_type3A_1233 = arith.sitofp %convert_element_type3A_1232 : vector<128x128xi32> to vector<128x128xf32>
    %add3A_1234 = arith.constant 1.152000e+03 : f32
    %add3A_1235 = vector.broadcast %add3A_1234 : f32 to vector<128x1xf32>
    %add3A_1236 = arith.addf %add3A_1235, %convert_element_type3A_770 : vector<128x1xf32>
    %mul3A_1237 = vector.broadcast %add3A_1236 : vector<128x1xf32> to vector<128x96xf32>
    %mul3A_1238 = arith.mulf %convert_element_type3A_1228, %mul3A_1237 : vector<128x96xf32>
    %dot_general3A_1239 = arith.constant dense<0.000000e+00> : vector<96x128xf32>
    %dot_general3A_1240 = tpu.matmul %mul3A_1238, %convert_element_type3A_1233, %dot_general3A_1239 {dimension_numbers = #tpu.dot_dimension_numbers<[0], [0], [1], [1], [0, 1, 1, 1], [], []>, precision = #tpu.contract_precision<fp32>, transpose_lhs_hint = false} : vector<128x96xf32>, vector<128x128xf32>, vector<96x128xf32> -> vector<96x128xf32>
    %add3A_1241 = arith.addf %add3A_1194, %dot_general3A_1240 : vector<96x128xf32>
    %mul3A_1242 = vector.broadcast %slice3A_1201 : vector<128x1xf32> to vector<128x96xf32>
    %mul3A_1243 = arith.mulf %convert_element_type3A_1228, %mul3A_1242 : vector<128x96xf32>
    %dot_general3A_1244 = arith.constant dense<0.000000e+00> : vector<96x128xf32>
    %dot_general3A_1245 = tpu.matmul %mul3A_1243, %convert_element_type3A_1233, %dot_general3A_1244 {dimension_numbers = #tpu.dot_dimension_numbers<[0], [0], [1], [1], [0, 1, 1, 1], [], []>, precision = #tpu.contract_precision<fp32>, transpose_lhs_hint = false} : vector<128x96xf32>, vector<128x128xf32>, vector<96x128xf32> -> vector<96x128xf32>
    %add3A_1246 = arith.addf %add3A_1199, %dot_general3A_1245 : vector<96x128xf32>
    %slice3A_1247 = vector.extract_strided_slice %broadcast_in_dim3A_14 {offsets = [1280, 0], sizes = [128, 1], strides = [1, 1]} : vector<2048x1xi32> to vector<128x1xi32>
    %slice3A_1248 = vector.extract_strided_slice %div3A_35 {offsets = [1280, 0], sizes = [128, 1], strides = [1, 1]} : vector<2048x1xf32> to vector<128x1xf32>
    %eq3A_1249 = vector.broadcast %slice3A_1247 : vector<128x1xi32> to vector<128x64xi32>
    %eq3A_1250 = arith.cmpi eq, %eq3A_1249, %iota3A_40 : vector<128x64xi32>
    %convert_element_type3A_1251 = arith.extui %eq3A_1250 : vector<128x64xi1> to vector<128x64xi32>
    %convert_element_type3A_1252 = arith.sitofp %convert_element_type3A_1251 : vector<128x64xi32> to vector<128x64xf32>
    %mul3A_1253 = vector.broadcast %mul3A_730 : vector<1x64xf32> to vector<128x64xf32>
    %mul3A_1254 = arith.mulf %mul3A_1253, %convert_element_type3A_1252 : vector<128x64xf32>
    %reduce_sum3A_1255 = arith.constant dense<0.000000e+00> : vector<128xf32>
    %reduce_sum3A_1256 = vector.multi_reduction <add>, %mul3A_1254, %reduce_sum3A_1255 [1] : vector<128x64xf32> to vector<128xf32>
    %broadcast_in_dim3A_1257 = vector.shape_cast %reduce_sum3A_1256 : vector<128xf32> to vector<128x1xf32>
    %add3A_1258 = arith.addf %broadcast_in_dim3A_1257, %add3A_269 : vector<128x1xf32>
    %convert_element_type3A_1259 = arith.fptosi %add3A_1258 : vector<128x1xf32> to vector<128x1xi32>
    %swap3A_1260 = arith.constant 1280 : index
    %swap3A_1261 = arith.constant 0 : index
    %swap3A_1262 = vector.load %arg7[%swap3A_1260, %swap3A_1261] : memref<2048x1xi32, #tpu.memory_space<vmem>>, vector<128x1xi32>
    tpu.vector_store %arg7[%swap3A_1260, %swap3A_1261], %convert_element_type3A_1259 {strides = array<i32>} : memref<2048x1xi32, #tpu.memory_space<vmem>>, vector<128x1xi32>,
    %mul3A_1263 = arith.constant 7.812500e-03 : f32
    %mul3A_1264 = vector.broadcast %mul3A_1263 : f32 to vector<128x1xf32>
    %mul3A_1265 = arith.mulf %add3A_1258, %mul3A_1264 : vector<128x1xf32>
    %floor3A_1266 = math.floor %mul3A_1265 : vector<128x1xf32>
    %mul3A_1267 = arith.constant 1.280000e+02 : f32
    %mul3A_1268 = vector.broadcast %mul3A_1267 : f32 to vector<128x1xf32>
    %mul3A_1269 = arith.mulf %floor3A_1266, %mul3A_1268 : vector<128x1xf32>
    %sub3A_1270 = arith.subf %add3A_1258, %mul3A_1269 : vector<128x1xf32>
    %convert_element_type3A_1271 = arith.fptosi %floor3A_1266 : vector<128x1xf32> to vector<128x1xi32>
    %eq3A_1272 = vector.broadcast %convert_element_type3A_1271 : vector<128x1xi32> to vector<128x96xi32>
    %eq3A_1273 = arith.cmpi eq, %eq3A_1272, %iota3A_771 : vector<128x96xi32>
    %convert_element_type3A_1274 = arith.extui %eq3A_1273 : vector<128x96xi1> to vector<128x96xi32>
    %convert_element_type3A_1275 = arith.sitofp %convert_element_type3A_1274 : vector<128x96xi32> to vector<128x96xf32>
    %convert_element_type3A_1276 = arith.fptosi %sub3A_1270 : vector<128x1xf32> to vector<128x1xi32>
    %eq3A_1277 = vector.broadcast %convert_element_type3A_1276 : vector<128x1xi32> to vector<128x128xi32>
    %eq3A_1278 = arith.cmpi eq, %eq3A_1277, %iota3A_772 : vector<128x128xi32>
    %convert_element_type3A_1279 = arith.extui %eq3A_1278 : vector<128x128xi1> to vector<128x128xi32>
    %convert_element_type3A_1280 = arith.sitofp %convert_element_type3A_1279 : vector<128x128xi32> to vector<128x128xf32>
    %add3A_1281 = arith.constant 1.280000e+03 : f32
    %add3A_1282 = vector.broadcast %add3A_1281 : f32 to vector<128x1xf32>
    %add3A_1283 = arith.addf %add3A_1282, %convert_element_type3A_770 : vector<128x1xf32>
    %mul3A_1284 = vector.broadcast %add3A_1283 : vector<128x1xf32> to vector<128x96xf32>
    %mul3A_1285 = arith.mulf %convert_element_type3A_1275, %mul3A_1284 : vector<128x96xf32>
    %dot_general3A_1286 = arith.constant dense<0.000000e+00> : vector<96x128xf32>
    %dot_general3A_1287 = tpu.matmul %mul3A_1285, %convert_element_type3A_1280, %dot_general3A_1286 {dimension_numbers = #tpu.dot_dimension_numbers<[0], [0], [1], [1], [0, 1, 1, 1], [], []>, precision = #tpu.contract_precision<fp32>, transpose_lhs_hint = false} : vector<128x96xf32>, vector<128x128xf32>, vector<96x128xf32> -> vector<96x128xf32>
    %add3A_1288 = arith.addf %add3A_1241, %dot_general3A_1287 : vector<96x128xf32>
    %mul3A_1289 = vector.broadcast %slice3A_1248 : vector<128x1xf32> to vector<128x96xf32>
    %mul3A_1290 = arith.mulf %convert_element_type3A_1275, %mul3A_1289 : vector<128x96xf32>
    %dot_general3A_1291 = arith.constant dense<0.000000e+00> : vector<96x128xf32>
    %dot_general3A_1292 = tpu.matmul %mul3A_1290, %convert_element_type3A_1280, %dot_general3A_1291 {dimension_numbers = #tpu.dot_dimension_numbers<[0], [0], [1], [1], [0, 1, 1, 1], [], []>, precision = #tpu.contract_precision<fp32>, transpose_lhs_hint = false} : vector<128x96xf32>, vector<128x128xf32>, vector<96x128xf32> -> vector<96x128xf32>
    %add3A_1293 = arith.addf %add3A_1246, %dot_general3A_1292 : vector<96x128xf32>
    %slice3A_1294 = vector.extract_strided_slice %broadcast_in_dim3A_14 {offsets = [1408, 0], sizes = [128, 1], strides = [1, 1]} : vector<2048x1xi32> to vector<128x1xi32>
    %slice3A_1295 = vector.extract_strided_slice %div3A_35 {offsets = [1408, 0], sizes = [128, 1], strides = [1, 1]} : vector<2048x1xf32> to vector<128x1xf32>
    %eq3A_1296 = vector.broadcast %slice3A_1294 : vector<128x1xi32> to vector<128x64xi32>
    %eq3A_1297 = arith.cmpi eq, %eq3A_1296, %iota3A_40 : vector<128x64xi32>
    %convert_element_type3A_1298 = arith.extui %eq3A_1297 : vector<128x64xi1> to vector<128x64xi32>
    %convert_element_type3A_1299 = arith.sitofp %convert_element_type3A_1298 : vector<128x64xi32> to vector<128x64xf32>
    %mul3A_1300 = vector.broadcast %mul3A_730 : vector<1x64xf32> to vector<128x64xf32>
    %mul3A_1301 = arith.mulf %mul3A_1300, %convert_element_type3A_1299 : vector<128x64xf32>
    %reduce_sum3A_1302 = arith.constant dense<0.000000e+00> : vector<128xf32>
    %reduce_sum3A_1303 = vector.multi_reduction <add>, %mul3A_1301, %reduce_sum3A_1302 [1] : vector<128x64xf32> to vector<128xf32>
    %broadcast_in_dim3A_1304 = vector.shape_cast %reduce_sum3A_1303 : vector<128xf32> to vector<128x1xf32>
    %add3A_1305 = arith.addf %broadcast_in_dim3A_1304, %add3A_290 : vector<128x1xf32>
    %convert_element_type3A_1306 = arith.fptosi %add3A_1305 : vector<128x1xf32> to vector<128x1xi32>
    %swap3A_1307 = arith.constant 1408 : index
    %swap3A_1308 = arith.constant 0 : index
    %swap3A_1309 = vector.load %arg7[%swap3A_1307, %swap3A_1308] : memref<2048x1xi32, #tpu.memory_space<vmem>>, vector<128x1xi32>
    tpu.vector_store %arg7[%swap3A_1307, %swap3A_1308], %convert_element_type3A_1306 {strides = array<i32>} : memref<2048x1xi32, #tpu.memory_space<vmem>>, vector<128x1xi32>,
    %mul3A_1310 = arith.constant 7.812500e-03 : f32
    %mul3A_1311 = vector.broadcast %mul3A_1310 : f32 to vector<128x1xf32>
    %mul3A_1312 = arith.mulf %add3A_1305, %mul3A_1311 : vector<128x1xf32>
    %floor3A_1313 = math.floor %mul3A_1312 : vector<128x1xf32>
    %mul3A_1314 = arith.constant 1.280000e+02 : f32
    %mul3A_1315 = vector.broadcast %mul3A_1314 : f32 to vector<128x1xf32>
    %mul3A_1316 = arith.mulf %floor3A_1313, %mul3A_1315 : vector<128x1xf32>
    %sub3A_1317 = arith.subf %add3A_1305, %mul3A_1316 : vector<128x1xf32>
    %convert_element_type3A_1318 = arith.fptosi %floor3A_1313 : vector<128x1xf32> to vector<128x1xi32>
    %eq3A_1319 = vector.broadcast %convert_element_type3A_1318 : vector<128x1xi32> to vector<128x96xi32>
    %eq3A_1320 = arith.cmpi eq, %eq3A_1319, %iota3A_771 : vector<128x96xi32>
    %convert_element_type3A_1321 = arith.extui %eq3A_1320 : vector<128x96xi1> to vector<128x96xi32>
    %convert_element_type3A_1322 = arith.sitofp %convert_element_type3A_1321 : vector<128x96xi32> to vector<128x96xf32>
    %convert_element_type3A_1323 = arith.fptosi %sub3A_1317 : vector<128x1xf32> to vector<128x1xi32>
    %eq3A_1324 = vector.broadcast %convert_element_type3A_1323 : vector<128x1xi32> to vector<128x128xi32>
    %eq3A_1325 = arith.cmpi eq, %eq3A_1324, %iota3A_772 : vector<128x128xi32>
    %convert_element_type3A_1326 = arith.extui %eq3A_1325 : vector<128x128xi1> to vector<128x128xi32>
    %convert_element_type3A_1327 = arith.sitofp %convert_element_type3A_1326 : vector<128x128xi32> to vector<128x128xf32>
    %add3A_1328 = arith.constant 1.408000e+03 : f32
    %add3A_1329 = vector.broadcast %add3A_1328 : f32 to vector<128x1xf32>
    %add3A_1330 = arith.addf %add3A_1329, %convert_element_type3A_770 : vector<128x1xf32>
    %mul3A_1331 = vector.broadcast %add3A_1330 : vector<128x1xf32> to vector<128x96xf32>
    %mul3A_1332 = arith.mulf %convert_element_type3A_1322, %mul3A_1331 : vector<128x96xf32>
    %dot_general3A_1333 = arith.constant dense<0.000000e+00> : vector<96x128xf32>
    %dot_general3A_1334 = tpu.matmul %mul3A_1332, %convert_element_type3A_1327, %dot_general3A_1333 {dimension_numbers = #tpu.dot_dimension_numbers<[0], [0], [1], [1], [0, 1, 1, 1], [], []>, precision = #tpu.contract_precision<fp32>, transpose_lhs_hint = false} : vector<128x96xf32>, vector<128x128xf32>, vector<96x128xf32> -> vector<96x128xf32>
    %add3A_1335 = arith.addf %add3A_1288, %dot_general3A_1334 : vector<96x128xf32>
    %mul3A_1336 = vector.broadcast %slice3A_1295 : vector<128x1xf32> to vector<128x96xf32>
    %mul3A_1337 = arith.mulf %convert_element_type3A_1322, %mul3A_1336 : vector<128x96xf32>
    %dot_general3A_1338 = arith.constant dense<0.000000e+00> : vector<96x128xf32>
    %dot_general3A_1339 = tpu.matmul %mul3A_1337, %convert_element_type3A_1327, %dot_general3A_1338 {dimension_numbers = #tpu.dot_dimension_numbers<[0], [0], [1], [1], [0, 1, 1, 1], [], []>, precision = #tpu.contract_precision<fp32>, transpose_lhs_hint = false} : vector<128x96xf32>, vector<128x128xf32>, vector<96x128xf32> -> vector<96x128xf32>
    %add3A_1340 = arith.addf %add3A_1293, %dot_general3A_1339 : vector<96x128xf32>
    %slice3A_1341 = vector.extract_strided_slice %broadcast_in_dim3A_14 {offsets = [1536, 0], sizes = [128, 1], strides = [1, 1]} : vector<2048x1xi32> to vector<128x1xi32>
    %slice3A_1342 = vector.extract_strided_slice %div3A_35 {offsets = [1536, 0], sizes = [128, 1], strides = [1, 1]} : vector<2048x1xf32> to vector<128x1xf32>
    %eq3A_1343 = vector.broadcast %slice3A_1341 : vector<128x1xi32> to vector<128x64xi32>
    %eq3A_1344 = arith.cmpi eq, %eq3A_1343, %iota3A_40 : vector<128x64xi32>
    %convert_element_type3A_1345 = arith.extui %eq3A_1344 : vector<128x64xi1> to vector<128x64xi32>
    %convert_element_type3A_1346 = arith.sitofp %convert_element_type3A_1345 : vector<128x64xi32> to vector<128x64xf32>
    %mul3A_1347 = vector.broadcast %mul3A_730 : vector<1x64xf32> to vector<128x64xf32>
    %mul3A_1348 = arith.mulf %mul3A_1347, %convert_element_type3A_1346 : vector<128x64xf32>
    %reduce_sum3A_1349 = arith.constant dense<0.000000e+00> : vector<128xf32>
    %reduce_sum3A_1350 = vector.multi_reduction <add>, %mul3A_1348, %reduce_sum3A_1349 [1] : vector<128x64xf32> to vector<128xf32>
    %broadcast_in_dim3A_1351 = vector.shape_cast %reduce_sum3A_1350 : vector<128xf32> to vector<128x1xf32>
    %add3A_1352 = arith.addf %broadcast_in_dim3A_1351, %add3A_311 : vector<128x1xf32>
    %convert_element_type3A_1353 = arith.fptosi %add3A_1352 : vector<128x1xf32> to vector<128x1xi32>
    %swap3A_1354 = arith.constant 1536 : index
    %swap3A_1355 = arith.constant 0 : index
    %swap3A_1356 = vector.load %arg7[%swap3A_1354, %swap3A_1355] : memref<2048x1xi32, #tpu.memory_space<vmem>>, vector<128x1xi32>
    tpu.vector_store %arg7[%swap3A_1354, %swap3A_1355], %convert_element_type3A_1353 {strides = array<i32>} : memref<2048x1xi32, #tpu.memory_space<vmem>>, vector<128x1xi32>,
    %mul3A_1357 = arith.constant 7.812500e-03 : f32
    %mul3A_1358 = vector.broadcast %mul3A_1357 : f32 to vector<128x1xf32>
    %mul3A_1359 = arith.mulf %add3A_1352, %mul3A_1358 : vector<128x1xf32>
    %floor3A_1360 = math.floor %mul3A_1359 : vector<128x1xf32>
    %mul3A_1361 = arith.constant 1.280000e+02 : f32
    %mul3A_1362 = vector.broadcast %mul3A_1361 : f32 to vector<128x1xf32>
    %mul3A_1363 = arith.mulf %floor3A_1360, %mul3A_1362 : vector<128x1xf32>
    %sub3A_1364 = arith.subf %add3A_1352, %mul3A_1363 : vector<128x1xf32>
    %convert_element_type3A_1365 = arith.fptosi %floor3A_1360 : vector<128x1xf32> to vector<128x1xi32>
    %eq3A_1366 = vector.broadcast %convert_element_type3A_1365 : vector<128x1xi32> to vector<128x96xi32>
    %eq3A_1367 = arith.cmpi eq, %eq3A_1366, %iota3A_771 : vector<128x96xi32>
    %convert_element_type3A_1368 = arith.extui %eq3A_1367 : vector<128x96xi1> to vector<128x96xi32>
    %convert_element_type3A_1369 = arith.sitofp %convert_element_type3A_1368 : vector<128x96xi32> to vector<128x96xf32>
    %convert_element_type3A_1370 = arith.fptosi %sub3A_1364 : vector<128x1xf32> to vector<128x1xi32>
    %eq3A_1371 = vector.broadcast %convert_element_type3A_1370 : vector<128x1xi32> to vector<128x128xi32>
    %eq3A_1372 = arith.cmpi eq, %eq3A_1371, %iota3A_772 : vector<128x128xi32>
    %convert_element_type3A_1373 = arith.extui %eq3A_1372 : vector<128x128xi1> to vector<128x128xi32>
    %convert_element_type3A_1374 = arith.sitofp %convert_element_type3A_1373 : vector<128x128xi32> to vector<128x128xf32>
    %add3A_1375 = arith.constant 1.536000e+03 : f32
    %add3A_1376 = vector.broadcast %add3A_1375 : f32 to vector<128x1xf32>
    %add3A_1377 = arith.addf %add3A_1376, %convert_element_type3A_770 : vector<128x1xf32>
    %mul3A_1378 = vector.broadcast %add3A_1377 : vector<128x1xf32> to vector<128x96xf32>
    %mul3A_1379 = arith.mulf %convert_element_type3A_1369, %mul3A_1378 : vector<128x96xf32>
    %dot_general3A_1380 = arith.constant dense<0.000000e+00> : vector<96x128xf32>
    %dot_general3A_1381 = tpu.matmul %mul3A_1379, %convert_element_type3A_1374, %dot_general3A_1380 {dimension_numbers = #tpu.dot_dimension_numbers<[0], [0], [1], [1], [0, 1, 1, 1], [], []>, precision = #tpu.contract_precision<fp32>, transpose_lhs_hint = false} : vector<128x96xf32>, vector<128x128xf32>, vector<96x128xf32> -> vector<96x128xf32>
    %add3A_1382 = arith.addf %add3A_1335, %dot_general3A_1381 : vector<96x128xf32>
    %mul3A_1383 = vector.broadcast %slice3A_1342 : vector<128x1xf32> to vector<128x96xf32>
    %mul3A_1384 = arith.mulf %convert_element_type3A_1369, %mul3A_1383 : vector<128x96xf32>
    %dot_general3A_1385 = arith.constant dense<0.000000e+00> : vector<96x128xf32>
    %dot_general3A_1386 = tpu.matmul %mul3A_1384, %convert_element_type3A_1374, %dot_general3A_1385 {dimension_numbers = #tpu.dot_dimension_numbers<[0], [0], [1], [1], [0, 1, 1, 1], [], []>, precision = #tpu.contract_precision<fp32>, transpose_lhs_hint = false} : vector<128x96xf32>, vector<128x128xf32>, vector<96x128xf32> -> vector<96x128xf32>
    %add3A_1387 = arith.addf %add3A_1340, %dot_general3A_1386 : vector<96x128xf32>
    %slice3A_1388 = vector.extract_strided_slice %broadcast_in_dim3A_14 {offsets = [1664, 0], sizes = [128, 1], strides = [1, 1]} : vector<2048x1xi32> to vector<128x1xi32>
    %slice3A_1389 = vector.extract_strided_slice %div3A_35 {offsets = [1664, 0], sizes = [128, 1], strides = [1, 1]} : vector<2048x1xf32> to vector<128x1xf32>
    %eq3A_1390 = vector.broadcast %slice3A_1388 : vector<128x1xi32> to vector<128x64xi32>
    %eq3A_1391 = arith.cmpi eq, %eq3A_1390, %iota3A_40 : vector<128x64xi32>
    %convert_element_type3A_1392 = arith.extui %eq3A_1391 : vector<128x64xi1> to vector<128x64xi32>
    %convert_element_type3A_1393 = arith.sitofp %convert_element_type3A_1392 : vector<128x64xi32> to vector<128x64xf32>
    %mul3A_1394 = vector.broadcast %mul3A_730 : vector<1x64xf32> to vector<128x64xf32>
    %mul3A_1395 = arith.mulf %mul3A_1394, %convert_element_type3A_1393 : vector<128x64xf32>
    %reduce_sum3A_1396 = arith.constant dense<0.000000e+00> : vector<128xf32>
    %reduce_sum3A_1397 = vector.multi_reduction <add>, %mul3A_1395, %reduce_sum3A_1396 [1] : vector<128x64xf32> to vector<128xf32>
    %broadcast_in_dim3A_1398 = vector.shape_cast %reduce_sum3A_1397 : vector<128xf32> to vector<128x1xf32>
    %add3A_1399 = arith.addf %broadcast_in_dim3A_1398, %add3A_332 : vector<128x1xf32>
    %convert_element_type3A_1400 = arith.fptosi %add3A_1399 : vector<128x1xf32> to vector<128x1xi32>
    %swap3A_1401 = arith.constant 1664 : index
    %swap3A_1402 = arith.constant 0 : index
    %swap3A_1403 = vector.load %arg7[%swap3A_1401, %swap3A_1402] : memref<2048x1xi32, #tpu.memory_space<vmem>>, vector<128x1xi32>
    tpu.vector_store %arg7[%swap3A_1401, %swap3A_1402], %convert_element_type3A_1400 {strides = array<i32>} : memref<2048x1xi32, #tpu.memory_space<vmem>>, vector<128x1xi32>,
    %mul3A_1404 = arith.constant 7.812500e-03 : f32
    %mul3A_1405 = vector.broadcast %mul3A_1404 : f32 to vector<128x1xf32>
    %mul3A_1406 = arith.mulf %add3A_1399, %mul3A_1405 : vector<128x1xf32>
    %floor3A_1407 = math.floor %mul3A_1406 : vector<128x1xf32>
    %mul3A_1408 = arith.constant 1.280000e+02 : f32
    %mul3A_1409 = vector.broadcast %mul3A_1408 : f32 to vector<128x1xf32>
    %mul3A_1410 = arith.mulf %floor3A_1407, %mul3A_1409 : vector<128x1xf32>
    %sub3A_1411 = arith.subf %add3A_1399, %mul3A_1410 : vector<128x1xf32>
    %convert_element_type3A_1412 = arith.fptosi %floor3A_1407 : vector<128x1xf32> to vector<128x1xi32>
    %eq3A_1413 = vector.broadcast %convert_element_type3A_1412 : vector<128x1xi32> to vector<128x96xi32>
    %eq3A_1414 = arith.cmpi eq, %eq3A_1413, %iota3A_771 : vector<128x96xi32>
    %convert_element_type3A_1415 = arith.extui %eq3A_1414 : vector<128x96xi1> to vector<128x96xi32>
    %convert_element_type3A_1416 = arith.sitofp %convert_element_type3A_1415 : vector<128x96xi32> to vector<128x96xf32>
    %convert_element_type3A_1417 = arith.fptosi %sub3A_1411 : vector<128x1xf32> to vector<128x1xi32>
    %eq3A_1418 = vector.broadcast %convert_element_type3A_1417 : vector<128x1xi32> to vector<128x128xi32>
    %eq3A_1419 = arith.cmpi eq, %eq3A_1418, %iota3A_772 : vector<128x128xi32>
    %convert_element_type3A_1420 = arith.extui %eq3A_1419 : vector<128x128xi1> to vector<128x128xi32>
    %convert_element_type3A_1421 = arith.sitofp %convert_element_type3A_1420 : vector<128x128xi32> to vector<128x128xf32>
    %add3A_1422 = arith.constant 1.664000e+03 : f32
    %add3A_1423 = vector.broadcast %add3A_1422 : f32 to vector<128x1xf32>
    %add3A_1424 = arith.addf %add3A_1423, %convert_element_type3A_770 : vector<128x1xf32>
    %mul3A_1425 = vector.broadcast %add3A_1424 : vector<128x1xf32> to vector<128x96xf32>
    %mul3A_1426 = arith.mulf %convert_element_type3A_1416, %mul3A_1425 : vector<128x96xf32>
    %dot_general3A_1427 = arith.constant dense<0.000000e+00> : vector<96x128xf32>
    %dot_general3A_1428 = tpu.matmul %mul3A_1426, %convert_element_type3A_1421, %dot_general3A_1427 {dimension_numbers = #tpu.dot_dimension_numbers<[0], [0], [1], [1], [0, 1, 1, 1], [], []>, precision = #tpu.contract_precision<fp32>, transpose_lhs_hint = false} : vector<128x96xf32>, vector<128x128xf32>, vector<96x128xf32> -> vector<96x128xf32>
    %add3A_1429 = arith.addf %add3A_1382, %dot_general3A_1428 : vector<96x128xf32>
    %mul3A_1430 = vector.broadcast %slice3A_1389 : vector<128x1xf32> to vector<128x96xf32>
    %mul3A_1431 = arith.mulf %convert_element_type3A_1416, %mul3A_1430 : vector<128x96xf32>
    %dot_general3A_1432 = arith.constant dense<0.000000e+00> : vector<96x128xf32>
    %dot_general3A_1433 = tpu.matmul %mul3A_1431, %convert_element_type3A_1421, %dot_general3A_1432 {dimension_numbers = #tpu.dot_dimension_numbers<[0], [0], [1], [1], [0, 1, 1, 1], [], []>, precision = #tpu.contract_precision<fp32>, transpose_lhs_hint = false} : vector<128x96xf32>, vector<128x128xf32>, vector<96x128xf32> -> vector<96x128xf32>
    %add3A_1434 = arith.addf %add3A_1387, %dot_general3A_1433 : vector<96x128xf32>
    %slice3A_1435 = vector.extract_strided_slice %broadcast_in_dim3A_14 {offsets = [1792, 0], sizes = [128, 1], strides = [1, 1]} : vector<2048x1xi32> to vector<128x1xi32>
    %slice3A_1436 = vector.extract_strided_slice %div3A_35 {offsets = [1792, 0], sizes = [128, 1], strides = [1, 1]} : vector<2048x1xf32> to vector<128x1xf32>
    %eq3A_1437 = vector.broadcast %slice3A_1435 : vector<128x1xi32> to vector<128x64xi32>
    %eq3A_1438 = arith.cmpi eq, %eq3A_1437, %iota3A_40 : vector<128x64xi32>
    %convert_element_type3A_1439 = arith.extui %eq3A_1438 : vector<128x64xi1> to vector<128x64xi32>
    %convert_element_type3A_1440 = arith.sitofp %convert_element_type3A_1439 : vector<128x64xi32> to vector<128x64xf32>
    %mul3A_1441 = vector.broadcast %mul3A_730 : vector<1x64xf32> to vector<128x64xf32>
    %mul3A_1442 = arith.mulf %mul3A_1441, %convert_element_type3A_1440 : vector<128x64xf32>
    %reduce_sum3A_1443 = arith.constant dense<0.000000e+00> : vector<128xf32>
    %reduce_sum3A_1444 = vector.multi_reduction <add>, %mul3A_1442, %reduce_sum3A_1443 [1] : vector<128x64xf32> to vector<128xf32>
    %broadcast_in_dim3A_1445 = vector.shape_cast %reduce_sum3A_1444 : vector<128xf32> to vector<128x1xf32>
    %add3A_1446 = arith.addf %broadcast_in_dim3A_1445, %add3A_353 : vector<128x1xf32>
    %convert_element_type3A_1447 = arith.fptosi %add3A_1446 : vector<128x1xf32> to vector<128x1xi32>
    %swap3A_1448 = arith.constant 1792 : index
    %swap3A_1449 = arith.constant 0 : index
    %swap3A_1450 = vector.load %arg7[%swap3A_1448, %swap3A_1449] : memref<2048x1xi32, #tpu.memory_space<vmem>>, vector<128x1xi32>
    tpu.vector_store %arg7[%swap3A_1448, %swap3A_1449], %convert_element_type3A_1447 {strides = array<i32>} : memref<2048x1xi32, #tpu.memory_space<vmem>>, vector<128x1xi32>,
    %mul3A_1451 = arith.constant 7.812500e-03 : f32
    %mul3A_1452 = vector.broadcast %mul3A_1451 : f32 to vector<128x1xf32>
    %mul3A_1453 = arith.mulf %add3A_1446, %mul3A_1452 : vector<128x1xf32>
    %floor3A_1454 = math.floor %mul3A_1453 : vector<128x1xf32>
    %mul3A_1455 = arith.constant 1.280000e+02 : f32
    %mul3A_1456 = vector.broadcast %mul3A_1455 : f32 to vector<128x1xf32>
    %mul3A_1457 = arith.mulf %floor3A_1454, %mul3A_1456 : vector<128x1xf32>
    %sub3A_1458 = arith.subf %add3A_1446, %mul3A_1457 : vector<128x1xf32>
    %convert_element_type3A_1459 = arith.fptosi %floor3A_1454 : vector<128x1xf32> to vector<128x1xi32>
    %eq3A_1460 = vector.broadcast %convert_element_type3A_1459 : vector<128x1xi32> to vector<128x96xi32>
    %eq3A_1461 = arith.cmpi eq, %eq3A_1460, %iota3A_771 : vector<128x96xi32>
    %convert_element_type3A_1462 = arith.extui %eq3A_1461 : vector<128x96xi1> to vector<128x96xi32>
    %convert_element_type3A_1463 = arith.sitofp %convert_element_type3A_1462 : vector<128x96xi32> to vector<128x96xf32>
    %convert_element_type3A_1464 = arith.fptosi %sub3A_1458 : vector<128x1xf32> to vector<128x1xi32>
    %eq3A_1465 = vector.broadcast %convert_element_type3A_1464 : vector<128x1xi32> to vector<128x128xi32>
    %eq3A_1466 = arith.cmpi eq, %eq3A_1465, %iota3A_772 : vector<128x128xi32>
    %convert_element_type3A_1467 = arith.extui %eq3A_1466 : vector<128x128xi1> to vector<128x128xi32>
    %convert_element_type3A_1468 = arith.sitofp %convert_element_type3A_1467 : vector<128x128xi32> to vector<128x128xf32>
    %add3A_1469 = arith.constant 1.792000e+03 : f32
    %add3A_1470 = vector.broadcast %add3A_1469 : f32 to vector<128x1xf32>
    %add3A_1471 = arith.addf %add3A_1470, %convert_element_type3A_770 : vector<128x1xf32>
    %mul3A_1472 = vector.broadcast %add3A_1471 : vector<128x1xf32> to vector<128x96xf32>
    %mul3A_1473 = arith.mulf %convert_element_type3A_1463, %mul3A_1472 : vector<128x96xf32>
    %dot_general3A_1474 = arith.constant dense<0.000000e+00> : vector<96x128xf32>
    %dot_general3A_1475 = tpu.matmul %mul3A_1473, %convert_element_type3A_1468, %dot_general3A_1474 {dimension_numbers = #tpu.dot_dimension_numbers<[0], [0], [1], [1], [0, 1, 1, 1], [], []>, precision = #tpu.contract_precision<fp32>, transpose_lhs_hint = false} : vector<128x96xf32>, vector<128x128xf32>, vector<96x128xf32> -> vector<96x128xf32>
    %add3A_1476 = arith.addf %add3A_1429, %dot_general3A_1475 : vector<96x128xf32>
    %mul3A_1477 = vector.broadcast %slice3A_1436 : vector<128x1xf32> to vector<128x96xf32>
    %mul3A_1478 = arith.mulf %convert_element_type3A_1463, %mul3A_1477 : vector<128x96xf32>
    %dot_general3A_1479 = arith.constant dense<0.000000e+00> : vector<96x128xf32>
    %dot_general3A_1480 = tpu.matmul %mul3A_1478, %convert_element_type3A_1468, %dot_general3A_1479 {dimension_numbers = #tpu.dot_dimension_numbers<[0], [0], [1], [1], [0, 1, 1, 1], [], []>, precision = #tpu.contract_precision<fp32>, transpose_lhs_hint = false} : vector<128x96xf32>, vector<128x128xf32>, vector<96x128xf32> -> vector<96x128xf32>
    %add3A_1481 = arith.addf %add3A_1434, %dot_general3A_1480 : vector<96x128xf32>
    %slice3A_1482 = vector.extract_strided_slice %broadcast_in_dim3A_14 {offsets = [1920, 0], sizes = [128, 1], strides = [1, 1]} : vector<2048x1xi32> to vector<128x1xi32>
    %slice3A_1483 = vector.extract_strided_slice %div3A_35 {offsets = [1920, 0], sizes = [128, 1], strides = [1, 1]} : vector<2048x1xf32> to vector<128x1xf32>
    %eq3A_1484 = vector.broadcast %slice3A_1482 : vector<128x1xi32> to vector<128x64xi32>
    %eq3A_1485 = arith.cmpi eq, %eq3A_1484, %iota3A_40 : vector<128x64xi32>
    %convert_element_type3A_1486 = arith.extui %eq3A_1485 : vector<128x64xi1> to vector<128x64xi32>
    %convert_element_type3A_1487 = arith.sitofp %convert_element_type3A_1486 : vector<128x64xi32> to vector<128x64xf32>
    %mul3A_1488 = vector.broadcast %mul3A_730 : vector<1x64xf32> to vector<128x64xf32>
    %mul3A_1489 = arith.mulf %mul3A_1488, %convert_element_type3A_1487 : vector<128x64xf32>
    %reduce_sum3A_1490 = arith.constant dense<0.000000e+00> : vector<128xf32>
    %reduce_sum3A_1491 = vector.multi_reduction <add>, %mul3A_1489, %reduce_sum3A_1490 [1] : vector<128x64xf32> to vector<128xf32>
    %broadcast_in_dim3A_1492 = vector.shape_cast %reduce_sum3A_1491 : vector<128xf32> to vector<128x1xf32>
    %add3A_1493 = arith.addf %broadcast_in_dim3A_1492, %add3A_374 : vector<128x1xf32>
    %convert_element_type3A_1494 = arith.fptosi %add3A_1493 : vector<128x1xf32> to vector<128x1xi32>
    %swap3A_1495 = arith.constant 1920 : index
    %swap3A_1496 = arith.constant 0 : index
    %swap3A_1497 = vector.load %arg7[%swap3A_1495, %swap3A_1496] : memref<2048x1xi32, #tpu.memory_space<vmem>>, vector<128x1xi32>
    tpu.vector_store %arg7[%swap3A_1495, %swap3A_1496], %convert_element_type3A_1494 {strides = array<i32>} : memref<2048x1xi32, #tpu.memory_space<vmem>>, vector<128x1xi32>,
    %mul3A_1498 = arith.constant 7.812500e-03 : f32
    %mul3A_1499 = vector.broadcast %mul3A_1498 : f32 to vector<128x1xf32>
    %mul3A_1500 = arith.mulf %add3A_1493, %mul3A_1499 : vector<128x1xf32>
    %floor3A_1501 = math.floor %mul3A_1500 : vector<128x1xf32>
    %mul3A_1502 = arith.constant 1.280000e+02 : f32
    %mul3A_1503 = vector.broadcast %mul3A_1502 : f32 to vector<128x1xf32>
    %mul3A_1504 = arith.mulf %floor3A_1501, %mul3A_1503 : vector<128x1xf32>
    %sub3A_1505 = arith.subf %add3A_1493, %mul3A_1504 : vector<128x1xf32>
    %convert_element_type3A_1506 = arith.fptosi %floor3A_1501 : vector<128x1xf32> to vector<128x1xi32>
    %eq3A_1507 = vector.broadcast %convert_element_type3A_1506 : vector<128x1xi32> to vector<128x96xi32>
    %eq3A_1508 = arith.cmpi eq, %eq3A_1507, %iota3A_771 : vector<128x96xi32>
    %convert_element_type3A_1509 = arith.extui %eq3A_1508 : vector<128x96xi1> to vector<128x96xi32>
    %convert_element_type3A_1510 = arith.sitofp %convert_element_type3A_1509 : vector<128x96xi32> to vector<128x96xf32>
    %convert_element_type3A_1511 = arith.fptosi %sub3A_1505 : vector<128x1xf32> to vector<128x1xi32>
    %eq3A_1512 = vector.broadcast %convert_element_type3A_1511 : vector<128x1xi32> to vector<128x128xi32>
    %eq3A_1513 = arith.cmpi eq, %eq3A_1512, %iota3A_772 : vector<128x128xi32>
    %convert_element_type3A_1514 = arith.extui %eq3A_1513 : vector<128x128xi1> to vector<128x128xi32>
    %convert_element_type3A_1515 = arith.sitofp %convert_element_type3A_1514 : vector<128x128xi32> to vector<128x128xf32>
    %add3A_1516 = arith.constant 1.920000e+03 : f32
    %add3A_1517 = vector.broadcast %add3A_1516 : f32 to vector<128x1xf32>
    %add3A_1518 = arith.addf %add3A_1517, %convert_element_type3A_770 : vector<128x1xf32>
    %mul3A_1519 = vector.broadcast %add3A_1518 : vector<128x1xf32> to vector<128x96xf32>
    %mul3A_1520 = arith.mulf %convert_element_type3A_1510, %mul3A_1519 : vector<128x96xf32>
    %dot_general3A_1521 = arith.constant dense<0.000000e+00> : vector<96x128xf32>
    %dot_general3A_1522 = tpu.matmul %mul3A_1520, %convert_element_type3A_1515, %dot_general3A_1521 {dimension_numbers = #tpu.dot_dimension_numbers<[0], [0], [1], [1], [0, 1, 1, 1], [], []>, precision = #tpu.contract_precision<fp32>, transpose_lhs_hint = false} : vector<128x96xf32>, vector<128x128xf32>, vector<96x128xf32> -> vector<96x128xf32>
    %add3A_1523 = arith.addf %add3A_1476, %dot_general3A_1522 : vector<96x128xf32>
    %mul3A_1524 = vector.broadcast %slice3A_1483 : vector<128x1xf32> to vector<128x96xf32>
    %mul3A_1525 = arith.mulf %convert_element_type3A_1510, %mul3A_1524 : vector<128x96xf32>
    %dot_general3A_1526 = arith.constant dense<0.000000e+00> : vector<96x128xf32>
    %dot_general3A_1527 = tpu.matmul %mul3A_1525, %convert_element_type3A_1515, %dot_general3A_1526 {dimension_numbers = #tpu.dot_dimension_numbers<[0], [0], [1], [1], [0, 1, 1, 1], [], []>, precision = #tpu.contract_precision<fp32>, transpose_lhs_hint = false} : vector<128x96xf32>, vector<128x128xf32>, vector<96x128xf32> -> vector<96x128xf32>
    %add3A_1528 = arith.addf %add3A_1481, %dot_general3A_1527 : vector<96x128xf32>
    %slice3A_1529 = vector.extract_strided_slice %broadcast_in_dim3A_30 {offsets = [0, 0], sizes = [128, 1], strides = [1, 1]} : vector<2048x1xi32> to vector<128x1xi32>
    %slice3A_1530 = vector.extract_strided_slice %div3A_39 {offsets = [0, 0], sizes = [128, 1], strides = [1, 1]} : vector<2048x1xf32> to vector<128x1xf32>
    %eq3A_1531 = vector.broadcast %slice3A_1529 : vector<128x1xi32> to vector<128x64xi32>
    %eq3A_1532 = arith.cmpi eq, %eq3A_1531, %iota3A_40 : vector<128x64xi32>
    %convert_element_type3A_1533 = arith.extui %eq3A_1532 : vector<128x64xi1> to vector<128x64xi32>
    %convert_element_type3A_1534 = arith.sitofp %convert_element_type3A_1533 : vector<128x64xi32> to vector<128x64xf32>
    %mul3A_1535 = vector.broadcast %mul3A_730 : vector<1x64xf32> to vector<128x64xf32>
    %mul3A_1536 = arith.mulf %mul3A_1535, %convert_element_type3A_1534 : vector<128x64xf32>
    %reduce_sum3A_1537 = arith.constant dense<0.000000e+00> : vector<128xf32>
    %reduce_sum3A_1538 = vector.multi_reduction <add>, %mul3A_1536, %reduce_sum3A_1537 [1] : vector<128x64xf32> to vector<128xf32>
    %broadcast_in_dim3A_1539 = vector.shape_cast %reduce_sum3A_1538 : vector<128xf32> to vector<128x1xf32>
    %add3A_1540 = arith.addf %broadcast_in_dim3A_1539, %add3A_395 : vector<128x1xf32>
    %convert_element_type3A_1541 = arith.fptosi %add3A_1540 : vector<128x1xf32> to vector<128x1xi32>
    %swap3A_1542 = arith.constant 0 : index
    %swap3A_1543 = arith.constant 0 : index
    %swap3A_1544 = vector.load %arg8[%swap3A_1542, %swap3A_1543] : memref<2048x1xi32, #tpu.memory_space<vmem>>, vector<128x1xi32>
    tpu.vector_store %arg8[%swap3A_1542, %swap3A_1543], %convert_element_type3A_1541 {strides = array<i32>} : memref<2048x1xi32, #tpu.memory_space<vmem>>, vector<128x1xi32>,
    %mul3A_1545 = arith.constant 7.812500e-03 : f32
    %mul3A_1546 = vector.broadcast %mul3A_1545 : f32 to vector<128x1xf32>
    %mul3A_1547 = arith.mulf %add3A_1540, %mul3A_1546 : vector<128x1xf32>
    %floor3A_1548 = math.floor %mul3A_1547 : vector<128x1xf32>
    %mul3A_1549 = arith.constant 1.280000e+02 : f32
    %mul3A_1550 = vector.broadcast %mul3A_1549 : f32 to vector<128x1xf32>
    %mul3A_1551 = arith.mulf %floor3A_1548, %mul3A_1550 : vector<128x1xf32>
    %sub3A_1552 = arith.subf %add3A_1540, %mul3A_1551 : vector<128x1xf32>
    %convert_element_type3A_1553 = arith.fptosi %floor3A_1548 : vector<128x1xf32> to vector<128x1xi32>
    %eq3A_1554 = vector.broadcast %convert_element_type3A_1553 : vector<128x1xi32> to vector<128x96xi32>
    %eq3A_1555 = arith.cmpi eq, %eq3A_1554, %iota3A_771 : vector<128x96xi32>
    %convert_element_type3A_1556 = arith.extui %eq3A_1555 : vector<128x96xi1> to vector<128x96xi32>
    %convert_element_type3A_1557 = arith.sitofp %convert_element_type3A_1556 : vector<128x96xi32> to vector<128x96xf32>
    %convert_element_type3A_1558 = arith.fptosi %sub3A_1552 : vector<128x1xf32> to vector<128x1xi32>
    %eq3A_1559 = vector.broadcast %convert_element_type3A_1558 : vector<128x1xi32> to vector<128x128xi32>
    %eq3A_1560 = arith.cmpi eq, %eq3A_1559, %iota3A_772 : vector<128x128xi32>
    %convert_element_type3A_1561 = arith.extui %eq3A_1560 : vector<128x128xi1> to vector<128x128xi32>
    %convert_element_type3A_1562 = arith.sitofp %convert_element_type3A_1561 : vector<128x128xi32> to vector<128x128xf32>
    %add3A_1563 = arith.constant 0.000000e+00 : f32
    %add3A_1564 = vector.broadcast %add3A_1563 : f32 to vector<128x1xf32>
    %add3A_1565 = arith.addf %add3A_1564, %convert_element_type3A_770 : vector<128x1xf32>
    %mul3A_1566 = vector.broadcast %add3A_1565 : vector<128x1xf32> to vector<128x96xf32>
    %mul3A_1567 = arith.mulf %convert_element_type3A_1557, %mul3A_1566 : vector<128x96xf32>
    %dot_general3A_1568 = arith.constant dense<0.000000e+00> : vector<96x128xf32>
    %dot_general3A_1569 = tpu.matmul %mul3A_1567, %convert_element_type3A_1562, %dot_general3A_1568 {dimension_numbers = #tpu.dot_dimension_numbers<[0], [0], [1], [1], [0, 1, 1, 1], [], []>, precision = #tpu.contract_precision<fp32>, transpose_lhs_hint = false} : vector<128x96xf32>, vector<128x128xf32>, vector<96x128xf32> -> vector<96x128xf32>
    %add3A_1570 = arith.addf %add3A_1523, %dot_general3A_1569 : vector<96x128xf32>
    %mul3A_1571 = vector.broadcast %slice3A_1530 : vector<128x1xf32> to vector<128x96xf32>
    %mul3A_1572 = arith.mulf %convert_element_type3A_1557, %mul3A_1571 : vector<128x96xf32>
    %dot_general3A_1573 = arith.constant dense<0.000000e+00> : vector<96x128xf32>
    %dot_general3A_1574 = tpu.matmul %mul3A_1572, %convert_element_type3A_1562, %dot_general3A_1573 {dimension_numbers = #tpu.dot_dimension_numbers<[0], [0], [1], [1], [0, 1, 1, 1], [], []>, precision = #tpu.contract_precision<fp32>, transpose_lhs_hint = false} : vector<128x96xf32>, vector<128x128xf32>, vector<96x128xf32> -> vector<96x128xf32>
    %add3A_1575 = arith.addf %add3A_1528, %dot_general3A_1574 : vector<96x128xf32>
    %slice3A_1576 = vector.extract_strided_slice %broadcast_in_dim3A_30 {offsets = [128, 0], sizes = [128, 1], strides = [1, 1]} : vector<2048x1xi32> to vector<128x1xi32>
    %slice3A_1577 = vector.extract_strided_slice %div3A_39 {offsets = [128, 0], sizes = [128, 1], strides = [1, 1]} : vector<2048x1xf32> to vector<128x1xf32>
    %eq3A_1578 = vector.broadcast %slice3A_1576 : vector<128x1xi32> to vector<128x64xi32>
    %eq3A_1579 = arith.cmpi eq, %eq3A_1578, %iota3A_40 : vector<128x64xi32>
    %convert_element_type3A_1580 = arith.extui %eq3A_1579 : vector<128x64xi1> to vector<128x64xi32>
    %convert_element_type3A_1581 = arith.sitofp %convert_element_type3A_1580 : vector<128x64xi32> to vector<128x64xf32>
    %mul3A_1582 = vector.broadcast %mul3A_730 : vector<1x64xf32> to vector<128x64xf32>
    %mul3A_1583 = arith.mulf %mul3A_1582, %convert_element_type3A_1581 : vector<128x64xf32>
    %reduce_sum3A_1584 = arith.constant dense<0.000000e+00> : vector<128xf32>
    %reduce_sum3A_1585 = vector.multi_reduction <add>, %mul3A_1583, %reduce_sum3A_1584 [1] : vector<128x64xf32> to vector<128xf32>
    %broadcast_in_dim3A_1586 = vector.shape_cast %reduce_sum3A_1585 : vector<128xf32> to vector<128x1xf32>
    %add3A_1587 = arith.addf %broadcast_in_dim3A_1586, %add3A_416 : vector<128x1xf32>
    %convert_element_type3A_1588 = arith.fptosi %add3A_1587 : vector<128x1xf32> to vector<128x1xi32>
    %swap3A_1589 = arith.constant 128 : index
    %swap3A_1590 = arith.constant 0 : index
    %swap3A_1591 = vector.load %arg8[%swap3A_1589, %swap3A_1590] : memref<2048x1xi32, #tpu.memory_space<vmem>>, vector<128x1xi32>
    tpu.vector_store %arg8[%swap3A_1589, %swap3A_1590], %convert_element_type3A_1588 {strides = array<i32>} : memref<2048x1xi32, #tpu.memory_space<vmem>>, vector<128x1xi32>,
    %mul3A_1592 = arith.constant 7.812500e-03 : f32
    %mul3A_1593 = vector.broadcast %mul3A_1592 : f32 to vector<128x1xf32>
    %mul3A_1594 = arith.mulf %add3A_1587, %mul3A_1593 : vector<128x1xf32>
    %floor3A_1595 = math.floor %mul3A_1594 : vector<128x1xf32>
    %mul3A_1596 = arith.constant 1.280000e+02 : f32
    %mul3A_1597 = vector.broadcast %mul3A_1596 : f32 to vector<128x1xf32>
    %mul3A_1598 = arith.mulf %floor3A_1595, %mul3A_1597 : vector<128x1xf32>
    %sub3A_1599 = arith.subf %add3A_1587, %mul3A_1598 : vector<128x1xf32>
    %convert_element_type3A_1600 = arith.fptosi %floor3A_1595 : vector<128x1xf32> to vector<128x1xi32>
    %eq3A_1601 = vector.broadcast %convert_element_type3A_1600 : vector<128x1xi32> to vector<128x96xi32>
    %eq3A_1602 = arith.cmpi eq, %eq3A_1601, %iota3A_771 : vector<128x96xi32>
    %convert_element_type3A_1603 = arith.extui %eq3A_1602 : vector<128x96xi1> to vector<128x96xi32>
    %convert_element_type3A_1604 = arith.sitofp %convert_element_type3A_1603 : vector<128x96xi32> to vector<128x96xf32>
    %convert_element_type3A_1605 = arith.fptosi %sub3A_1599 : vector<128x1xf32> to vector<128x1xi32>
    %eq3A_1606 = vector.broadcast %convert_element_type3A_1605 : vector<128x1xi32> to vector<128x128xi32>
    %eq3A_1607 = arith.cmpi eq, %eq3A_1606, %iota3A_772 : vector<128x128xi32>
    %convert_element_type3A_1608 = arith.extui %eq3A_1607 : vector<128x128xi1> to vector<128x128xi32>
    %convert_element_type3A_1609 = arith.sitofp %convert_element_type3A_1608 : vector<128x128xi32> to vector<128x128xf32>
    %add3A_1610 = arith.constant 1.280000e+02 : f32
    %add3A_1611 = vector.broadcast %add3A_1610 : f32 to vector<128x1xf32>
    %add3A_1612 = arith.addf %add3A_1611, %convert_element_type3A_770 : vector<128x1xf32>
    %mul3A_1613 = vector.broadcast %add3A_1612 : vector<128x1xf32> to vector<128x96xf32>
    %mul3A_1614 = arith.mulf %convert_element_type3A_1604, %mul3A_1613 : vector<128x96xf32>
    %dot_general3A_1615 = arith.constant dense<0.000000e+00> : vector<96x128xf32>
    %dot_general3A_1616 = tpu.matmul %mul3A_1614, %convert_element_type3A_1609, %dot_general3A_1615 {dimension_numbers = #tpu.dot_dimension_numbers<[0], [0], [1], [1], [0, 1, 1, 1], [], []>, precision = #tpu.contract_precision<fp32>, transpose_lhs_hint = false} : vector<128x96xf32>, vector<128x128xf32>, vector<96x128xf32> -> vector<96x128xf32>
    %add3A_1617 = arith.addf %add3A_1570, %dot_general3A_1616 : vector<96x128xf32>
    %mul3A_1618 = vector.broadcast %slice3A_1577 : vector<128x1xf32> to vector<128x96xf32>
    %mul3A_1619 = arith.mulf %convert_element_type3A_1604, %mul3A_1618 : vector<128x96xf32>
    %dot_general3A_1620 = arith.constant dense<0.000000e+00> : vector<96x128xf32>
    %dot_general3A_1621 = tpu.matmul %mul3A_1619, %convert_element_type3A_1609, %dot_general3A_1620 {dimension_numbers = #tpu.dot_dimension_numbers<[0], [0], [1], [1], [0, 1, 1, 1], [], []>, precision = #tpu.contract_precision<fp32>, transpose_lhs_hint = false} : vector<128x96xf32>, vector<128x128xf32>, vector<96x128xf32> -> vector<96x128xf32>
    %add3A_1622 = arith.addf %add3A_1575, %dot_general3A_1621 : vector<96x128xf32>
    %slice3A_1623 = vector.extract_strided_slice %broadcast_in_dim3A_30 {offsets = [256, 0], sizes = [128, 1], strides = [1, 1]} : vector<2048x1xi32> to vector<128x1xi32>
    %slice3A_1624 = vector.extract_strided_slice %div3A_39 {offsets = [256, 0], sizes = [128, 1], strides = [1, 1]} : vector<2048x1xf32> to vector<128x1xf32>
    %eq3A_1625 = vector.broadcast %slice3A_1623 : vector<128x1xi32> to vector<128x64xi32>
    %eq3A_1626 = arith.cmpi eq, %eq3A_1625, %iota3A_40 : vector<128x64xi32>
    %convert_element_type3A_1627 = arith.extui %eq3A_1626 : vector<128x64xi1> to vector<128x64xi32>
    %convert_element_type3A_1628 = arith.sitofp %convert_element_type3A_1627 : vector<128x64xi32> to vector<128x64xf32>
    %mul3A_1629 = vector.broadcast %mul3A_730 : vector<1x64xf32> to vector<128x64xf32>
    %mul3A_1630 = arith.mulf %mul3A_1629, %convert_element_type3A_1628 : vector<128x64xf32>
    %reduce_sum3A_1631 = arith.constant dense<0.000000e+00> : vector<128xf32>
    %reduce_sum3A_1632 = vector.multi_reduction <add>, %mul3A_1630, %reduce_sum3A_1631 [1] : vector<128x64xf32> to vector<128xf32>
    %broadcast_in_dim3A_1633 = vector.shape_cast %reduce_sum3A_1632 : vector<128xf32> to vector<128x1xf32>
    %add3A_1634 = arith.addf %broadcast_in_dim3A_1633, %add3A_437 : vector<128x1xf32>
    %convert_element_type3A_1635 = arith.fptosi %add3A_1634 : vector<128x1xf32> to vector<128x1xi32>
    %swap3A_1636 = arith.constant 256 : index
    %swap3A_1637 = arith.constant 0 : index
    %swap3A_1638 = vector.load %arg8[%swap3A_1636, %swap3A_1637] : memref<2048x1xi32, #tpu.memory_space<vmem>>, vector<128x1xi32>
    tpu.vector_store %arg8[%swap3A_1636, %swap3A_1637], %convert_element_type3A_1635 {strides = array<i32>} : memref<2048x1xi32, #tpu.memory_space<vmem>>, vector<128x1xi32>,
    %mul3A_1639 = arith.constant 7.812500e-03 : f32
    %mul3A_1640 = vector.broadcast %mul3A_1639 : f32 to vector<128x1xf32>
    %mul3A_1641 = arith.mulf %add3A_1634, %mul3A_1640 : vector<128x1xf32>
    %floor3A_1642 = math.floor %mul3A_1641 : vector<128x1xf32>
    %mul3A_1643 = arith.constant 1.280000e+02 : f32
    %mul3A_1644 = vector.broadcast %mul3A_1643 : f32 to vector<128x1xf32>
    %mul3A_1645 = arith.mulf %floor3A_1642, %mul3A_1644 : vector<128x1xf32>
    %sub3A_1646 = arith.subf %add3A_1634, %mul3A_1645 : vector<128x1xf32>
    %convert_element_type3A_1647 = arith.fptosi %floor3A_1642 : vector<128x1xf32> to vector<128x1xi32>
    %eq3A_1648 = vector.broadcast %convert_element_type3A_1647 : vector<128x1xi32> to vector<128x96xi32>
    %eq3A_1649 = arith.cmpi eq, %eq3A_1648, %iota3A_771 : vector<128x96xi32>
    %convert_element_type3A_1650 = arith.extui %eq3A_1649 : vector<128x96xi1> to vector<128x96xi32>
    %convert_element_type3A_1651 = arith.sitofp %convert_element_type3A_1650 : vector<128x96xi32> to vector<128x96xf32>
    %convert_element_type3A_1652 = arith.fptosi %sub3A_1646 : vector<128x1xf32> to vector<128x1xi32>
    %eq3A_1653 = vector.broadcast %convert_element_type3A_1652 : vector<128x1xi32> to vector<128x128xi32>
    %eq3A_1654 = arith.cmpi eq, %eq3A_1653, %iota3A_772 : vector<128x128xi32>
    %convert_element_type3A_1655 = arith.extui %eq3A_1654 : vector<128x128xi1> to vector<128x128xi32>
    %convert_element_type3A_1656 = arith.sitofp %convert_element_type3A_1655 : vector<128x128xi32> to vector<128x128xf32>
    %add3A_1657 = arith.constant 2.560000e+02 : f32
    %add3A_1658 = vector.broadcast %add3A_1657 : f32 to vector<128x1xf32>
    %add3A_1659 = arith.addf %add3A_1658, %convert_element_type3A_770 : vector<128x1xf32>
    %mul3A_1660 = vector.broadcast %add3A_1659 : vector<128x1xf32> to vector<128x96xf32>
    %mul3A_1661 = arith.mulf %convert_element_type3A_1651, %mul3A_1660 : vector<128x96xf32>
    %dot_general3A_1662 = arith.constant dense<0.000000e+00> : vector<96x128xf32>
    %dot_general3A_1663 = tpu.matmul %mul3A_1661, %convert_element_type3A_1656, %dot_general3A_1662 {dimension_numbers = #tpu.dot_dimension_numbers<[0], [0], [1], [1], [0, 1, 1, 1], [], []>, precision = #tpu.contract_precision<fp32>, transpose_lhs_hint = false} : vector<128x96xf32>, vector<128x128xf32>, vector<96x128xf32> -> vector<96x128xf32>
    %add3A_1664 = arith.addf %add3A_1617, %dot_general3A_1663 : vector<96x128xf32>
    %mul3A_1665 = vector.broadcast %slice3A_1624 : vector<128x1xf32> to vector<128x96xf32>
    %mul3A_1666 = arith.mulf %convert_element_type3A_1651, %mul3A_1665 : vector<128x96xf32>
    %dot_general3A_1667 = arith.constant dense<0.000000e+00> : vector<96x128xf32>
    %dot_general3A_1668 = tpu.matmul %mul3A_1666, %convert_element_type3A_1656, %dot_general3A_1667 {dimension_numbers = #tpu.dot_dimension_numbers<[0], [0], [1], [1], [0, 1, 1, 1], [], []>, precision = #tpu.contract_precision<fp32>, transpose_lhs_hint = false} : vector<128x96xf32>, vector<128x128xf32>, vector<96x128xf32> -> vector<96x128xf32>
    %add3A_1669 = arith.addf %add3A_1622, %dot_general3A_1668 : vector<96x128xf32>
    %slice3A_1670 = vector.extract_strided_slice %broadcast_in_dim3A_30 {offsets = [384, 0], sizes = [128, 1], strides = [1, 1]} : vector<2048x1xi32> to vector<128x1xi32>
    %slice3A_1671 = vector.extract_strided_slice %div3A_39 {offsets = [384, 0], sizes = [128, 1], strides = [1, 1]} : vector<2048x1xf32> to vector<128x1xf32>
    %eq3A_1672 = vector.broadcast %slice3A_1670 : vector<128x1xi32> to vector<128x64xi32>
    %eq3A_1673 = arith.cmpi eq, %eq3A_1672, %iota3A_40 : vector<128x64xi32>
    %convert_element_type3A_1674 = arith.extui %eq3A_1673 : vector<128x64xi1> to vector<128x64xi32>
    %convert_element_type3A_1675 = arith.sitofp %convert_element_type3A_1674 : vector<128x64xi32> to vector<128x64xf32>
    %mul3A_1676 = vector.broadcast %mul3A_730 : vector<1x64xf32> to vector<128x64xf32>
    %mul3A_1677 = arith.mulf %mul3A_1676, %convert_element_type3A_1675 : vector<128x64xf32>
    %reduce_sum3A_1678 = arith.constant dense<0.000000e+00> : vector<128xf32>
    %reduce_sum3A_1679 = vector.multi_reduction <add>, %mul3A_1677, %reduce_sum3A_1678 [1] : vector<128x64xf32> to vector<128xf32>
    %broadcast_in_dim3A_1680 = vector.shape_cast %reduce_sum3A_1679 : vector<128xf32> to vector<128x1xf32>
    %add3A_1681 = arith.addf %broadcast_in_dim3A_1680, %add3A_458 : vector<128x1xf32>
    %convert_element_type3A_1682 = arith.fptosi %add3A_1681 : vector<128x1xf32> to vector<128x1xi32>
    %swap3A_1683 = arith.constant 384 : index
    %swap3A_1684 = arith.constant 0 : index
    %swap3A_1685 = vector.load %arg8[%swap3A_1683, %swap3A_1684] : memref<2048x1xi32, #tpu.memory_space<vmem>>, vector<128x1xi32>
    tpu.vector_store %arg8[%swap3A_1683, %swap3A_1684], %convert_element_type3A_1682 {strides = array<i32>} : memref<2048x1xi32, #tpu.memory_space<vmem>>, vector<128x1xi32>,
    %mul3A_1686 = arith.constant 7.812500e-03 : f32
    %mul3A_1687 = vector.broadcast %mul3A_1686 : f32 to vector<128x1xf32>
    %mul3A_1688 = arith.mulf %add3A_1681, %mul3A_1687 : vector<128x1xf32>
    %floor3A_1689 = math.floor %mul3A_1688 : vector<128x1xf32>
    %mul3A_1690 = arith.constant 1.280000e+02 : f32
    %mul3A_1691 = vector.broadcast %mul3A_1690 : f32 to vector<128x1xf32>
    %mul3A_1692 = arith.mulf %floor3A_1689, %mul3A_1691 : vector<128x1xf32>
    %sub3A_1693 = arith.subf %add3A_1681, %mul3A_1692 : vector<128x1xf32>
    %convert_element_type3A_1694 = arith.fptosi %floor3A_1689 : vector<128x1xf32> to vector<128x1xi32>
    %eq3A_1695 = vector.broadcast %convert_element_type3A_1694 : vector<128x1xi32> to vector<128x96xi32>
    %eq3A_1696 = arith.cmpi eq, %eq3A_1695, %iota3A_771 : vector<128x96xi32>
    %convert_element_type3A_1697 = arith.extui %eq3A_1696 : vector<128x96xi1> to vector<128x96xi32>
    %convert_element_type3A_1698 = arith.sitofp %convert_element_type3A_1697 : vector<128x96xi32> to vector<128x96xf32>
    %convert_element_type3A_1699 = arith.fptosi %sub3A_1693 : vector<128x1xf32> to vector<128x1xi32>
    %eq3A_1700 = vector.broadcast %convert_element_type3A_1699 : vector<128x1xi32> to vector<128x128xi32>
    %eq3A_1701 = arith.cmpi eq, %eq3A_1700, %iota3A_772 : vector<128x128xi32>
    %convert_element_type3A_1702 = arith.extui %eq3A_1701 : vector<128x128xi1> to vector<128x128xi32>
    %convert_element_type3A_1703 = arith.sitofp %convert_element_type3A_1702 : vector<128x128xi32> to vector<128x128xf32>
    %add3A_1704 = arith.constant 3.840000e+02 : f32
    %add3A_1705 = vector.broadcast %add3A_1704 : f32 to vector<128x1xf32>
    %add3A_1706 = arith.addf %add3A_1705, %convert_element_type3A_770 : vector<128x1xf32>
    %mul3A_1707 = vector.broadcast %add3A_1706 : vector<128x1xf32> to vector<128x96xf32>
    %mul3A_1708 = arith.mulf %convert_element_type3A_1698, %mul3A_1707 : vector<128x96xf32>
    %dot_general3A_1709 = arith.constant dense<0.000000e+00> : vector<96x128xf32>
    %dot_general3A_1710 = tpu.matmul %mul3A_1708, %convert_element_type3A_1703, %dot_general3A_1709 {dimension_numbers = #tpu.dot_dimension_numbers<[0], [0], [1], [1], [0, 1, 1, 1], [], []>, precision = #tpu.contract_precision<fp32>, transpose_lhs_hint = false} : vector<128x96xf32>, vector<128x128xf32>, vector<96x128xf32> -> vector<96x128xf32>
    %add3A_1711 = arith.addf %add3A_1664, %dot_general3A_1710 : vector<96x128xf32>
    %mul3A_1712 = vector.broadcast %slice3A_1671 : vector<128x1xf32> to vector<128x96xf32>
    %mul3A_1713 = arith.mulf %convert_element_type3A_1698, %mul3A_1712 : vector<128x96xf32>
    %dot_general3A_1714 = arith.constant dense<0.000000e+00> : vector<96x128xf32>
    %dot_general3A_1715 = tpu.matmul %mul3A_1713, %convert_element_type3A_1703, %dot_general3A_1714 {dimension_numbers = #tpu.dot_dimension_numbers<[0], [0], [1], [1], [0, 1, 1, 1], [], []>, precision = #tpu.contract_precision<fp32>, transpose_lhs_hint = false} : vector<128x96xf32>, vector<128x128xf32>, vector<96x128xf32> -> vector<96x128xf32>
    %add3A_1716 = arith.addf %add3A_1669, %dot_general3A_1715 : vector<96x128xf32>
    %slice3A_1717 = vector.extract_strided_slice %broadcast_in_dim3A_30 {offsets = [512, 0], sizes = [128, 1], strides = [1, 1]} : vector<2048x1xi32> to vector<128x1xi32>
    %slice3A_1718 = vector.extract_strided_slice %div3A_39 {offsets = [512, 0], sizes = [128, 1], strides = [1, 1]} : vector<2048x1xf32> to vector<128x1xf32>
    %eq3A_1719 = vector.broadcast %slice3A_1717 : vector<128x1xi32> to vector<128x64xi32>
    %eq3A_1720 = arith.cmpi eq, %eq3A_1719, %iota3A_40 : vector<128x64xi32>
    %convert_element_type3A_1721 = arith.extui %eq3A_1720 : vector<128x64xi1> to vector<128x64xi32>
    %convert_element_type3A_1722 = arith.sitofp %convert_element_type3A_1721 : vector<128x64xi32> to vector<128x64xf32>
    %mul3A_1723 = vector.broadcast %mul3A_730 : vector<1x64xf32> to vector<128x64xf32>
    %mul3A_1724 = arith.mulf %mul3A_1723, %convert_element_type3A_1722 : vector<128x64xf32>
    %reduce_sum3A_1725 = arith.constant dense<0.000000e+00> : vector<128xf32>
    %reduce_sum3A_1726 = vector.multi_reduction <add>, %mul3A_1724, %reduce_sum3A_1725 [1] : vector<128x64xf32> to vector<128xf32>
    %broadcast_in_dim3A_1727 = vector.shape_cast %reduce_sum3A_1726 : vector<128xf32> to vector<128x1xf32>
    %add3A_1728 = arith.addf %broadcast_in_dim3A_1727, %add3A_479 : vector<128x1xf32>
    %convert_element_type3A_1729 = arith.fptosi %add3A_1728 : vector<128x1xf32> to vector<128x1xi32>
    %swap3A_1730 = arith.constant 512 : index
    %swap3A_1731 = arith.constant 0 : index
    %swap3A_1732 = vector.load %arg8[%swap3A_1730, %swap3A_1731] : memref<2048x1xi32, #tpu.memory_space<vmem>>, vector<128x1xi32>
    tpu.vector_store %arg8[%swap3A_1730, %swap3A_1731], %convert_element_type3A_1729 {strides = array<i32>} : memref<2048x1xi32, #tpu.memory_space<vmem>>, vector<128x1xi32>,
    %mul3A_1733 = arith.constant 7.812500e-03 : f32
    %mul3A_1734 = vector.broadcast %mul3A_1733 : f32 to vector<128x1xf32>
    %mul3A_1735 = arith.mulf %add3A_1728, %mul3A_1734 : vector<128x1xf32>
    %floor3A_1736 = math.floor %mul3A_1735 : vector<128x1xf32>
    %mul3A_1737 = arith.constant 1.280000e+02 : f32
    %mul3A_1738 = vector.broadcast %mul3A_1737 : f32 to vector<128x1xf32>
    %mul3A_1739 = arith.mulf %floor3A_1736, %mul3A_1738 : vector<128x1xf32>
    %sub3A_1740 = arith.subf %add3A_1728, %mul3A_1739 : vector<128x1xf32>
    %convert_element_type3A_1741 = arith.fptosi %floor3A_1736 : vector<128x1xf32> to vector<128x1xi32>
    %eq3A_1742 = vector.broadcast %convert_element_type3A_1741 : vector<128x1xi32> to vector<128x96xi32>
    %eq3A_1743 = arith.cmpi eq, %eq3A_1742, %iota3A_771 : vector<128x96xi32>
    %convert_element_type3A_1744 = arith.extui %eq3A_1743 : vector<128x96xi1> to vector<128x96xi32>
    %convert_element_type3A_1745 = arith.sitofp %convert_element_type3A_1744 : vector<128x96xi32> to vector<128x96xf32>
    %convert_element_type3A_1746 = arith.fptosi %sub3A_1740 : vector<128x1xf32> to vector<128x1xi32>
    %eq3A_1747 = vector.broadcast %convert_element_type3A_1746 : vector<128x1xi32> to vector<128x128xi32>
    %eq3A_1748 = arith.cmpi eq, %eq3A_1747, %iota3A_772 : vector<128x128xi32>
    %convert_element_type3A_1749 = arith.extui %eq3A_1748 : vector<128x128xi1> to vector<128x128xi32>
    %convert_element_type3A_1750 = arith.sitofp %convert_element_type3A_1749 : vector<128x128xi32> to vector<128x128xf32>
    %add3A_1751 = arith.constant 5.120000e+02 : f32
    %add3A_1752 = vector.broadcast %add3A_1751 : f32 to vector<128x1xf32>
    %add3A_1753 = arith.addf %add3A_1752, %convert_element_type3A_770 : vector<128x1xf32>
    %mul3A_1754 = vector.broadcast %add3A_1753 : vector<128x1xf32> to vector<128x96xf32>
    %mul3A_1755 = arith.mulf %convert_element_type3A_1745, %mul3A_1754 : vector<128x96xf32>
    %dot_general3A_1756 = arith.constant dense<0.000000e+00> : vector<96x128xf32>
    %dot_general3A_1757 = tpu.matmul %mul3A_1755, %convert_element_type3A_1750, %dot_general3A_1756 {dimension_numbers = #tpu.dot_dimension_numbers<[0], [0], [1], [1], [0, 1, 1, 1], [], []>, precision = #tpu.contract_precision<fp32>, transpose_lhs_hint = false} : vector<128x96xf32>, vector<128x128xf32>, vector<96x128xf32> -> vector<96x128xf32>
    %add3A_1758 = arith.addf %add3A_1711, %dot_general3A_1757 : vector<96x128xf32>
    %mul3A_1759 = vector.broadcast %slice3A_1718 : vector<128x1xf32> to vector<128x96xf32>
    %mul3A_1760 = arith.mulf %convert_element_type3A_1745, %mul3A_1759 : vector<128x96xf32>
    %dot_general3A_1761 = arith.constant dense<0.000000e+00> : vector<96x128xf32>
    %dot_general3A_1762 = tpu.matmul %mul3A_1760, %convert_element_type3A_1750, %dot_general3A_1761 {dimension_numbers = #tpu.dot_dimension_numbers<[0], [0], [1], [1], [0, 1, 1, 1], [], []>, precision = #tpu.contract_precision<fp32>, transpose_lhs_hint = false} : vector<128x96xf32>, vector<128x128xf32>, vector<96x128xf32> -> vector<96x128xf32>
    %add3A_1763 = arith.addf %add3A_1716, %dot_general3A_1762 : vector<96x128xf32>
    %slice3A_1764 = vector.extract_strided_slice %broadcast_in_dim3A_30 {offsets = [640, 0], sizes = [128, 1], strides = [1, 1]} : vector<2048x1xi32> to vector<128x1xi32>
    %slice3A_1765 = vector.extract_strided_slice %div3A_39 {offsets = [640, 0], sizes = [128, 1], strides = [1, 1]} : vector<2048x1xf32> to vector<128x1xf32>
    %eq3A_1766 = vector.broadcast %slice3A_1764 : vector<128x1xi32> to vector<128x64xi32>
    %eq3A_1767 = arith.cmpi eq, %eq3A_1766, %iota3A_40 : vector<128x64xi32>
    %convert_element_type3A_1768 = arith.extui %eq3A_1767 : vector<128x64xi1> to vector<128x64xi32>
    %convert_element_type3A_1769 = arith.sitofp %convert_element_type3A_1768 : vector<128x64xi32> to vector<128x64xf32>
    %mul3A_1770 = vector.broadcast %mul3A_730 : vector<1x64xf32> to vector<128x64xf32>
    %mul3A_1771 = arith.mulf %mul3A_1770, %convert_element_type3A_1769 : vector<128x64xf32>
    %reduce_sum3A_1772 = arith.constant dense<0.000000e+00> : vector<128xf32>
    %reduce_sum3A_1773 = vector.multi_reduction <add>, %mul3A_1771, %reduce_sum3A_1772 [1] : vector<128x64xf32> to vector<128xf32>
    %broadcast_in_dim3A_1774 = vector.shape_cast %reduce_sum3A_1773 : vector<128xf32> to vector<128x1xf32>
    %add3A_1775 = arith.addf %broadcast_in_dim3A_1774, %add3A_500 : vector<128x1xf32>
    %convert_element_type3A_1776 = arith.fptosi %add3A_1775 : vector<128x1xf32> to vector<128x1xi32>
    %swap3A_1777 = arith.constant 640 : index
    %swap3A_1778 = arith.constant 0 : index
    %swap3A_1779 = vector.load %arg8[%swap3A_1777, %swap3A_1778] : memref<2048x1xi32, #tpu.memory_space<vmem>>, vector<128x1xi32>
    tpu.vector_store %arg8[%swap3A_1777, %swap3A_1778], %convert_element_type3A_1776 {strides = array<i32>} : memref<2048x1xi32, #tpu.memory_space<vmem>>, vector<128x1xi32>,
    %mul3A_1780 = arith.constant 7.812500e-03 : f32
    %mul3A_1781 = vector.broadcast %mul3A_1780 : f32 to vector<128x1xf32>
    %mul3A_1782 = arith.mulf %add3A_1775, %mul3A_1781 : vector<128x1xf32>
    %floor3A_1783 = math.floor %mul3A_1782 : vector<128x1xf32>
    %mul3A_1784 = arith.constant 1.280000e+02 : f32
    %mul3A_1785 = vector.broadcast %mul3A_1784 : f32 to vector<128x1xf32>
    %mul3A_1786 = arith.mulf %floor3A_1783, %mul3A_1785 : vector<128x1xf32>
    %sub3A_1787 = arith.subf %add3A_1775, %mul3A_1786 : vector<128x1xf32>
    %convert_element_type3A_1788 = arith.fptosi %floor3A_1783 : vector<128x1xf32> to vector<128x1xi32>
    %eq3A_1789 = vector.broadcast %convert_element_type3A_1788 : vector<128x1xi32> to vector<128x96xi32>
    %eq3A_1790 = arith.cmpi eq, %eq3A_1789, %iota3A_771 : vector<128x96xi32>
    %convert_element_type3A_1791 = arith.extui %eq3A_1790 : vector<128x96xi1> to vector<128x96xi32>
    %convert_element_type3A_1792 = arith.sitofp %convert_element_type3A_1791 : vector<128x96xi32> to vector<128x96xf32>
    %convert_element_type3A_1793 = arith.fptosi %sub3A_1787 : vector<128x1xf32> to vector<128x1xi32>
    %eq3A_1794 = vector.broadcast %convert_element_type3A_1793 : vector<128x1xi32> to vector<128x128xi32>
    %eq3A_1795 = arith.cmpi eq, %eq3A_1794, %iota3A_772 : vector<128x128xi32>
    %convert_element_type3A_1796 = arith.extui %eq3A_1795 : vector<128x128xi1> to vector<128x128xi32>
    %convert_element_type3A_1797 = arith.sitofp %convert_element_type3A_1796 : vector<128x128xi32> to vector<128x128xf32>
    %add3A_1798 = arith.constant 6.400000e+02 : f32
    %add3A_1799 = vector.broadcast %add3A_1798 : f32 to vector<128x1xf32>
    %add3A_1800 = arith.addf %add3A_1799, %convert_element_type3A_770 : vector<128x1xf32>
    %mul3A_1801 = vector.broadcast %add3A_1800 : vector<128x1xf32> to vector<128x96xf32>
    %mul3A_1802 = arith.mulf %convert_element_type3A_1792, %mul3A_1801 : vector<128x96xf32>
    %dot_general3A_1803 = arith.constant dense<0.000000e+00> : vector<96x128xf32>
    %dot_general3A_1804 = tpu.matmul %mul3A_1802, %convert_element_type3A_1797, %dot_general3A_1803 {dimension_numbers = #tpu.dot_dimension_numbers<[0], [0], [1], [1], [0, 1, 1, 1], [], []>, precision = #tpu.contract_precision<fp32>, transpose_lhs_hint = false} : vector<128x96xf32>, vector<128x128xf32>, vector<96x128xf32> -> vector<96x128xf32>
    %add3A_1805 = arith.addf %add3A_1758, %dot_general3A_1804 : vector<96x128xf32>
    %mul3A_1806 = vector.broadcast %slice3A_1765 : vector<128x1xf32> to vector<128x96xf32>
    %mul3A_1807 = arith.mulf %convert_element_type3A_1792, %mul3A_1806 : vector<128x96xf32>
    %dot_general3A_1808 = arith.constant dense<0.000000e+00> : vector<96x128xf32>
    %dot_general3A_1809 = tpu.matmul %mul3A_1807, %convert_element_type3A_1797, %dot_general3A_1808 {dimension_numbers = #tpu.dot_dimension_numbers<[0], [0], [1], [1], [0, 1, 1, 1], [], []>, precision = #tpu.contract_precision<fp32>, transpose_lhs_hint = false} : vector<128x96xf32>, vector<128x128xf32>, vector<96x128xf32> -> vector<96x128xf32>
    %add3A_1810 = arith.addf %add3A_1763, %dot_general3A_1809 : vector<96x128xf32>
    %slice3A_1811 = vector.extract_strided_slice %broadcast_in_dim3A_30 {offsets = [768, 0], sizes = [128, 1], strides = [1, 1]} : vector<2048x1xi32> to vector<128x1xi32>
    %slice3A_1812 = vector.extract_strided_slice %div3A_39 {offsets = [768, 0], sizes = [128, 1], strides = [1, 1]} : vector<2048x1xf32> to vector<128x1xf32>
    %eq3A_1813 = vector.broadcast %slice3A_1811 : vector<128x1xi32> to vector<128x64xi32>
    %eq3A_1814 = arith.cmpi eq, %eq3A_1813, %iota3A_40 : vector<128x64xi32>
    %convert_element_type3A_1815 = arith.extui %eq3A_1814 : vector<128x64xi1> to vector<128x64xi32>
    %convert_element_type3A_1816 = arith.sitofp %convert_element_type3A_1815 : vector<128x64xi32> to vector<128x64xf32>
    %mul3A_1817 = vector.broadcast %mul3A_730 : vector<1x64xf32> to vector<128x64xf32>
    %mul3A_1818 = arith.mulf %mul3A_1817, %convert_element_type3A_1816 : vector<128x64xf32>
    %reduce_sum3A_1819 = arith.constant dense<0.000000e+00> : vector<128xf32>
    %reduce_sum3A_1820 = vector.multi_reduction <add>, %mul3A_1818, %reduce_sum3A_1819 [1] : vector<128x64xf32> to vector<128xf32>
    %broadcast_in_dim3A_1821 = vector.shape_cast %reduce_sum3A_1820 : vector<128xf32> to vector<128x1xf32>
    %add3A_1822 = arith.addf %broadcast_in_dim3A_1821, %add3A_521 : vector<128x1xf32>
    %convert_element_type3A_1823 = arith.fptosi %add3A_1822 : vector<128x1xf32> to vector<128x1xi32>
    %swap3A_1824 = arith.constant 768 : index
    %swap3A_1825 = arith.constant 0 : index
    %swap3A_1826 = vector.load %arg8[%swap3A_1824, %swap3A_1825] : memref<2048x1xi32, #tpu.memory_space<vmem>>, vector<128x1xi32>
    tpu.vector_store %arg8[%swap3A_1824, %swap3A_1825], %convert_element_type3A_1823 {strides = array<i32>} : memref<2048x1xi32, #tpu.memory_space<vmem>>, vector<128x1xi32>,
    %mul3A_1827 = arith.constant 7.812500e-03 : f32
    %mul3A_1828 = vector.broadcast %mul3A_1827 : f32 to vector<128x1xf32>
    %mul3A_1829 = arith.mulf %add3A_1822, %mul3A_1828 : vector<128x1xf32>
    %floor3A_1830 = math.floor %mul3A_1829 : vector<128x1xf32>
    %mul3A_1831 = arith.constant 1.280000e+02 : f32
    %mul3A_1832 = vector.broadcast %mul3A_1831 : f32 to vector<128x1xf32>
    %mul3A_1833 = arith.mulf %floor3A_1830, %mul3A_1832 : vector<128x1xf32>
    %sub3A_1834 = arith.subf %add3A_1822, %mul3A_1833 : vector<128x1xf32>
    %convert_element_type3A_1835 = arith.fptosi %floor3A_1830 : vector<128x1xf32> to vector<128x1xi32>
    %eq3A_1836 = vector.broadcast %convert_element_type3A_1835 : vector<128x1xi32> to vector<128x96xi32>
    %eq3A_1837 = arith.cmpi eq, %eq3A_1836, %iota3A_771 : vector<128x96xi32>
    %convert_element_type3A_1838 = arith.extui %eq3A_1837 : vector<128x96xi1> to vector<128x96xi32>
    %convert_element_type3A_1839 = arith.sitofp %convert_element_type3A_1838 : vector<128x96xi32> to vector<128x96xf32>
    %convert_element_type3A_1840 = arith.fptosi %sub3A_1834 : vector<128x1xf32> to vector<128x1xi32>
    %eq3A_1841 = vector.broadcast %convert_element_type3A_1840 : vector<128x1xi32> to vector<128x128xi32>
    %eq3A_1842 = arith.cmpi eq, %eq3A_1841, %iota3A_772 : vector<128x128xi32>
    %convert_element_type3A_1843 = arith.extui %eq3A_1842 : vector<128x128xi1> to vector<128x128xi32>
    %convert_element_type3A_1844 = arith.sitofp %convert_element_type3A_1843 : vector<128x128xi32> to vector<128x128xf32>
    %add3A_1845 = arith.constant 7.680000e+02 : f32
    %add3A_1846 = vector.broadcast %add3A_1845 : f32 to vector<128x1xf32>
    %add3A_1847 = arith.addf %add3A_1846, %convert_element_type3A_770 : vector<128x1xf32>
    %mul3A_1848 = vector.broadcast %add3A_1847 : vector<128x1xf32> to vector<128x96xf32>
    %mul3A_1849 = arith.mulf %convert_element_type3A_1839, %mul3A_1848 : vector<128x96xf32>
    %dot_general3A_1850 = arith.constant dense<0.000000e+00> : vector<96x128xf32>
    %dot_general3A_1851 = tpu.matmul %mul3A_1849, %convert_element_type3A_1844, %dot_general3A_1850 {dimension_numbers = #tpu.dot_dimension_numbers<[0], [0], [1], [1], [0, 1, 1, 1], [], []>, precision = #tpu.contract_precision<fp32>, transpose_lhs_hint = false} : vector<128x96xf32>, vector<128x128xf32>, vector<96x128xf32> -> vector<96x128xf32>
    %add3A_1852 = arith.addf %add3A_1805, %dot_general3A_1851 : vector<96x128xf32>
    %mul3A_1853 = vector.broadcast %slice3A_1812 : vector<128x1xf32> to vector<128x96xf32>
    %mul3A_1854 = arith.mulf %convert_element_type3A_1839, %mul3A_1853 : vector<128x96xf32>
    %dot_general3A_1855 = arith.constant dense<0.000000e+00> : vector<96x128xf32>
    %dot_general3A_1856 = tpu.matmul %mul3A_1854, %convert_element_type3A_1844, %dot_general3A_1855 {dimension_numbers = #tpu.dot_dimension_numbers<[0], [0], [1], [1], [0, 1, 1, 1], [], []>, precision = #tpu.contract_precision<fp32>, transpose_lhs_hint = false} : vector<128x96xf32>, vector<128x128xf32>, vector<96x128xf32> -> vector<96x128xf32>
    %add3A_1857 = arith.addf %add3A_1810, %dot_general3A_1856 : vector<96x128xf32>
    %slice3A_1858 = vector.extract_strided_slice %broadcast_in_dim3A_30 {offsets = [896, 0], sizes = [128, 1], strides = [1, 1]} : vector<2048x1xi32> to vector<128x1xi32>
    %slice3A_1859 = vector.extract_strided_slice %div3A_39 {offsets = [896, 0], sizes = [128, 1], strides = [1, 1]} : vector<2048x1xf32> to vector<128x1xf32>
    %eq3A_1860 = vector.broadcast %slice3A_1858 : vector<128x1xi32> to vector<128x64xi32>
    %eq3A_1861 = arith.cmpi eq, %eq3A_1860, %iota3A_40 : vector<128x64xi32>
    %convert_element_type3A_1862 = arith.extui %eq3A_1861 : vector<128x64xi1> to vector<128x64xi32>
    %convert_element_type3A_1863 = arith.sitofp %convert_element_type3A_1862 : vector<128x64xi32> to vector<128x64xf32>
    %mul3A_1864 = vector.broadcast %mul3A_730 : vector<1x64xf32> to vector<128x64xf32>
    %mul3A_1865 = arith.mulf %mul3A_1864, %convert_element_type3A_1863 : vector<128x64xf32>
    %reduce_sum3A_1866 = arith.constant dense<0.000000e+00> : vector<128xf32>
    %reduce_sum3A_1867 = vector.multi_reduction <add>, %mul3A_1865, %reduce_sum3A_1866 [1] : vector<128x64xf32> to vector<128xf32>
    %broadcast_in_dim3A_1868 = vector.shape_cast %reduce_sum3A_1867 : vector<128xf32> to vector<128x1xf32>
    %add3A_1869 = arith.addf %broadcast_in_dim3A_1868, %add3A_542 : vector<128x1xf32>
    %convert_element_type3A_1870 = arith.fptosi %add3A_1869 : vector<128x1xf32> to vector<128x1xi32>
    %swap3A_1871 = arith.constant 896 : index
    %swap3A_1872 = arith.constant 0 : index
    %swap3A_1873 = vector.load %arg8[%swap3A_1871, %swap3A_1872] : memref<2048x1xi32, #tpu.memory_space<vmem>>, vector<128x1xi32>
    tpu.vector_store %arg8[%swap3A_1871, %swap3A_1872], %convert_element_type3A_1870 {strides = array<i32>} : memref<2048x1xi32, #tpu.memory_space<vmem>>, vector<128x1xi32>,
    %mul3A_1874 = arith.constant 7.812500e-03 : f32
    %mul3A_1875 = vector.broadcast %mul3A_1874 : f32 to vector<128x1xf32>
    %mul3A_1876 = arith.mulf %add3A_1869, %mul3A_1875 : vector<128x1xf32>
    %floor3A_1877 = math.floor %mul3A_1876 : vector<128x1xf32>
    %mul3A_1878 = arith.constant 1.280000e+02 : f32
    %mul3A_1879 = vector.broadcast %mul3A_1878 : f32 to vector<128x1xf32>
    %mul3A_1880 = arith.mulf %floor3A_1877, %mul3A_1879 : vector<128x1xf32>
    %sub3A_1881 = arith.subf %add3A_1869, %mul3A_1880 : vector<128x1xf32>
    %convert_element_type3A_1882 = arith.fptosi %floor3A_1877 : vector<128x1xf32> to vector<128x1xi32>
    %eq3A_1883 = vector.broadcast %convert_element_type3A_1882 : vector<128x1xi32> to vector<128x96xi32>
    %eq3A_1884 = arith.cmpi eq, %eq3A_1883, %iota3A_771 : vector<128x96xi32>
    %convert_element_type3A_1885 = arith.extui %eq3A_1884 : vector<128x96xi1> to vector<128x96xi32>
    %convert_element_type3A_1886 = arith.sitofp %convert_element_type3A_1885 : vector<128x96xi32> to vector<128x96xf32>
    %convert_element_type3A_1887 = arith.fptosi %sub3A_1881 : vector<128x1xf32> to vector<128x1xi32>
    %eq3A_1888 = vector.broadcast %convert_element_type3A_1887 : vector<128x1xi32> to vector<128x128xi32>
    %eq3A_1889 = arith.cmpi eq, %eq3A_1888, %iota3A_772 : vector<128x128xi32>
    %convert_element_type3A_1890 = arith.extui %eq3A_1889 : vector<128x128xi1> to vector<128x128xi32>
    %convert_element_type3A_1891 = arith.sitofp %convert_element_type3A_1890 : vector<128x128xi32> to vector<128x128xf32>
    %add3A_1892 = arith.constant 8.960000e+02 : f32
    %add3A_1893 = vector.broadcast %add3A_1892 : f32 to vector<128x1xf32>
    %add3A_1894 = arith.addf %add3A_1893, %convert_element_type3A_770 : vector<128x1xf32>
    %mul3A_1895 = vector.broadcast %add3A_1894 : vector<128x1xf32> to vector<128x96xf32>
    %mul3A_1896 = arith.mulf %convert_element_type3A_1886, %mul3A_1895 : vector<128x96xf32>
    %dot_general3A_1897 = arith.constant dense<0.000000e+00> : vector<96x128xf32>
    %dot_general3A_1898 = tpu.matmul %mul3A_1896, %convert_element_type3A_1891, %dot_general3A_1897 {dimension_numbers = #tpu.dot_dimension_numbers<[0], [0], [1], [1], [0, 1, 1, 1], [], []>, precision = #tpu.contract_precision<fp32>, transpose_lhs_hint = false} : vector<128x96xf32>, vector<128x128xf32>, vector<96x128xf32> -> vector<96x128xf32>
    %add3A_1899 = arith.addf %add3A_1852, %dot_general3A_1898 : vector<96x128xf32>
    %mul3A_1900 = vector.broadcast %slice3A_1859 : vector<128x1xf32> to vector<128x96xf32>
    %mul3A_1901 = arith.mulf %convert_element_type3A_1886, %mul3A_1900 : vector<128x96xf32>
    %dot_general3A_1902 = arith.constant dense<0.000000e+00> : vector<96x128xf32>
    %dot_general3A_1903 = tpu.matmul %mul3A_1901, %convert_element_type3A_1891, %dot_general3A_1902 {dimension_numbers = #tpu.dot_dimension_numbers<[0], [0], [1], [1], [0, 1, 1, 1], [], []>, precision = #tpu.contract_precision<fp32>, transpose_lhs_hint = false} : vector<128x96xf32>, vector<128x128xf32>, vector<96x128xf32> -> vector<96x128xf32>
    %add3A_1904 = arith.addf %add3A_1857, %dot_general3A_1903 : vector<96x128xf32>
    %slice3A_1905 = vector.extract_strided_slice %broadcast_in_dim3A_30 {offsets = [1024, 0], sizes = [128, 1], strides = [1, 1]} : vector<2048x1xi32> to vector<128x1xi32>
    %slice3A_1906 = vector.extract_strided_slice %div3A_39 {offsets = [1024, 0], sizes = [128, 1], strides = [1, 1]} : vector<2048x1xf32> to vector<128x1xf32>
    %eq3A_1907 = vector.broadcast %slice3A_1905 : vector<128x1xi32> to vector<128x64xi32>
    %eq3A_1908 = arith.cmpi eq, %eq3A_1907, %iota3A_40 : vector<128x64xi32>
    %convert_element_type3A_1909 = arith.extui %eq3A_1908 : vector<128x64xi1> to vector<128x64xi32>
    %convert_element_type3A_1910 = arith.sitofp %convert_element_type3A_1909 : vector<128x64xi32> to vector<128x64xf32>
    %mul3A_1911 = vector.broadcast %mul3A_730 : vector<1x64xf32> to vector<128x64xf32>
    %mul3A_1912 = arith.mulf %mul3A_1911, %convert_element_type3A_1910 : vector<128x64xf32>
    %reduce_sum3A_1913 = arith.constant dense<0.000000e+00> : vector<128xf32>
    %reduce_sum3A_1914 = vector.multi_reduction <add>, %mul3A_1912, %reduce_sum3A_1913 [1] : vector<128x64xf32> to vector<128xf32>
    %broadcast_in_dim3A_1915 = vector.shape_cast %reduce_sum3A_1914 : vector<128xf32> to vector<128x1xf32>
    %add3A_1916 = arith.addf %broadcast_in_dim3A_1915, %add3A_563 : vector<128x1xf32>
    %convert_element_type3A_1917 = arith.fptosi %add3A_1916 : vector<128x1xf32> to vector<128x1xi32>
    %swap3A_1918 = arith.constant 1024 : index
    %swap3A_1919 = arith.constant 0 : index
    %swap3A_1920 = vector.load %arg8[%swap3A_1918, %swap3A_1919] : memref<2048x1xi32, #tpu.memory_space<vmem>>, vector<128x1xi32>
    tpu.vector_store %arg8[%swap3A_1918, %swap3A_1919], %convert_element_type3A_1917 {strides = array<i32>} : memref<2048x1xi32, #tpu.memory_space<vmem>>, vector<128x1xi32>,
    %mul3A_1921 = arith.constant 7.812500e-03 : f32
    %mul3A_1922 = vector.broadcast %mul3A_1921 : f32 to vector<128x1xf32>
    %mul3A_1923 = arith.mulf %add3A_1916, %mul3A_1922 : vector<128x1xf32>
    %floor3A_1924 = math.floor %mul3A_1923 : vector<128x1xf32>
    %mul3A_1925 = arith.constant 1.280000e+02 : f32
    %mul3A_1926 = vector.broadcast %mul3A_1925 : f32 to vector<128x1xf32>
    %mul3A_1927 = arith.mulf %floor3A_1924, %mul3A_1926 : vector<128x1xf32>
    %sub3A_1928 = arith.subf %add3A_1916, %mul3A_1927 : vector<128x1xf32>
    %convert_element_type3A_1929 = arith.fptosi %floor3A_1924 : vector<128x1xf32> to vector<128x1xi32>
    %eq3A_1930 = vector.broadcast %convert_element_type3A_1929 : vector<128x1xi32> to vector<128x96xi32>
    %eq3A_1931 = arith.cmpi eq, %eq3A_1930, %iota3A_771 : vector<128x96xi32>
    %convert_element_type3A_1932 = arith.extui %eq3A_1931 : vector<128x96xi1> to vector<128x96xi32>
    %convert_element_type3A_1933 = arith.sitofp %convert_element_type3A_1932 : vector<128x96xi32> to vector<128x96xf32>
    %convert_element_type3A_1934 = arith.fptosi %sub3A_1928 : vector<128x1xf32> to vector<128x1xi32>
    %eq3A_1935 = vector.broadcast %convert_element_type3A_1934 : vector<128x1xi32> to vector<128x128xi32>
    %eq3A_1936 = arith.cmpi eq, %eq3A_1935, %iota3A_772 : vector<128x128xi32>
    %convert_element_type3A_1937 = arith.extui %eq3A_1936 : vector<128x128xi1> to vector<128x128xi32>
    %convert_element_type3A_1938 = arith.sitofp %convert_element_type3A_1937 : vector<128x128xi32> to vector<128x128xf32>
    %add3A_1939 = arith.constant 1.024000e+03 : f32
    %add3A_1940 = vector.broadcast %add3A_1939 : f32 to vector<128x1xf32>
    %add3A_1941 = arith.addf %add3A_1940, %convert_element_type3A_770 : vector<128x1xf32>
    %mul3A_1942 = vector.broadcast %add3A_1941 : vector<128x1xf32> to vector<128x96xf32>
    %mul3A_1943 = arith.mulf %convert_element_type3A_1933, %mul3A_1942 : vector<128x96xf32>
    %dot_general3A_1944 = arith.constant dense<0.000000e+00> : vector<96x128xf32>
    %dot_general3A_1945 = tpu.matmul %mul3A_1943, %convert_element_type3A_1938, %dot_general3A_1944 {dimension_numbers = #tpu.dot_dimension_numbers<[0], [0], [1], [1], [0, 1, 1, 1], [], []>, precision = #tpu.contract_precision<fp32>, transpose_lhs_hint = false} : vector<128x96xf32>, vector<128x128xf32>, vector<96x128xf32> -> vector<96x128xf32>
    %add3A_1946 = arith.addf %add3A_1899, %dot_general3A_1945 : vector<96x128xf32>
    %mul3A_1947 = vector.broadcast %slice3A_1906 : vector<128x1xf32> to vector<128x96xf32>
    %mul3A_1948 = arith.mulf %convert_element_type3A_1933, %mul3A_1947 : vector<128x96xf32>
    %dot_general3A_1949 = arith.constant dense<0.000000e+00> : vector<96x128xf32>
    %dot_general3A_1950 = tpu.matmul %mul3A_1948, %convert_element_type3A_1938, %dot_general3A_1949 {dimension_numbers = #tpu.dot_dimension_numbers<[0], [0], [1], [1], [0, 1, 1, 1], [], []>, precision = #tpu.contract_precision<fp32>, transpose_lhs_hint = false} : vector<128x96xf32>, vector<128x128xf32>, vector<96x128xf32> -> vector<96x128xf32>
    %add3A_1951 = arith.addf %add3A_1904, %dot_general3A_1950 : vector<96x128xf32>
    %slice3A_1952 = vector.extract_strided_slice %broadcast_in_dim3A_30 {offsets = [1152, 0], sizes = [128, 1], strides = [1, 1]} : vector<2048x1xi32> to vector<128x1xi32>
    %slice3A_1953 = vector.extract_strided_slice %div3A_39 {offsets = [1152, 0], sizes = [128, 1], strides = [1, 1]} : vector<2048x1xf32> to vector<128x1xf32>
    %eq3A_1954 = vector.broadcast %slice3A_1952 : vector<128x1xi32> to vector<128x64xi32>
    %eq3A_1955 = arith.cmpi eq, %eq3A_1954, %iota3A_40 : vector<128x64xi32>
    %convert_element_type3A_1956 = arith.extui %eq3A_1955 : vector<128x64xi1> to vector<128x64xi32>
    %convert_element_type3A_1957 = arith.sitofp %convert_element_type3A_1956 : vector<128x64xi32> to vector<128x64xf32>
    %mul3A_1958 = vector.broadcast %mul3A_730 : vector<1x64xf32> to vector<128x64xf32>
    %mul3A_1959 = arith.mulf %mul3A_1958, %convert_element_type3A_1957 : vector<128x64xf32>
    %reduce_sum3A_1960 = arith.constant dense<0.000000e+00> : vector<128xf32>
    %reduce_sum3A_1961 = vector.multi_reduction <add>, %mul3A_1959, %reduce_sum3A_1960 [1] : vector<128x64xf32> to vector<128xf32>
    %broadcast_in_dim3A_1962 = vector.shape_cast %reduce_sum3A_1961 : vector<128xf32> to vector<128x1xf32>
    %add3A_1963 = arith.addf %broadcast_in_dim3A_1962, %add3A_584 : vector<128x1xf32>
    %convert_element_type3A_1964 = arith.fptosi %add3A_1963 : vector<128x1xf32> to vector<128x1xi32>
    %swap3A_1965 = arith.constant 1152 : index
    %swap3A_1966 = arith.constant 0 : index
    %swap3A_1967 = vector.load %arg8[%swap3A_1965, %swap3A_1966] : memref<2048x1xi32, #tpu.memory_space<vmem>>, vector<128x1xi32>
    tpu.vector_store %arg8[%swap3A_1965, %swap3A_1966], %convert_element_type3A_1964 {strides = array<i32>} : memref<2048x1xi32, #tpu.memory_space<vmem>>, vector<128x1xi32>,
    %mul3A_1968 = arith.constant 7.812500e-03 : f32
    %mul3A_1969 = vector.broadcast %mul3A_1968 : f32 to vector<128x1xf32>
    %mul3A_1970 = arith.mulf %add3A_1963, %mul3A_1969 : vector<128x1xf32>
    %floor3A_1971 = math.floor %mul3A_1970 : vector<128x1xf32>
    %mul3A_1972 = arith.constant 1.280000e+02 : f32
    %mul3A_1973 = vector.broadcast %mul3A_1972 : f32 to vector<128x1xf32>
    %mul3A_1974 = arith.mulf %floor3A_1971, %mul3A_1973 : vector<128x1xf32>
    %sub3A_1975 = arith.subf %add3A_1963, %mul3A_1974 : vector<128x1xf32>
    %convert_element_type3A_1976 = arith.fptosi %floor3A_1971 : vector<128x1xf32> to vector<128x1xi32>
    %eq3A_1977 = vector.broadcast %convert_element_type3A_1976 : vector<128x1xi32> to vector<128x96xi32>
    %eq3A_1978 = arith.cmpi eq, %eq3A_1977, %iota3A_771 : vector<128x96xi32>
    %convert_element_type3A_1979 = arith.extui %eq3A_1978 : vector<128x96xi1> to vector<128x96xi32>
    %convert_element_type3A_1980 = arith.sitofp %convert_element_type3A_1979 : vector<128x96xi32> to vector<128x96xf32>
    %convert_element_type3A_1981 = arith.fptosi %sub3A_1975 : vector<128x1xf32> to vector<128x1xi32>
    %eq3A_1982 = vector.broadcast %convert_element_type3A_1981 : vector<128x1xi32> to vector<128x128xi32>
    %eq3A_1983 = arith.cmpi eq, %eq3A_1982, %iota3A_772 : vector<128x128xi32>
    %convert_element_type3A_1984 = arith.extui %eq3A_1983 : vector<128x128xi1> to vector<128x128xi32>
    %convert_element_type3A_1985 = arith.sitofp %convert_element_type3A_1984 : vector<128x128xi32> to vector<128x128xf32>
    %add3A_1986 = arith.constant 1.152000e+03 : f32
    %add3A_1987 = vector.broadcast %add3A_1986 : f32 to vector<128x1xf32>
    %add3A_1988 = arith.addf %add3A_1987, %convert_element_type3A_770 : vector<128x1xf32>
    %mul3A_1989 = vector.broadcast %add3A_1988 : vector<128x1xf32> to vector<128x96xf32>
    %mul3A_1990 = arith.mulf %convert_element_type3A_1980, %mul3A_1989 : vector<128x96xf32>
    %dot_general3A_1991 = arith.constant dense<0.000000e+00> : vector<96x128xf32>
    %dot_general3A_1992 = tpu.matmul %mul3A_1990, %convert_element_type3A_1985, %dot_general3A_1991 {dimension_numbers = #tpu.dot_dimension_numbers<[0], [0], [1], [1], [0, 1, 1, 1], [], []>, precision = #tpu.contract_precision<fp32>, transpose_lhs_hint = false} : vector<128x96xf32>, vector<128x128xf32>, vector<96x128xf32> -> vector<96x128xf32>
    %add3A_1993 = arith.addf %add3A_1946, %dot_general3A_1992 : vector<96x128xf32>
    %mul3A_1994 = vector.broadcast %slice3A_1953 : vector<128x1xf32> to vector<128x96xf32>
    %mul3A_1995 = arith.mulf %convert_element_type3A_1980, %mul3A_1994 : vector<128x96xf32>
    %dot_general3A_1996 = arith.constant dense<0.000000e+00> : vector<96x128xf32>
    %dot_general3A_1997 = tpu.matmul %mul3A_1995, %convert_element_type3A_1985, %dot_general3A_1996 {dimension_numbers = #tpu.dot_dimension_numbers<[0], [0], [1], [1], [0, 1, 1, 1], [], []>, precision = #tpu.contract_precision<fp32>, transpose_lhs_hint = false} : vector<128x96xf32>, vector<128x128xf32>, vector<96x128xf32> -> vector<96x128xf32>
    %add3A_1998 = arith.addf %add3A_1951, %dot_general3A_1997 : vector<96x128xf32>
    %slice3A_1999 = vector.extract_strided_slice %broadcast_in_dim3A_30 {offsets = [1280, 0], sizes = [128, 1], strides = [1, 1]} : vector<2048x1xi32> to vector<128x1xi32>
    %slice3A_2000 = vector.extract_strided_slice %div3A_39 {offsets = [1280, 0], sizes = [128, 1], strides = [1, 1]} : vector<2048x1xf32> to vector<128x1xf32>
    %eq3A_2001 = vector.broadcast %slice3A_1999 : vector<128x1xi32> to vector<128x64xi32>
    %eq3A_2002 = arith.cmpi eq, %eq3A_2001, %iota3A_40 : vector<128x64xi32>
    %convert_element_type3A_2003 = arith.extui %eq3A_2002 : vector<128x64xi1> to vector<128x64xi32>
    %convert_element_type3A_2004 = arith.sitofp %convert_element_type3A_2003 : vector<128x64xi32> to vector<128x64xf32>
    %mul3A_2005 = vector.broadcast %mul3A_730 : vector<1x64xf32> to vector<128x64xf32>
    %mul3A_2006 = arith.mulf %mul3A_2005, %convert_element_type3A_2004 : vector<128x64xf32>
    %reduce_sum3A_2007 = arith.constant dense<0.000000e+00> : vector<128xf32>
    %reduce_sum3A_2008 = vector.multi_reduction <add>, %mul3A_2006, %reduce_sum3A_2007 [1] : vector<128x64xf32> to vector<128xf32>
    %broadcast_in_dim3A_2009 = vector.shape_cast %reduce_sum3A_2008 : vector<128xf32> to vector<128x1xf32>
    %add3A_2010 = arith.addf %broadcast_in_dim3A_2009, %add3A_605 : vector<128x1xf32>
    %convert_element_type3A_2011 = arith.fptosi %add3A_2010 : vector<128x1xf32> to vector<128x1xi32>
    %swap3A_2012 = arith.constant 1280 : index
    %swap3A_2013 = arith.constant 0 : index
    %swap3A_2014 = vector.load %arg8[%swap3A_2012, %swap3A_2013] : memref<2048x1xi32, #tpu.memory_space<vmem>>, vector<128x1xi32>
    tpu.vector_store %arg8[%swap3A_2012, %swap3A_2013], %convert_element_type3A_2011 {strides = array<i32>} : memref<2048x1xi32, #tpu.memory_space<vmem>>, vector<128x1xi32>,
    %mul3A_2015 = arith.constant 7.812500e-03 : f32
    %mul3A_2016 = vector.broadcast %mul3A_2015 : f32 to vector<128x1xf32>
    %mul3A_2017 = arith.mulf %add3A_2010, %mul3A_2016 : vector<128x1xf32>
    %floor3A_2018 = math.floor %mul3A_2017 : vector<128x1xf32>
    %mul3A_2019 = arith.constant 1.280000e+02 : f32
    %mul3A_2020 = vector.broadcast %mul3A_2019 : f32 to vector<128x1xf32>
    %mul3A_2021 = arith.mulf %floor3A_2018, %mul3A_2020 : vector<128x1xf32>
    %sub3A_2022 = arith.subf %add3A_2010, %mul3A_2021 : vector<128x1xf32>
    %convert_element_type3A_2023 = arith.fptosi %floor3A_2018 : vector<128x1xf32> to vector<128x1xi32>
    %eq3A_2024 = vector.broadcast %convert_element_type3A_2023 : vector<128x1xi32> to vector<128x96xi32>
    %eq3A_2025 = arith.cmpi eq, %eq3A_2024, %iota3A_771 : vector<128x96xi32>
    %convert_element_type3A_2026 = arith.extui %eq3A_2025 : vector<128x96xi1> to vector<128x96xi32>
    %convert_element_type3A_2027 = arith.sitofp %convert_element_type3A_2026 : vector<128x96xi32> to vector<128x96xf32>
    %convert_element_type3A_2028 = arith.fptosi %sub3A_2022 : vector<128x1xf32> to vector<128x1xi32>
    %eq3A_2029 = vector.broadcast %convert_element_type3A_2028 : vector<128x1xi32> to vector<128x128xi32>
    %eq3A_2030 = arith.cmpi eq, %eq3A_2029, %iota3A_772 : vector<128x128xi32>
    %convert_element_type3A_2031 = arith.extui %eq3A_2030 : vector<128x128xi1> to vector<128x128xi32>
    %convert_element_type3A_2032 = arith.sitofp %convert_element_type3A_2031 : vector<128x128xi32> to vector<128x128xf32>
    %add3A_2033 = arith.constant 1.280000e+03 : f32
    %add3A_2034 = vector.broadcast %add3A_2033 : f32 to vector<128x1xf32>
    %add3A_2035 = arith.addf %add3A_2034, %convert_element_type3A_770 : vector<128x1xf32>
    %mul3A_2036 = vector.broadcast %add3A_2035 : vector<128x1xf32> to vector<128x96xf32>
    %mul3A_2037 = arith.mulf %convert_element_type3A_2027, %mul3A_2036 : vector<128x96xf32>
    %dot_general3A_2038 = arith.constant dense<0.000000e+00> : vector<96x128xf32>
    %dot_general3A_2039 = tpu.matmul %mul3A_2037, %convert_element_type3A_2032, %dot_general3A_2038 {dimension_numbers = #tpu.dot_dimension_numbers<[0], [0], [1], [1], [0, 1, 1, 1], [], []>, precision = #tpu.contract_precision<fp32>, transpose_lhs_hint = false} : vector<128x96xf32>, vector<128x128xf32>, vector<96x128xf32> -> vector<96x128xf32>
    %add3A_2040 = arith.addf %add3A_1993, %dot_general3A_2039 : vector<96x128xf32>
    %mul3A_2041 = vector.broadcast %slice3A_2000 : vector<128x1xf32> to vector<128x96xf32>
    %mul3A_2042 = arith.mulf %convert_element_type3A_2027, %mul3A_2041 : vector<128x96xf32>
    %dot_general3A_2043 = arith.constant dense<0.000000e+00> : vector<96x128xf32>
    %dot_general3A_2044 = tpu.matmul %mul3A_2042, %convert_element_type3A_2032, %dot_general3A_2043 {dimension_numbers = #tpu.dot_dimension_numbers<[0], [0], [1], [1], [0, 1, 1, 1], [], []>, precision = #tpu.contract_precision<fp32>, transpose_lhs_hint = false} : vector<128x96xf32>, vector<128x128xf32>, vector<96x128xf32> -> vector<96x128xf32>
    %add3A_2045 = arith.addf %add3A_1998, %dot_general3A_2044 : vector<96x128xf32>
    %slice3A_2046 = vector.extract_strided_slice %broadcast_in_dim3A_30 {offsets = [1408, 0], sizes = [128, 1], strides = [1, 1]} : vector<2048x1xi32> to vector<128x1xi32>
    %slice3A_2047 = vector.extract_strided_slice %div3A_39 {offsets = [1408, 0], sizes = [128, 1], strides = [1, 1]} : vector<2048x1xf32> to vector<128x1xf32>
    %eq3A_2048 = vector.broadcast %slice3A_2046 : vector<128x1xi32> to vector<128x64xi32>
    %eq3A_2049 = arith.cmpi eq, %eq3A_2048, %iota3A_40 : vector<128x64xi32>
    %convert_element_type3A_2050 = arith.extui %eq3A_2049 : vector<128x64xi1> to vector<128x64xi32>
    %convert_element_type3A_2051 = arith.sitofp %convert_element_type3A_2050 : vector<128x64xi32> to vector<128x64xf32>
    %mul3A_2052 = vector.broadcast %mul3A_730 : vector<1x64xf32> to vector<128x64xf32>
    %mul3A_2053 = arith.mulf %mul3A_2052, %convert_element_type3A_2051 : vector<128x64xf32>
    %reduce_sum3A_2054 = arith.constant dense<0.000000e+00> : vector<128xf32>
    %reduce_sum3A_2055 = vector.multi_reduction <add>, %mul3A_2053, %reduce_sum3A_2054 [1] : vector<128x64xf32> to vector<128xf32>
    %broadcast_in_dim3A_2056 = vector.shape_cast %reduce_sum3A_2055 : vector<128xf32> to vector<128x1xf32>
    %add3A_2057 = arith.addf %broadcast_in_dim3A_2056, %add3A_626 : vector<128x1xf32>
    %convert_element_type3A_2058 = arith.fptosi %add3A_2057 : vector<128x1xf32> to vector<128x1xi32>
    %swap3A_2059 = arith.constant 1408 : index
    %swap3A_2060 = arith.constant 0 : index
    %swap3A_2061 = vector.load %arg8[%swap3A_2059, %swap3A_2060] : memref<2048x1xi32, #tpu.memory_space<vmem>>, vector<128x1xi32>
    tpu.vector_store %arg8[%swap3A_2059, %swap3A_2060], %convert_element_type3A_2058 {strides = array<i32>} : memref<2048x1xi32, #tpu.memory_space<vmem>>, vector<128x1xi32>,
    %mul3A_2062 = arith.constant 7.812500e-03 : f32
    %mul3A_2063 = vector.broadcast %mul3A_2062 : f32 to vector<128x1xf32>
    %mul3A_2064 = arith.mulf %add3A_2057, %mul3A_2063 : vector<128x1xf32>
    %floor3A_2065 = math.floor %mul3A_2064 : vector<128x1xf32>
    %mul3A_2066 = arith.constant 1.280000e+02 : f32
    %mul3A_2067 = vector.broadcast %mul3A_2066 : f32 to vector<128x1xf32>
    %mul3A_2068 = arith.mulf %floor3A_2065, %mul3A_2067 : vector<128x1xf32>
    %sub3A_2069 = arith.subf %add3A_2057, %mul3A_2068 : vector<128x1xf32>
    %convert_element_type3A_2070 = arith.fptosi %floor3A_2065 : vector<128x1xf32> to vector<128x1xi32>
    %eq3A_2071 = vector.broadcast %convert_element_type3A_2070 : vector<128x1xi32> to vector<128x96xi32>
    %eq3A_2072 = arith.cmpi eq, %eq3A_2071, %iota3A_771 : vector<128x96xi32>
    %convert_element_type3A_2073 = arith.extui %eq3A_2072 : vector<128x96xi1> to vector<128x96xi32>
    %convert_element_type3A_2074 = arith.sitofp %convert_element_type3A_2073 : vector<128x96xi32> to vector<128x96xf32>
    %convert_element_type3A_2075 = arith.fptosi %sub3A_2069 : vector<128x1xf32> to vector<128x1xi32>
    %eq3A_2076 = vector.broadcast %convert_element_type3A_2075 : vector<128x1xi32> to vector<128x128xi32>
    %eq3A_2077 = arith.cmpi eq, %eq3A_2076, %iota3A_772 : vector<128x128xi32>
    %convert_element_type3A_2078 = arith.extui %eq3A_2077 : vector<128x128xi1> to vector<128x128xi32>
    %convert_element_type3A_2079 = arith.sitofp %convert_element_type3A_2078 : vector<128x128xi32> to vector<128x128xf32>
    %add3A_2080 = arith.constant 1.408000e+03 : f32
    %add3A_2081 = vector.broadcast %add3A_2080 : f32 to vector<128x1xf32>
    %add3A_2082 = arith.addf %add3A_2081, %convert_element_type3A_770 : vector<128x1xf32>
    %mul3A_2083 = vector.broadcast %add3A_2082 : vector<128x1xf32> to vector<128x96xf32>
    %mul3A_2084 = arith.mulf %convert_element_type3A_2074, %mul3A_2083 : vector<128x96xf32>
    %dot_general3A_2085 = arith.constant dense<0.000000e+00> : vector<96x128xf32>
    %dot_general3A_2086 = tpu.matmul %mul3A_2084, %convert_element_type3A_2079, %dot_general3A_2085 {dimension_numbers = #tpu.dot_dimension_numbers<[0], [0], [1], [1], [0, 1, 1, 1], [], []>, precision = #tpu.contract_precision<fp32>, transpose_lhs_hint = false} : vector<128x96xf32>, vector<128x128xf32>, vector<96x128xf32> -> vector<96x128xf32>
    %add3A_2087 = arith.addf %add3A_2040, %dot_general3A_2086 : vector<96x128xf32>
    %mul3A_2088 = vector.broadcast %slice3A_2047 : vector<128x1xf32> to vector<128x96xf32>
    %mul3A_2089 = arith.mulf %convert_element_type3A_2074, %mul3A_2088 : vector<128x96xf32>
    %dot_general3A_2090 = arith.constant dense<0.000000e+00> : vector<96x128xf32>
    %dot_general3A_2091 = tpu.matmul %mul3A_2089, %convert_element_type3A_2079, %dot_general3A_2090 {dimension_numbers = #tpu.dot_dimension_numbers<[0], [0], [1], [1], [0, 1, 1, 1], [], []>, precision = #tpu.contract_precision<fp32>, transpose_lhs_hint = false} : vector<128x96xf32>, vector<128x128xf32>, vector<96x128xf32> -> vector<96x128xf32>
    %add3A_2092 = arith.addf %add3A_2045, %dot_general3A_2091 : vector<96x128xf32>
    %slice3A_2093 = vector.extract_strided_slice %broadcast_in_dim3A_30 {offsets = [1536, 0], sizes = [128, 1], strides = [1, 1]} : vector<2048x1xi32> to vector<128x1xi32>
    %slice3A_2094 = vector.extract_strided_slice %div3A_39 {offsets = [1536, 0], sizes = [128, 1], strides = [1, 1]} : vector<2048x1xf32> to vector<128x1xf32>
    %eq3A_2095 = vector.broadcast %slice3A_2093 : vector<128x1xi32> to vector<128x64xi32>
    %eq3A_2096 = arith.cmpi eq, %eq3A_2095, %iota3A_40 : vector<128x64xi32>
    %convert_element_type3A_2097 = arith.extui %eq3A_2096 : vector<128x64xi1> to vector<128x64xi32>
    %convert_element_type3A_2098 = arith.sitofp %convert_element_type3A_2097 : vector<128x64xi32> to vector<128x64xf32>
    %mul3A_2099 = vector.broadcast %mul3A_730 : vector<1x64xf32> to vector<128x64xf32>
    %mul3A_2100 = arith.mulf %mul3A_2099, %convert_element_type3A_2098 : vector<128x64xf32>
    %reduce_sum3A_2101 = arith.constant dense<0.000000e+00> : vector<128xf32>
    %reduce_sum3A_2102 = vector.multi_reduction <add>, %mul3A_2100, %reduce_sum3A_2101 [1] : vector<128x64xf32> to vector<128xf32>
    %broadcast_in_dim3A_2103 = vector.shape_cast %reduce_sum3A_2102 : vector<128xf32> to vector<128x1xf32>
    %add3A_2104 = arith.addf %broadcast_in_dim3A_2103, %add3A_647 : vector<128x1xf32>
    %convert_element_type3A_2105 = arith.fptosi %add3A_2104 : vector<128x1xf32> to vector<128x1xi32>
    %swap3A_2106 = arith.constant 1536 : index
    %swap3A_2107 = arith.constant 0 : index
    %swap3A_2108 = vector.load %arg8[%swap3A_2106, %swap3A_2107] : memref<2048x1xi32, #tpu.memory_space<vmem>>, vector<128x1xi32>
    tpu.vector_store %arg8[%swap3A_2106, %swap3A_2107], %convert_element_type3A_2105 {strides = array<i32>} : memref<2048x1xi32, #tpu.memory_space<vmem>>, vector<128x1xi32>,
    %mul3A_2109 = arith.constant 7.812500e-03 : f32
    %mul3A_2110 = vector.broadcast %mul3A_2109 : f32 to vector<128x1xf32>
    %mul3A_2111 = arith.mulf %add3A_2104, %mul3A_2110 : vector<128x1xf32>
    %floor3A_2112 = math.floor %mul3A_2111 : vector<128x1xf32>
    %mul3A_2113 = arith.constant 1.280000e+02 : f32
    %mul3A_2114 = vector.broadcast %mul3A_2113 : f32 to vector<128x1xf32>
    %mul3A_2115 = arith.mulf %floor3A_2112, %mul3A_2114 : vector<128x1xf32>
    %sub3A_2116 = arith.subf %add3A_2104, %mul3A_2115 : vector<128x1xf32>
    %convert_element_type3A_2117 = arith.fptosi %floor3A_2112 : vector<128x1xf32> to vector<128x1xi32>
    %eq3A_2118 = vector.broadcast %convert_element_type3A_2117 : vector<128x1xi32> to vector<128x96xi32>
    %eq3A_2119 = arith.cmpi eq, %eq3A_2118, %iota3A_771 : vector<128x96xi32>
    %convert_element_type3A_2120 = arith.extui %eq3A_2119 : vector<128x96xi1> to vector<128x96xi32>
    %convert_element_type3A_2121 = arith.sitofp %convert_element_type3A_2120 : vector<128x96xi32> to vector<128x96xf32>
    %convert_element_type3A_2122 = arith.fptosi %sub3A_2116 : vector<128x1xf32> to vector<128x1xi32>
    %eq3A_2123 = vector.broadcast %convert_element_type3A_2122 : vector<128x1xi32> to vector<128x128xi32>
    %eq3A_2124 = arith.cmpi eq, %eq3A_2123, %iota3A_772 : vector<128x128xi32>
    %convert_element_type3A_2125 = arith.extui %eq3A_2124 : vector<128x128xi1> to vector<128x128xi32>
    %convert_element_type3A_2126 = arith.sitofp %convert_element_type3A_2125 : vector<128x128xi32> to vector<128x128xf32>
    %add3A_2127 = arith.constant 1.536000e+03 : f32
    %add3A_2128 = vector.broadcast %add3A_2127 : f32 to vector<128x1xf32>
    %add3A_2129 = arith.addf %add3A_2128, %convert_element_type3A_770 : vector<128x1xf32>
    %mul3A_2130 = vector.broadcast %add3A_2129 : vector<128x1xf32> to vector<128x96xf32>
    %mul3A_2131 = arith.mulf %convert_element_type3A_2121, %mul3A_2130 : vector<128x96xf32>
    %dot_general3A_2132 = arith.constant dense<0.000000e+00> : vector<96x128xf32>
    %dot_general3A_2133 = tpu.matmul %mul3A_2131, %convert_element_type3A_2126, %dot_general3A_2132 {dimension_numbers = #tpu.dot_dimension_numbers<[0], [0], [1], [1], [0, 1, 1, 1], [], []>, precision = #tpu.contract_precision<fp32>, transpose_lhs_hint = false} : vector<128x96xf32>, vector<128x128xf32>, vector<96x128xf32> -> vector<96x128xf32>
    %add3A_2134 = arith.addf %add3A_2087, %dot_general3A_2133 : vector<96x128xf32>
    %mul3A_2135 = vector.broadcast %slice3A_2094 : vector<128x1xf32> to vector<128x96xf32>
    %mul3A_2136 = arith.mulf %convert_element_type3A_2121, %mul3A_2135 : vector<128x96xf32>
    %dot_general3A_2137 = arith.constant dense<0.000000e+00> : vector<96x128xf32>
    %dot_general3A_2138 = tpu.matmul %mul3A_2136, %convert_element_type3A_2126, %dot_general3A_2137 {dimension_numbers = #tpu.dot_dimension_numbers<[0], [0], [1], [1], [0, 1, 1, 1], [], []>, precision = #tpu.contract_precision<fp32>, transpose_lhs_hint = false} : vector<128x96xf32>, vector<128x128xf32>, vector<96x128xf32> -> vector<96x128xf32>
    %add3A_2139 = arith.addf %add3A_2092, %dot_general3A_2138 : vector<96x128xf32>
    %slice3A_2140 = vector.extract_strided_slice %broadcast_in_dim3A_30 {offsets = [1664, 0], sizes = [128, 1], strides = [1, 1]} : vector<2048x1xi32> to vector<128x1xi32>
    %slice3A_2141 = vector.extract_strided_slice %div3A_39 {offsets = [1664, 0], sizes = [128, 1], strides = [1, 1]} : vector<2048x1xf32> to vector<128x1xf32>
    %eq3A_2142 = vector.broadcast %slice3A_2140 : vector<128x1xi32> to vector<128x64xi32>
    %eq3A_2143 = arith.cmpi eq, %eq3A_2142, %iota3A_40 : vector<128x64xi32>
    %convert_element_type3A_2144 = arith.extui %eq3A_2143 : vector<128x64xi1> to vector<128x64xi32>
    %convert_element_type3A_2145 = arith.sitofp %convert_element_type3A_2144 : vector<128x64xi32> to vector<128x64xf32>
    %mul3A_2146 = vector.broadcast %mul3A_730 : vector<1x64xf32> to vector<128x64xf32>
    %mul3A_2147 = arith.mulf %mul3A_2146, %convert_element_type3A_2145 : vector<128x64xf32>
    %reduce_sum3A_2148 = arith.constant dense<0.000000e+00> : vector<128xf32>
    %reduce_sum3A_2149 = vector.multi_reduction <add>, %mul3A_2147, %reduce_sum3A_2148 [1] : vector<128x64xf32> to vector<128xf32>
    %broadcast_in_dim3A_2150 = vector.shape_cast %reduce_sum3A_2149 : vector<128xf32> to vector<128x1xf32>
    %add3A_2151 = arith.addf %broadcast_in_dim3A_2150, %add3A_668 : vector<128x1xf32>
    %convert_element_type3A_2152 = arith.fptosi %add3A_2151 : vector<128x1xf32> to vector<128x1xi32>
    %swap3A_2153 = arith.constant 1664 : index
    %swap3A_2154 = arith.constant 0 : index
    %swap3A_2155 = vector.load %arg8[%swap3A_2153, %swap3A_2154] : memref<2048x1xi32, #tpu.memory_space<vmem>>, vector<128x1xi32>
    tpu.vector_store %arg8[%swap3A_2153, %swap3A_2154], %convert_element_type3A_2152 {strides = array<i32>} : memref<2048x1xi32, #tpu.memory_space<vmem>>, vector<128x1xi32>,
    %mul3A_2156 = arith.constant 7.812500e-03 : f32
    %mul3A_2157 = vector.broadcast %mul3A_2156 : f32 to vector<128x1xf32>
    %mul3A_2158 = arith.mulf %add3A_2151, %mul3A_2157 : vector<128x1xf32>
    %floor3A_2159 = math.floor %mul3A_2158 : vector<128x1xf32>
    %mul3A_2160 = arith.constant 1.280000e+02 : f32
    %mul3A_2161 = vector.broadcast %mul3A_2160 : f32 to vector<128x1xf32>
    %mul3A_2162 = arith.mulf %floor3A_2159, %mul3A_2161 : vector<128x1xf32>
    %sub3A_2163 = arith.subf %add3A_2151, %mul3A_2162 : vector<128x1xf32>
    %convert_element_type3A_2164 = arith.fptosi %floor3A_2159 : vector<128x1xf32> to vector<128x1xi32>
    %eq3A_2165 = vector.broadcast %convert_element_type3A_2164 : vector<128x1xi32> to vector<128x96xi32>
    %eq3A_2166 = arith.cmpi eq, %eq3A_2165, %iota3A_771 : vector<128x96xi32>
    %convert_element_type3A_2167 = arith.extui %eq3A_2166 : vector<128x96xi1> to vector<128x96xi32>
    %convert_element_type3A_2168 = arith.sitofp %convert_element_type3A_2167 : vector<128x96xi32> to vector<128x96xf32>
    %convert_element_type3A_2169 = arith.fptosi %sub3A_2163 : vector<128x1xf32> to vector<128x1xi32>
    %eq3A_2170 = vector.broadcast %convert_element_type3A_2169 : vector<128x1xi32> to vector<128x128xi32>
    %eq3A_2171 = arith.cmpi eq, %eq3A_2170, %iota3A_772 : vector<128x128xi32>
    %convert_element_type3A_2172 = arith.extui %eq3A_2171 : vector<128x128xi1> to vector<128x128xi32>
    %convert_element_type3A_2173 = arith.sitofp %convert_element_type3A_2172 : vector<128x128xi32> to vector<128x128xf32>
    %add3A_2174 = arith.constant 1.664000e+03 : f32
    %add3A_2175 = vector.broadcast %add3A_2174 : f32 to vector<128x1xf32>
    %add3A_2176 = arith.addf %add3A_2175, %convert_element_type3A_770 : vector<128x1xf32>
    %mul3A_2177 = vector.broadcast %add3A_2176 : vector<128x1xf32> to vector<128x96xf32>
    %mul3A_2178 = arith.mulf %convert_element_type3A_2168, %mul3A_2177 : vector<128x96xf32>
    %dot_general3A_2179 = arith.constant dense<0.000000e+00> : vector<96x128xf32>
    %dot_general3A_2180 = tpu.matmul %mul3A_2178, %convert_element_type3A_2173, %dot_general3A_2179 {dimension_numbers = #tpu.dot_dimension_numbers<[0], [0], [1], [1], [0, 1, 1, 1], [], []>, precision = #tpu.contract_precision<fp32>, transpose_lhs_hint = false} : vector<128x96xf32>, vector<128x128xf32>, vector<96x128xf32> -> vector<96x128xf32>
    %add3A_2181 = arith.addf %add3A_2134, %dot_general3A_2180 : vector<96x128xf32>
    %mul3A_2182 = vector.broadcast %slice3A_2141 : vector<128x1xf32> to vector<128x96xf32>
    %mul3A_2183 = arith.mulf %convert_element_type3A_2168, %mul3A_2182 : vector<128x96xf32>
    %dot_general3A_2184 = arith.constant dense<0.000000e+00> : vector<96x128xf32>
    %dot_general3A_2185 = tpu.matmul %mul3A_2183, %convert_element_type3A_2173, %dot_general3A_2184 {dimension_numbers = #tpu.dot_dimension_numbers<[0], [0], [1], [1], [0, 1, 1, 1], [], []>, precision = #tpu.contract_precision<fp32>, transpose_lhs_hint = false} : vector<128x96xf32>, vector<128x128xf32>, vector<96x128xf32> -> vector<96x128xf32>
    %add3A_2186 = arith.addf %add3A_2139, %dot_general3A_2185 : vector<96x128xf32>
    %slice3A_2187 = vector.extract_strided_slice %broadcast_in_dim3A_30 {offsets = [1792, 0], sizes = [128, 1], strides = [1, 1]} : vector<2048x1xi32> to vector<128x1xi32>
    %slice3A_2188 = vector.extract_strided_slice %div3A_39 {offsets = [1792, 0], sizes = [128, 1], strides = [1, 1]} : vector<2048x1xf32> to vector<128x1xf32>
    %eq3A_2189 = vector.broadcast %slice3A_2187 : vector<128x1xi32> to vector<128x64xi32>
    %eq3A_2190 = arith.cmpi eq, %eq3A_2189, %iota3A_40 : vector<128x64xi32>
    %convert_element_type3A_2191 = arith.extui %eq3A_2190 : vector<128x64xi1> to vector<128x64xi32>
    %convert_element_type3A_2192 = arith.sitofp %convert_element_type3A_2191 : vector<128x64xi32> to vector<128x64xf32>
    %mul3A_2193 = vector.broadcast %mul3A_730 : vector<1x64xf32> to vector<128x64xf32>
    %mul3A_2194 = arith.mulf %mul3A_2193, %convert_element_type3A_2192 : vector<128x64xf32>
    %reduce_sum3A_2195 = arith.constant dense<0.000000e+00> : vector<128xf32>
    %reduce_sum3A_2196 = vector.multi_reduction <add>, %mul3A_2194, %reduce_sum3A_2195 [1] : vector<128x64xf32> to vector<128xf32>
    %broadcast_in_dim3A_2197 = vector.shape_cast %reduce_sum3A_2196 : vector<128xf32> to vector<128x1xf32>
    %add3A_2198 = arith.addf %broadcast_in_dim3A_2197, %add3A_689 : vector<128x1xf32>
    %convert_element_type3A_2199 = arith.fptosi %add3A_2198 : vector<128x1xf32> to vector<128x1xi32>
    %swap3A_2200 = arith.constant 1792 : index
    %swap3A_2201 = arith.constant 0 : index
    %swap3A_2202 = vector.load %arg8[%swap3A_2200, %swap3A_2201] : memref<2048x1xi32, #tpu.memory_space<vmem>>, vector<128x1xi32>
    tpu.vector_store %arg8[%swap3A_2200, %swap3A_2201], %convert_element_type3A_2199 {strides = array<i32>} : memref<2048x1xi32, #tpu.memory_space<vmem>>, vector<128x1xi32>,
    %mul3A_2203 = arith.constant 7.812500e-03 : f32
    %mul3A_2204 = vector.broadcast %mul3A_2203 : f32 to vector<128x1xf32>
    %mul3A_2205 = arith.mulf %add3A_2198, %mul3A_2204 : vector<128x1xf32>
    %floor3A_2206 = math.floor %mul3A_2205 : vector<128x1xf32>
    %mul3A_2207 = arith.constant 1.280000e+02 : f32
    %mul3A_2208 = vector.broadcast %mul3A_2207 : f32 to vector<128x1xf32>
    %mul3A_2209 = arith.mulf %floor3A_2206, %mul3A_2208 : vector<128x1xf32>
    %sub3A_2210 = arith.subf %add3A_2198, %mul3A_2209 : vector<128x1xf32>
    %convert_element_type3A_2211 = arith.fptosi %floor3A_2206 : vector<128x1xf32> to vector<128x1xi32>
    %eq3A_2212 = vector.broadcast %convert_element_type3A_2211 : vector<128x1xi32> to vector<128x96xi32>
    %eq3A_2213 = arith.cmpi eq, %eq3A_2212, %iota3A_771 : vector<128x96xi32>
    %convert_element_type3A_2214 = arith.extui %eq3A_2213 : vector<128x96xi1> to vector<128x96xi32>
    %convert_element_type3A_2215 = arith.sitofp %convert_element_type3A_2214 : vector<128x96xi32> to vector<128x96xf32>
    %convert_element_type3A_2216 = arith.fptosi %sub3A_2210 : vector<128x1xf32> to vector<128x1xi32>
    %eq3A_2217 = vector.broadcast %convert_element_type3A_2216 : vector<128x1xi32> to vector<128x128xi32>
    %eq3A_2218 = arith.cmpi eq, %eq3A_2217, %iota3A_772 : vector<128x128xi32>
    %convert_element_type3A_2219 = arith.extui %eq3A_2218 : vector<128x128xi1> to vector<128x128xi32>
    %convert_element_type3A_2220 = arith.sitofp %convert_element_type3A_2219 : vector<128x128xi32> to vector<128x128xf32>
    %add3A_2221 = arith.constant 1.792000e+03 : f32
    %add3A_2222 = vector.broadcast %add3A_2221 : f32 to vector<128x1xf32>
    %add3A_2223 = arith.addf %add3A_2222, %convert_element_type3A_770 : vector<128x1xf32>
    %mul3A_2224 = vector.broadcast %add3A_2223 : vector<128x1xf32> to vector<128x96xf32>
    %mul3A_2225 = arith.mulf %convert_element_type3A_2215, %mul3A_2224 : vector<128x96xf32>
    %dot_general3A_2226 = arith.constant dense<0.000000e+00> : vector<96x128xf32>
    %dot_general3A_2227 = tpu.matmul %mul3A_2225, %convert_element_type3A_2220, %dot_general3A_2226 {dimension_numbers = #tpu.dot_dimension_numbers<[0], [0], [1], [1], [0, 1, 1, 1], [], []>, precision = #tpu.contract_precision<fp32>, transpose_lhs_hint = false} : vector<128x96xf32>, vector<128x128xf32>, vector<96x128xf32> -> vector<96x128xf32>
    %add3A_2228 = arith.addf %add3A_2181, %dot_general3A_2227 : vector<96x128xf32>
    %mul3A_2229 = vector.broadcast %slice3A_2188 : vector<128x1xf32> to vector<128x96xf32>
    %mul3A_2230 = arith.mulf %convert_element_type3A_2215, %mul3A_2229 : vector<128x96xf32>
    %dot_general3A_2231 = arith.constant dense<0.000000e+00> : vector<96x128xf32>
    %dot_general3A_2232 = tpu.matmul %mul3A_2230, %convert_element_type3A_2220, %dot_general3A_2231 {dimension_numbers = #tpu.dot_dimension_numbers<[0], [0], [1], [1], [0, 1, 1, 1], [], []>, precision = #tpu.contract_precision<fp32>, transpose_lhs_hint = false} : vector<128x96xf32>, vector<128x128xf32>, vector<96x128xf32> -> vector<96x128xf32>
    %add3A_2233 = arith.addf %add3A_2186, %dot_general3A_2232 : vector<96x128xf32>
    %slice3A_2234 = vector.extract_strided_slice %broadcast_in_dim3A_30 {offsets = [1920, 0], sizes = [128, 1], strides = [1, 1]} : vector<2048x1xi32> to vector<128x1xi32>
    %slice3A_2235 = vector.extract_strided_slice %div3A_39 {offsets = [1920, 0], sizes = [128, 1], strides = [1, 1]} : vector<2048x1xf32> to vector<128x1xf32>
    %eq3A_2236 = vector.broadcast %slice3A_2234 : vector<128x1xi32> to vector<128x64xi32>
    %eq3A_2237 = arith.cmpi eq, %eq3A_2236, %iota3A_40 : vector<128x64xi32>
    %convert_element_type3A_2238 = arith.extui %eq3A_2237 : vector<128x64xi1> to vector<128x64xi32>
    %convert_element_type3A_2239 = arith.sitofp %convert_element_type3A_2238 : vector<128x64xi32> to vector<128x64xf32>
    %mul3A_2240 = vector.broadcast %mul3A_730 : vector<1x64xf32> to vector<128x64xf32>
    %mul3A_2241 = arith.mulf %mul3A_2240, %convert_element_type3A_2239 : vector<128x64xf32>
    %reduce_sum3A_2242 = arith.constant dense<0.000000e+00> : vector<128xf32>
    %reduce_sum3A_2243 = vector.multi_reduction <add>, %mul3A_2241, %reduce_sum3A_2242 [1] : vector<128x64xf32> to vector<128xf32>
    %broadcast_in_dim3A_2244 = vector.shape_cast %reduce_sum3A_2243 : vector<128xf32> to vector<128x1xf32>
    %add3A_2245 = arith.addf %broadcast_in_dim3A_2244, %add3A_710 : vector<128x1xf32>
    %convert_element_type3A_2246 = arith.fptosi %add3A_2245 : vector<128x1xf32> to vector<128x1xi32>
    %swap3A_2247 = arith.constant 1920 : index
    %swap3A_2248 = arith.constant 0 : index
    %swap3A_2249 = vector.load %arg8[%swap3A_2247, %swap3A_2248] : memref<2048x1xi32, #tpu.memory_space<vmem>>, vector<128x1xi32>
    tpu.vector_store %arg8[%swap3A_2247, %swap3A_2248], %convert_element_type3A_2246 {strides = array<i32>} : memref<2048x1xi32, #tpu.memory_space<vmem>>, vector<128x1xi32>,
    %mul3A_2250 = arith.constant 7.812500e-03 : f32
    %mul3A_2251 = vector.broadcast %mul3A_2250 : f32 to vector<128x1xf32>
    %mul3A_2252 = arith.mulf %add3A_2245, %mul3A_2251 : vector<128x1xf32>
    %floor3A_2253 = math.floor %mul3A_2252 : vector<128x1xf32>
    %mul3A_2254 = arith.constant 1.280000e+02 : f32
    %mul3A_2255 = vector.broadcast %mul3A_2254 : f32 to vector<128x1xf32>
    %mul3A_2256 = arith.mulf %floor3A_2253, %mul3A_2255 : vector<128x1xf32>
    %sub3A_2257 = arith.subf %add3A_2245, %mul3A_2256 : vector<128x1xf32>
    %convert_element_type3A_2258 = arith.fptosi %floor3A_2253 : vector<128x1xf32> to vector<128x1xi32>
    %eq3A_2259 = vector.broadcast %convert_element_type3A_2258 : vector<128x1xi32> to vector<128x96xi32>
    %eq3A_2260 = arith.cmpi eq, %eq3A_2259, %iota3A_771 : vector<128x96xi32>
    %convert_element_type3A_2261 = arith.extui %eq3A_2260 : vector<128x96xi1> to vector<128x96xi32>
    %convert_element_type3A_2262 = arith.sitofp %convert_element_type3A_2261 : vector<128x96xi32> to vector<128x96xf32>
    %convert_element_type3A_2263 = arith.fptosi %sub3A_2257 : vector<128x1xf32> to vector<128x1xi32>
    %eq3A_2264 = vector.broadcast %convert_element_type3A_2263 : vector<128x1xi32> to vector<128x128xi32>
    %eq3A_2265 = arith.cmpi eq, %eq3A_2264, %iota3A_772 : vector<128x128xi32>
    %convert_element_type3A_2266 = arith.extui %eq3A_2265 : vector<128x128xi1> to vector<128x128xi32>
    %convert_element_type3A_2267 = arith.sitofp %convert_element_type3A_2266 : vector<128x128xi32> to vector<128x128xf32>
    %add3A_2268 = arith.constant 1.920000e+03 : f32
    %add3A_2269 = vector.broadcast %add3A_2268 : f32 to vector<128x1xf32>
    %add3A_2270 = arith.addf %add3A_2269, %convert_element_type3A_770 : vector<128x1xf32>
    %mul3A_2271 = vector.broadcast %add3A_2270 : vector<128x1xf32> to vector<128x96xf32>
    %mul3A_2272 = arith.mulf %convert_element_type3A_2262, %mul3A_2271 : vector<128x96xf32>
    %dot_general3A_2273 = arith.constant dense<0.000000e+00> : vector<96x128xf32>
    %dot_general3A_2274 = tpu.matmul %mul3A_2272, %convert_element_type3A_2267, %dot_general3A_2273 {dimension_numbers = #tpu.dot_dimension_numbers<[0], [0], [1], [1], [0, 1, 1, 1], [], []>, precision = #tpu.contract_precision<fp32>, transpose_lhs_hint = false} : vector<128x96xf32>, vector<128x128xf32>, vector<96x128xf32> -> vector<96x128xf32>
    %add3A_2275 = arith.addf %add3A_2228, %dot_general3A_2274 : vector<96x128xf32>
    %mul3A_2276 = vector.broadcast %slice3A_2235 : vector<128x1xf32> to vector<128x96xf32>
    %mul3A_2277 = arith.mulf %convert_element_type3A_2262, %mul3A_2276 : vector<128x96xf32>
    %dot_general3A_2278 = arith.constant dense<0.000000e+00> : vector<96x128xf32>
    %dot_general3A_2279 = tpu.matmul %mul3A_2277, %convert_element_type3A_2267, %dot_general3A_2278 {dimension_numbers = #tpu.dot_dimension_numbers<[0], [0], [1], [1], [0, 1, 1, 1], [], []>, precision = #tpu.contract_precision<fp32>, transpose_lhs_hint = false} : vector<128x96xf32>, vector<128x128xf32>, vector<96x128xf32> -> vector<96x128xf32>
    %add3A_2280 = arith.addf %add3A_2233, %dot_general3A_2279 : vector<96x128xf32>
    %convert_element_type3A_2281 = arith.fptosi %add3A_2275 : vector<96x128xf32> to vector<96x128xi32>
    %swap3A_2282 = arith.constant 0 : index
    %swap3A_2283 = arith.constant 0 : index
    %swap3A_2284 = vector.load %arg5[%swap3A_2282, %swap3A_2283] : memref<96x128xi32, #tpu.memory_space<vmem>>, vector<96x128xi32>
    tpu.vector_store %arg5[%swap3A_2282, %swap3A_2283], %convert_element_type3A_2281 {strides = array<i32>} : memref<96x128xi32, #tpu.memory_space<vmem>>, vector<96x128xi32>,
    %swap3A_2285 = arith.constant 0 : index
    %swap3A_2286 = arith.constant 0 : index
    %swap3A_2287 = vector.load %arg6[%swap3A_2285, %swap3A_2286] : memref<96x128xf32, #tpu.memory_space<vmem>>, vector<96x128xf32>
    tpu.vector_store %arg6[%swap3A_2285, %swap3A_2286], %add3A_2280 {strides = array<i32>} : memref<96x128xf32, #tpu.memory_space<vmem>>, vector<96x128xf32>,
    return
  }
}

module attributes {stable_mosaic.version = 14 : i64} {
  func.func @_ffn_body(%arg0: i32, %arg1: memref<96xi32, #tpu.memory_space<smem>>, %arg2: memref<1xi32, #tpu.memory_space<smem>>, %arg3: memref<2048x768xf32, #tpu.memory_space<vmem>>, %arg4: memref<128x1xi32, #tpu.memory_space<vmem>>, %arg5: memref<1x2048x768xf32, #tpu.memory_space<vmem>>, %arg6: memref<1x1x2048xf32, #tpu.memory_space<vmem>>, %arg7: memref<1x768x2048xf32, #tpu.memory_space<vmem>>, %arg8: memref<1x1x768xf32, #tpu.memory_space<vmem>>, %arg9: memref<1x1x768xf32, #tpu.memory_space<vmem>>, %arg10: memref<1x1x768xf32, #tpu.memory_space<vmem>>, %arg11: memref<128x1xf32, #tpu.memory_space<vmem>>, %arg12: memref<128x768xf32, #tpu.memory_space<vmem>>) attributes {dimension_semantics = [#tpu.dimension_semantics<arbitrary>], iteration_bounds = array<i64: 96>, scalar_prefetch = 2 : i64, scratch_operands = 0 : i64, tpu.core_type = #tpu.core_type<tc>, window_params = [{pipeline_mode = #tpu.pipeline_mode<synchronous>, transform_indices = @transform_0, window_bounds = array<i64: 2048, 768>}, {transform_indices = @transform_1, window_bounds = array<i64: 128, 1>}, {transform_indices = @transform_2, window_bounds = array<i64: 1, 2048, 768>}, {transform_indices = @transform_3, window_bounds = array<i64: 1, 1, 2048>}, {transform_indices = @transform_4, window_bounds = array<i64: 1, 768, 2048>}, {transform_indices = @transform_5, window_bounds = array<i64: 1, 1, 768>}, {transform_indices = @transform_6, window_bounds = array<i64: 1, 1, 768>}, {transform_indices = @transform_7, window_bounds = array<i64: 1, 1, 768>}, {transform_indices = @transform_8, window_bounds = array<i64: 128, 1>}, {transform_indices = @transform_9, window_bounds = array<i64: 128, 768>}]} {
    %get3A = arith.constant 0 : index
    %get3A_0 = memref.load %arg2[%get3A] : memref<1xi32, #tpu.memory_space<smem>>
    %lt3A = arith.cmpi slt, %arg0, %get3A_0 : i32
    %convert_element_type3A = arith.extui %lt3A : i1 to i32
    %cond3A = arith.constant 0 : i32
    %cond3A_1 = arith.cmpi ne, %convert_element_type3A, %cond3A : i32
    scf.if %cond3A_1 {
      %get3A_2 = arith.constant 0 : index
      %get3A_3 = arith.constant 0 : index
      %get3A_4 = vector.load %arg4[%get3A_2, %get3A_3] : memref<128x1xi32, #tpu.memory_space<vmem>>, vector<128x1xi32>
      %iota3A = tpu.iota {dimensions = array<i32: 1>} : vector<128x2048xi32>
      %eq3A = vector.broadcast %get3A_4 : vector<128x1xi32> to vector<128x2048xi32>
      %eq3A_5 = arith.cmpi eq, %iota3A, %eq3A : vector<128x2048xi32>
      %convert_element_type3A_6 = arith.extui %eq3A_5 : vector<128x2048xi1> to vector<128x2048xi32>
      %convert_element_type3A_7 = arith.sitofp %convert_element_type3A_6 : vector<128x2048xi32> to vector<128x2048xf32>
      %get3A_8 = arith.constant 0 : index
      %get3A_9 = arith.constant 0 : index
      %get3A_10 = vector.load %arg3[%get3A_8, %get3A_9] : memref<2048x768xf32, #tpu.memory_space<vmem>>, vector<2048x768xf32>
      %dot_general3A = arith.constant dense<0.000000e+00> : vector<128x768xf32>
      %dot_general3A_11 = tpu.matmul %convert_element_type3A_7, %get3A_10, %dot_general3A {dimension_numbers = #tpu.dot_dimension_numbers<[1], [0], [0], [1], [0, 0, 1, 1], [], []>, transpose_lhs_hint = false} : vector<128x2048xf32>, vector<2048x768xf32>, vector<128x768xf32> -> vector<128x768xf32>
      %get3A_12 = arith.constant 0 : index
      %get3A_13 = arith.constant 0 : index
      %get3A_14 = arith.constant 0 : index
      %get3A_15 = vector.load %arg5[%get3A_12, %get3A_13, %get3A_14] : memref<1x2048x768xf32, #tpu.memory_space<vmem>>, vector<1x2048x768xf32>
      %get3A_16 = vector.shape_cast %get3A_15 : vector<1x2048x768xf32> to vector<2048x768xf32>
      %dot_general3A_17 = arith.constant dense<0.000000e+00> : vector<128x2048xf32>
      %dot_general3A_18 = tpu.matmul %dot_general3A_11, %get3A_16, %dot_general3A_17 {dimension_numbers = #tpu.dot_dimension_numbers<[1], [1], [0], [0], [0, 0, 1, 0], [], []>, transpose_lhs_hint = false} : vector<128x768xf32>, vector<2048x768xf32>, vector<128x2048xf32> -> vector<128x2048xf32>
      %get3A_19 = arith.constant 0 : index
      %get3A_20 = arith.constant 0 : index
      %get3A_21 = arith.constant 0 : index
      %get3A_22 = vector.load %arg6[%get3A_19, %get3A_20, %get3A_21] : memref<1x1x2048xf32, #tpu.memory_space<vmem>>, vector<1x1x2048xf32>
      %get3A_23 = vector.shape_cast %get3A_22 : vector<1x1x2048xf32> to vector<1x2048xf32>
      %add3A = vector.broadcast %get3A_23 : vector<1x2048xf32> to vector<128x2048xf32>
      %add3A_24 = arith.addf %dot_general3A_18, %add3A : vector<128x2048xf32>
      %mul3A = arith.constant 5.000000e-01 : f32
      %mul3A_25 = vector.broadcast %mul3A : f32 to vector<128x2048xf32>
      %mul3A_26 = arith.mulf %mul3A_25, %add3A_24 : vector<128x2048xf32>
      %mul3A_27 = arith.constant 0.707106769 : f32
      %mul3A_28 = vector.broadcast %mul3A_27 : f32 to vector<128x2048xf32>
      %mul3A_29 = arith.mulf %add3A_24, %mul3A_28 : vector<128x2048xf32>
      %erf3A = math.erf %mul3A_29 : vector<128x2048xf32>
      %add3A_30 = arith.constant 1.000000e+00 : f32
      %add3A_31 = vector.broadcast %add3A_30 : f32 to vector<128x2048xf32>
      %add3A_32 = arith.addf %add3A_31, %erf3A : vector<128x2048xf32>
      %mul3A_33 = arith.mulf %mul3A_26, %add3A_32 : vector<128x2048xf32>
      %get3A_34 = arith.constant 0 : index
      %get3A_35 = arith.constant 0 : index
      %get3A_36 = arith.constant 0 : index
      %get3A_37 = vector.load %arg7[%get3A_34, %get3A_35, %get3A_36] : memref<1x768x2048xf32, #tpu.memory_space<vmem>>, vector<1x768x2048xf32>
      %get3A_38 = vector.shape_cast %get3A_37 : vector<1x768x2048xf32> to vector<768x2048xf32>
      %dot_general3A_39 = arith.constant dense<0.000000e+00> : vector<128x768xf32>
      %dot_general3A_40 = tpu.matmul %mul3A_33, %get3A_38, %dot_general3A_39 {dimension_numbers = #tpu.dot_dimension_numbers<[1], [1], [0], [0], [0, 0, 1, 0], [], []>, transpose_lhs_hint = false} : vector<128x2048xf32>, vector<768x2048xf32>, vector<128x768xf32> -> vector<128x768xf32>
      %get3A_41 = arith.constant 0 : index
      %get3A_42 = arith.constant 0 : index
      %get3A_43 = arith.constant 0 : index
      %get3A_44 = vector.load %arg8[%get3A_41, %get3A_42, %get3A_43] : memref<1x1x768xf32, #tpu.memory_space<vmem>>, vector<1x1x768xf32>
      %get3A_45 = vector.shape_cast %get3A_44 : vector<1x1x768xf32> to vector<1x768xf32>
      %add3A_46 = vector.broadcast %get3A_45 : vector<1x768xf32> to vector<128x768xf32>
      %add3A_47 = arith.addf %dot_general3A_40, %add3A_46 : vector<128x768xf32>
      %reduce_sum3A = arith.constant dense<0.000000e+00> : vector<128xf32>
      %reduce_sum3A_48 = vector.multi_reduction <add>, %add3A_47, %reduce_sum3A [1] : vector<128x768xf32> to vector<128xf32>
      %broadcast_in_dim3A = vector.shape_cast %reduce_sum3A_48 : vector<128xf32> to vector<128x1xf32>
      %div3A = arith.constant 7.680000e+02 : f32
      %div3A_49 = vector.broadcast %div3A : f32 to vector<128x1xf32>
      %div3A_50 = arith.divf %broadcast_in_dim3A, %div3A_49 : vector<128x1xf32>
      %sub3A = vector.broadcast %div3A_50 : vector<128x1xf32> to vector<128x768xf32>
      %sub3A_51 = arith.subf %add3A_47, %sub3A : vector<128x768xf32>
      %mul3A_52 = arith.mulf %sub3A_51, %sub3A_51 : vector<128x768xf32>
      %reduce_sum3A_53 = arith.constant dense<0.000000e+00> : vector<128xf32>
      %reduce_sum3A_54 = vector.multi_reduction <add>, %mul3A_52, %reduce_sum3A_53 [1] : vector<128x768xf32> to vector<128xf32>
      %broadcast_in_dim3A_55 = vector.shape_cast %reduce_sum3A_54 : vector<128xf32> to vector<128x1xf32>
      %div3A_56 = arith.constant 7.680000e+02 : f32
      %div3A_57 = vector.broadcast %div3A_56 : f32 to vector<128x1xf32>
      %div3A_58 = arith.divf %broadcast_in_dim3A_55, %div3A_57 : vector<128x1xf32>
      %add3A_59 = arith.constant 9.99999974E-6 : f32
      %add3A_60 = vector.broadcast %add3A_59 : f32 to vector<128x1xf32>
      %add3A_61 = arith.addf %div3A_58, %add3A_60 : vector<128x1xf32>
      %rsqrt3A = math.rsqrt %add3A_61 : vector<128x1xf32>
      %mul3A_62 = vector.broadcast %rsqrt3A : vector<128x1xf32> to vector<128x768xf32>
      %mul3A_63 = arith.mulf %sub3A_51, %mul3A_62 : vector<128x768xf32>
      %get3A_64 = arith.constant 0 : index
      %get3A_65 = arith.constant 0 : index
      %get3A_66 = vector.load %arg11[%get3A_64, %get3A_65] : memref<128x1xf32, #tpu.memory_space<vmem>>, vector<128x1xf32>
      %get3A_67 = arith.constant 0 : index
      %get3A_68 = arith.constant 0 : index
      %get3A_69 = arith.constant 0 : index
      %get3A_70 = vector.load %arg9[%get3A_67, %get3A_68, %get3A_69] : memref<1x1x768xf32, #tpu.memory_space<vmem>>, vector<1x1x768xf32>
      %get3A_71 = vector.shape_cast %get3A_70 : vector<1x1x768xf32> to vector<1x768xf32>
      %mul3A_72 = vector.broadcast %get3A_71 : vector<1x768xf32> to vector<128x768xf32>
      %mul3A_73 = arith.mulf %mul3A_63, %mul3A_72 : vector<128x768xf32>
      %get3A_74 = arith.constant 0 : index
      %get3A_75 = arith.constant 0 : index
      %get3A_76 = arith.constant 0 : index
      %get3A_77 = vector.load %arg10[%get3A_74, %get3A_75, %get3A_76] : memref<1x1x768xf32, #tpu.memory_space<vmem>>, vector<1x1x768xf32>
      %get3A_78 = vector.shape_cast %get3A_77 : vector<1x1x768xf32> to vector<1x768xf32>
      %add3A_79 = vector.broadcast %get3A_78 : vector<1x768xf32> to vector<128x768xf32>
      %add3A_80 = arith.addf %mul3A_73, %add3A_79 : vector<128x768xf32>
      %mul3A_81 = vector.broadcast %get3A_66 : vector<128x1xf32> to vector<128x768xf32>
      %mul3A_82 = arith.mulf %mul3A_81, %add3A_80 : vector<128x768xf32>
      %swap3A = arith.constant 0 : index
      %swap3A_83 = arith.constant 0 : index
      %swap3A_84 = vector.load %arg12[%swap3A, %swap3A_83] : memref<128x768xf32, #tpu.memory_space<vmem>>, vector<128x768xf32>
      tpu.vector_store %arg12[%swap3A, %swap3A_83], %mul3A_82 {strides = array<i32>} : memref<128x768xf32, #tpu.memory_space<vmem>>, vector<128x768xf32>,
    } else {
    }
    return
  }
  func.func @transform_0(%arg0: i32, %arg1: memref<96xi32, #tpu.memory_space<smem>>, %arg2: memref<1xi32, #tpu.memory_space<smem>>) -> (i32, i32) {
    %c0_i32 = arith.constant 0 : i32
    %c0_i32_0 = arith.constant 0 : i32
    %c0_i32_1 = arith.constant 0 : i32
    return %c0_i32, %c0_i32_0 : i32, i32
  }
  func.func @transform_1(%arg0: i32, %arg1: memref<96xi32, #tpu.memory_space<smem>>, %arg2: memref<1xi32, #tpu.memory_space<smem>>) -> (i32, i32) {
    %c0_i32 = arith.constant 0 : i32
    %c0_i32_0 = arith.constant 0 : i32
    return %arg0, %c0_i32 : i32, i32
  }
  func.func @transform_2(%arg0: i32, %arg1: memref<96xi32, #tpu.memory_space<smem>>, %arg2: memref<1xi32, #tpu.memory_space<smem>>) -> (i32, i32, i32) {
    %get3A = arith.index_cast %arg0 : i32 to index
    %get3A_0 = memref.load %arg1[%get3A] : memref<96xi32, #tpu.memory_space<smem>>
    %c0_i32 = arith.constant 0 : i32
    %c0_i32_1 = arith.constant 0 : i32
    %c0_i32_2 = arith.constant 0 : i32
    return %get3A_0, %c0_i32, %c0_i32_1 : i32, i32, i32
  }
  func.func @transform_3(%arg0: i32, %arg1: memref<96xi32, #tpu.memory_space<smem>>, %arg2: memref<1xi32, #tpu.memory_space<smem>>) -> (i32, i32, i32) {
    %get3A = arith.index_cast %arg0 : i32 to index
    %get3A_0 = memref.load %arg1[%get3A] : memref<96xi32, #tpu.memory_space<smem>>
    %c0_i32 = arith.constant 0 : i32
    %c0_i32_1 = arith.constant 0 : i32
    %c0_i32_2 = arith.constant 0 : i32
    return %get3A_0, %c0_i32, %c0_i32_1 : i32, i32, i32
  }
  func.func @transform_4(%arg0: i32, %arg1: memref<96xi32, #tpu.memory_space<smem>>, %arg2: memref<1xi32, #tpu.memory_space<smem>>) -> (i32, i32, i32) {
    %get3A = arith.index_cast %arg0 : i32 to index
    %get3A_0 = memref.load %arg1[%get3A] : memref<96xi32, #tpu.memory_space<smem>>
    %c0_i32 = arith.constant 0 : i32
    %c0_i32_1 = arith.constant 0 : i32
    %c0_i32_2 = arith.constant 0 : i32
    return %get3A_0, %c0_i32, %c0_i32_1 : i32, i32, i32
  }
  func.func @transform_5(%arg0: i32, %arg1: memref<96xi32, #tpu.memory_space<smem>>, %arg2: memref<1xi32, #tpu.memory_space<smem>>) -> (i32, i32, i32) {
    %get3A = arith.index_cast %arg0 : i32 to index
    %get3A_0 = memref.load %arg1[%get3A] : memref<96xi32, #tpu.memory_space<smem>>
    %c0_i32 = arith.constant 0 : i32
    %c0_i32_1 = arith.constant 0 : i32
    %c0_i32_2 = arith.constant 0 : i32
    return %get3A_0, %c0_i32, %c0_i32_1 : i32, i32, i32
  }
  func.func @transform_6(%arg0: i32, %arg1: memref<96xi32, #tpu.memory_space<smem>>, %arg2: memref<1xi32, #tpu.memory_space<smem>>) -> (i32, i32, i32) {
    %get3A = arith.index_cast %arg0 : i32 to index
    %get3A_0 = memref.load %arg1[%get3A] : memref<96xi32, #tpu.memory_space<smem>>
    %c0_i32 = arith.constant 0 : i32
    %c0_i32_1 = arith.constant 0 : i32
    %c0_i32_2 = arith.constant 0 : i32
    return %get3A_0, %c0_i32, %c0_i32_1 : i32, i32, i32
  }
  func.func @transform_7(%arg0: i32, %arg1: memref<96xi32, #tpu.memory_space<smem>>, %arg2: memref<1xi32, #tpu.memory_space<smem>>) -> (i32, i32, i32) {
    %get3A = arith.index_cast %arg0 : i32 to index
    %get3A_0 = memref.load %arg1[%get3A] : memref<96xi32, #tpu.memory_space<smem>>
    %c0_i32 = arith.constant 0 : i32
    %c0_i32_1 = arith.constant 0 : i32
    %c0_i32_2 = arith.constant 0 : i32
    return %get3A_0, %c0_i32, %c0_i32_1 : i32, i32, i32
  }
  func.func @transform_8(%arg0: i32, %arg1: memref<96xi32, #tpu.memory_space<smem>>, %arg2: memref<1xi32, #tpu.memory_space<smem>>) -> (i32, i32) {
    %c0_i32 = arith.constant 0 : i32
    %c0_i32_0 = arith.constant 0 : i32
    return %arg0, %c0_i32 : i32, i32
  }
  func.func @transform_9(%arg0: i32, %arg1: memref<96xi32, #tpu.memory_space<smem>>, %arg2: memref<1xi32, #tpu.memory_space<smem>>) -> (i32, i32) {
    %get3A = arith.constant 0 : index
    %get3A_0 = memref.load %arg2[%get3A] : memref<1xi32, #tpu.memory_space<smem>>
    %sub3A = arith.constant 1 : i32
    %sub3A_1 = arith.subi %get3A_0, %sub3A : i32
    %min3A = arith.minsi %arg0, %sub3A_1 : i32
    %c0_i32 = arith.constant 0 : i32
    %c0_i32_2 = arith.constant 0 : i32
    return %min3A, %c0_i32 : i32, i32
  }
}

</mosaic_0001>

<sc_bundles>
// kernel: kernel.5.cloned.1.call-start
scs
__scs_entry_jumppad:
0x0: {  	(pc) =	sbr.rel $0x88, $3  }
0x1: {  	(tag) =	ssettag $0x0;
	lr =	simm.s32 $0x1  }
0x2: {  	[smem:$0x3F98] =	sst lr;
	_ =	strace $0xD0000000  }
0x3: {  	_ = 	snop  }
0x4: {  	_ = 	snop  }
0x5: {  	_ = 	snop  }
0x6: {  	_ = 	snop  }
0x7: {  	_ = 	snop  }
__scs_overlays_trampoline_lowered:
0x8: {  	[smem:$0x3FA7] =	sst s0  }
0x9: {  	[smem:$0x3FA8] =	sst s1  }
0xa: {  	[smem:$0x3FA9] =	sst s2  }
0xb: {  	[smem:$0x3FAA] =	sst s3  }
0xc: {  	[smem:$0x3FAB] =	sst s4  }
0xd: {  	[smem:$0x3FAC] =	sst s5  }
0xe: {  	[smem:$0x3FAD] =	sst s6  }
0xf: {  	[smem:$0x3FAE] =	sst s7  }
0x10: {  	[smem:$0x3FAF] =	sst s8  }
0x11: {  	[smem:$0x3FB0] =	sst s9;
	s0 =	simm.s32 @!p0 $0x0  }
0x12: {  	s1 =	sld [smem:$0x3F96];
	s0 =	simm.s32 @p0 $0x1  }
0x13: {  	[smem:$0x3FB1] =	sst s0;
	s0 =	simm.s32 @!p1 $0x0  }
0x14: {  	s2 =	sld [smem:$0x3F95];
	s0 =	simm.s32 @p1 $0x1  }
0x15: {  	[smem:$0x3FB2] =	sst s0;
	s0 =	simm.s32 @!p2 $0x0  }
0x16: {  	s3 =	sld [smem:$0x3FDB];
	s0 =	simm.s32 @p2 $0x1  }
0x17: {  	s4 =	simm.s32 $0x1BF5;
	[smem:$0x3FB4] =	sst s0  }
0x18: {  	s0 =	sld [smem:$0x3F97];
	_ =	swait.ge [sflag:s4], $0x0  }
0x19: {  	s7 =	sld [smem:$0x3F98]  }
0x1a: {  	s8 =	sadd.s32 $0xFFFFE003, lr  }
0x1b: {  	s9 =	sadd.s32 $0xFFFFFEF7, lr;
	s5 =	simm.s32 $0xFFFFFFFF;
	p2 =	slt.u32 s8, $0xFFFFF086  }
0x1c: {  	p1 =	slt.u32 s9, $0xF7A;
	s5 =	simm.s32 @!p2 $0x0  }
0x1d: {  	s5 =	simm.s32 @p1 $0x1;
	p0 =	seq.s32 s7, s2  }
0x1e: {  	s7 =	smul.u32 @!p0 $0xF7A, s2;
	p2 =	seq.s32 @!p0 s5, $0x0  }
0x1f: {  	s9 =	smul.u32 $0xF7A, s1;
	s8 =	simm.s32 @!p0 $0x1BF5;
	p2 =	por !p2, p0  }
0x20: {  	[sflag:s8] =	ssyncset.s32 @!p0 $0xFFFFF086;
	s6 =	sadd.s32 @!p0 s3, s7;
	s7 =	simm.s32 @!p0 $0x108  }
0x21: {  	s3 =	sadd.s32 s3, s9;
	s6 =	sadd.s32 @!p0 $0x88, s6;
	s7 =	simm.s32 @p2 $0x1082  }
0x22: {  	[simem:s7], [sflag:s8] =	dma.local @!p0 [hbm:s6], $0xF7A  }
0x23: {  	s9 =	sor.u32 $0xD0000000, s2;
	s6 =	simm.s32 $0x108;
	_ =	swait.ge @!p0 [sflag:s8], $0x0  }
0x24: {  	s3 =	sadd.s32 $0x88, s3;
	s6 =	simm.s32 @!p1 $0x1082;
	[sflag:s4] =	ssyncset.s32 $0xFFFFF086  }
0x25: {  	[simem:s6], [sflag:s4] =	dma.local [hbm:s3], $0xF7A  }
0x26: {  	[smem:$0x3F98] =	sst s1;
	(tag) =	ssettag s2;
	_ =	strace s9  }
0x27: {  	s1 =	sld [smem:$0x3FA8]  }
0x28: {  	s2 =	sld [smem:$0x3FA9]  }
0x29: {  	s4 =	sld [smem:$0x3FAB]  }
0x2a: {  	p0 =	seq.s32 s5, $0x0;
	s5 =	sld [smem:$0x3FAC]  }
0x2b: {  	s6 =	sld [smem:$0x3FAD]  }
0x2c: {  	s7 =	sld [smem:$0x3FAE]  }
0x2d: {  	s3 =	simm.s32 $0x108;
	s8 =	sld [smem:$0x3FAF]  }
0x2e: {  	s3 =	simm.s32 @!p0 $0x1082;
	s9 =	sld [smem:$0x3FB0]  }
0x2f: {  	lr =	sadd.s32 s0, s3;
	s0 =	sld [smem:$0x3FA7]  }
0x30: {  	s3 =	sld [smem:$0x3FAA]  }
0x31: {  	[smem:$0x3FB3] =	sst s10  }
0x32: {  	s10 =	sld [smem:$0x3FB1];
	_ =	sdelay $0x3  }
0x33: {  	p0 =	seq.s32 s10, $0x1;
	s10 =	sld [smem:$0x3FB3];
	_ =	sdelay $0x3  }
0x34: {  	[smem:$0x3FB3] =	sst s10  }
0x35: {  	s10 =	sld [smem:$0x3FB2];
	_ =	sdelay $0x3  }
0x36: {  	p1 =	seq.s32 s10, $0x1;
	s10 =	sld [smem:$0x3FB3];
	_ =	sdelay $0x3  }
0x37: {  	[smem:$0x3FB3] =	sst s10  }
0x38: {  	s10 =	sld [smem:$0x3FB4]  }
0x39: {  	_ = 	snop;
	(pc) =	sbr.ind lr, $3  }
0x3a: {  	_ = 	snop  }
0x3b: {  	_ = 	snop  }
0x3c: {  	p2 =	seq.s32 s10, $0x1;
	s10 =	sld [smem:$0x3FB3]  }
0x3d: {  	_ =	shalt  }
0x3e: {  	_ =	shalt  }
0x3f: {  	_ =	shalt  }
0x40: {  	_ =	shalt  }
0x41: {  	_ =	shalt  }
0x42: {  	_ =	shalt  }
0x43: {  	_ =	shalt  }
0x44: {  	_ =	shalt  }
0x45: {  	_ =	shalt  }
0x46: {  	_ =	shalt  }
0x47: {  	_ =	shalt  }
0x48: {  	_ =	shalt  }
0x49: {  	_ =	shalt  }
0x4a: {  	_ =	shalt  }
0x4b: {  	_ =	shalt  }
0x4c: {  	_ =	shalt  }
0x4d: {  	_ =	shalt  }
0x4e: {  	_ =	shalt  }
0x4f: {  	_ =	shalt  }
0x50: {  	_ =	shalt  }
0x51: {  	_ =	shalt  }
0x52: {  	_ =	shalt  }
0x53: {  	_ =	shalt  }
0x54: {  	_ =	shalt  }
0x55: {  	_ =	shalt  }
0x56: {  	_ =	shalt  }
0x57: {  	_ =	shalt  }
0x58: {  	_ =	shalt  }
0x59: {  	_ =	shalt  }
0x5a: {  	_ =	shalt  }
0x5b: {  	_ =	shalt  }
0x5c: {  	_ =	shalt  }
0x5d: {  	_ =	shalt  }
0x5e: {  	_ =	shalt  }
0x5f: {  	_ =	shalt  }
0x60: {  	_ =	shalt  }
0x61: {  	_ =	shalt  }
0x62: {  	_ =	shalt  }
0x63: {  	_ =	shalt  }
0x64: {  	_ =	shalt  }
0x65: {  	_ =	shalt  }
0x66: {  	_ =	shalt  }
0x67: {  	_ =	shalt  }
0x68: {  	_ =	shalt  }
0x69: {  	_ =	shalt  }
0x6a: {  	_ =	shalt  }
0x6b: {  	_ =	shalt  }
0x6c: {  	_ =	shalt  }
0x6d: {  	_ =	shalt  }
0x6e: {  	_ =	shalt  }
0x6f: {  	_ =	shalt  }
0x70: {  	_ =	shalt  }
0x71: {  	_ =	shalt  }
0x72: {  	_ =	shalt  }
0x73: {  	_ =	shalt  }
0x74: {  	_ =	shalt  }
0x75: {  	_ =	shalt  }
0x76: {  	_ =	shalt  }
0x77: {  	_ =	shalt  }
0x78: {  	_ =	shalt  }
0x79: {  	_ =	shalt  }
0x7a: {  	_ =	shalt  }
0x7b: {  	_ =	shalt  }
0x7c: {  	_ =	shalt  }
0x7d: {  	_ =	shalt  }
0x7e: {  	_ =	shalt  }
0x7f: {  	_ =	shalt  }
0x80: {  	_ =	shalt  }
0x81: {  	_ =	shalt  }
0x82: {  	_ =	shalt  }
0x83: {  	_ =	shalt  }
0x84: {  	_ =	shalt  }
0x85: {  	_ =	shalt  }
0x86: {  	_ =	shalt  }
0x87: {  	_ =	shalt  }
.Lfunc_end0:
.L_simem_size_0:
called_computation_lowered:
.L_overlay_start_0:
0x88: {  	s2 =	sld [smem:$0x3FD9]  }
0x89: {  	s3 =	sld [smem:$0x3FFE];
	_ =	sdelay $0x1  }
0x8a: {  	s1 =	srdreg.scid  }
0x8b: {  	s0 =	sand.u32 $0x1, s1  }
0x8c: {  	s17 =	sshll.u32 s0, $0xA;
	s2 =	sadd.s32 s3, s2  }
0x8d: {  	s2 =	sadd.s32 s2, s17  }
0x8e: {  	[smem:$0x3FBF] =	sst s2  }
0x8f: {  	_ = 	snop  }
0x90: {  	s2 =	sld [smem:$0x3FD0];
	(tm) =	ssettm $0x1  }
0x91: {  	s18 =	sld [smem:$0x3FFB];
	_ =	sdelay $0x3  }
0x92: {  	_ =	strace s18  }
0x93: {  	s3 =	sld [smem:$0x3FFC];
	_ =	sdelay $0x3  }
0x94: {  	_ =	strace s3  }
0x95: {  	s3 =	sld [smem:$0x3FFD];
	_ =	sdelay $0x3  }
0x96: {  	_ =	strace s3  }
0x97: {  	_ =	strace $0x8FFFFFFF  }
0x98: {  	s19 =	sld [smem:$0x3FDB];
	_ =	sdelay $0x1  }
0x99: {  	s4 =	simm.s32 $_scs_section_size  }
0x9a: {  	s5 =	simm.s32 $_size__tile_overlayer_lowered;
	s6 =	simm.s32 $_tile_overlayer_lowered  }
0x9b: {  	s22 =	simm.s32 $0x1BFF;
	s21 =	sshll.u32 s6, $0x1;
	s3 =	sadd.s32 s4, s19  }
0x9c: {  	s7 =	simm.s32 $0x0;
	s20 =	sshll.u32 s5, $0x1;
	s5 =	sadd.s32 s21, s3  }
0x9d: {  	[timem:s7], [sflag:s22] =	dma.local [hbm:s5], s20  }
0x9e: {  	_ =	swait.ge [sflag:s22], s20  }
0x9f: {  	s4 =	ssub.s32 $0x0, s20;
	[sflag:s22] =	ssyncset.done $0x0  }
0xa0: {  	[sflag:s22] =	ssyncadd.s32 s4;
	_ =	sdelay $0x1  }
0xa1: {  	s23 =	simm.s32 $0x1B8B  }
0xa2: {  	_ =	swait.ge [sflag:s23], $0x1  }
0xa3: {  	[sflag:s23] =	ssyncset.done $0x0  }
0xa4: {  	s25 =	simm.s32 $0x1B8E;
	s24 =	sld [smem:$0x3FFE];
	[sflag:s23] =	ssyncadd.s32 $0xFFFFFFFF  }
0xa5: {  	s26 =	simm.s32 $execute0_lowered;
	[smem:$0x3FD2] =	sst s25  }
0xa6: {  	s5 =	sshll.u32 s26, $0x1;
	_ =	strace $0x80000046;
	[dreg:$0x1] =	wrdreg $0xFFFFFFFF  }
0xa7: {  	s28 =	simm.s32 $_size_execute0_lowered;
	s3 =	sadd.s32 s3, s5;
	[dreg:$0x0] =	wrdreg $0x0  }
0xa8: {  	s5 =	sshll.u32 s28, $0x1;
	[dreg:$0x2] =	wrdreg s3  }
0xa9: {  	[dreg:$0x3] =	wrdreg s5  }
0xaa: {  	[dreg:$0x4] =	wrdreg $0xC0  }
0xab: {  	_ =	task [dreg:s7], $0x5FFFF  }
0xac: {  	[dreg:$0x1] =	wrdreg $0xFFFFFFFF  }
0xad: {  	[dreg:$0x0] =	wrdreg $0x60  }
0xae: {  	[dreg:$0x2] =	wrdreg s24  }
0xaf: {  	[dreg:$0x3] =	wrdreg s2  }
0xb0: {  	[dreg:$0x4] =	wrdreg $0x9  }
0xb1: {  	_ =	task.clear_ibuf [dreg:s7], $0x5FFFF;
	_ =	strace $0x90000046  }
0xb2: {  	s29 =	simm.s32 $0x9;
	_ =	strace $0x80000048  }
0xb3: {  	_ =	swait.ge [sflag:s29], $0x1  }
0xb4: {  	[sflag:s29] =	ssyncadd.s32 $0xFFFFFFFF  }
0xb5: {  	_ =	strace $0x90000048  }
0xb6: {  	_ =	sfence  }
0xb7: {  	s30 =	sld [smem:$0x0];
	_ =	sdelay $0x2  }
0xb8: {  	s31 =	sshll.u32 s1, $0xD;
	s1 =	sshrl.u32 s1, $0x2  }
0xb9: {  	s3 =	sand.u32 $0x4000, s31;
	s1 =	sadd.s32 s1, s30  }
0xba: {  	s0 =	sor.u32 s3, s0;
	s1 =	sshll.u32 s1, $0x11  }
0xbb: {  	s0 =	sor.u32 s1, s0  }
0xbc: {  	s0 =	sadd.s32 $0x8F2B, s0  }
0xbd: {  	[sflag:s0] =	ssyncadd.remote.s32 $0x1  }
0xbe: {  	_ =	sfence.sel $0xFFFF  }
0xbf: {  	[dreg:$0x0] =	wrdreg $0xFFFFFFFF;
	(pc) =	sbr.abs _section_cstart, $3  }
0xc0: {  	[dreg:$0x1] =	wrdreg $0xFFFFFFFF  }
0xc1: {  	_ =	task.clear_ibuf [dreg:s7], $0x2FFFF;
	_ =	strace $0x9FFFFFFF  }
0xc2: {  	(tm) =	ssettm $0x7FFFFFFF  }
0xc3: {  	_ =	shalt  }
tec
execute0_lowered:
.L_overlay_start_1:
0x0: {  	(tag) =	ssettag $0x1  }
0x1: {  	s0 =	rddreg [dreg:$0x0]  }
0x2: {  	s1 =	rddreg [dreg:$0x1];
	s2 =	simm.s32 $0x0  }
0x3: {  	s3 =	srdreg.scid;
	s5 =	stileid.u32;
	s10 =	simm.s32 $0x3  }
0x4: {  	s12 =	simm.s32 $0x100;
	s29 =	simm.s32 $0x12900;
	s30 =	simm.s32 $0x13100  }
0x5: {  	s31 =	simm.s32 $0x13900;
	s11 =	simm.s32 $0x15100;
	s13 =	simm.s32 $0x15900  }
0x6: {  	s14 =	simm.s32 $0x16100;
	s15 =	simm.s32 $0x16900;
	s16 =	simm.s32 $0x17100  }
0x7: {  	s17 =	simm.s32 $0x17900;
	s18 =	simm.s32 $0x1;
	s19 =	simm.s32 $0x2  }
0x8: {  	s20 =	simm.s32 $0x0;
	[smem:$0x7FF] =	sst s2;
	s4 =	sand.u32 $0x1, s3  }
0x9: {  	s5 =	sshll.u32 s5, $0x4;
	s3 =	sadd.s32 $0x600, s0;
	s6 =	sshll.u32 s4, $0x3  }
0xa: {  	_ =	strace $0x80000047;
	s4 =	ssub.s32 $0x2, s4;
	s5 =	sor.u32 s6, s5  }
0xb: {  	s7 =	sshrl.u32 s4, $0x1;
	s6 =	sadd.s32 s5, s0;
	s8 =	smul.u32 $0x300, s5  }
0xc: {  	v2 =	vlaneseq.u32;
	s9 =	ssub.s32 s4, s7;
	s7 =	sadd.s32 $0x800, s0;
	s4 =	sadd.s32 $0x200, s6  }
0xd: {  	vm0 =	vmmov $0xffff;
	v1 =	vshrl.u32 v2, $0x3;
	s5 =	sadd.s32 $0x400, s6;
	s6 =	sadd.s32 $0x700, s0;
	s9 =	smax.u32 s9, $0x1  }
0xe: {  	v0 =	vand.u32 $0x7, v2;
	v2 =	vor.u32 $0x8, v2;
	v1 =	vmul.u32 $0x8, v1;
	s0 =	simm.s32 $0x14100;
	s8 =	sadd.s32 s1, s8;
	s1 =	simm.s32 $0x14900  }
.LBB2_1:
0xf: {  	[tilespmem:s2], [sflag:$0x3] =	stream.linear.gather [hbm4b:s4+s2], $0x40, $0x38;
	[tilespmem:$0x18100] =	vst v63  }
0x10: {  	_ =	swait.ge [sflag:s10], $0x40  }
0x11: {  	[sflag:s10] =	ssyncset.done $0x0  }
0x12: {  	s21 =	simm.s32 $0x80;
	[sflag:s10] =	ssyncadd.s32 $0xFFFFFFC0  }
0x13: {  	[tilespmem:s21], [sflag:$0x3] =	stream.linear.gather [hbm4b:s5+s2], $0x40, $0x38;
	[tilespmem:$0x18100] =	vst v63  }
0x14: {  	_ =	swait.ge [sflag:s10], $0x40  }
0x15: {  	[sflag:s10] =	ssyncset.done $0x0  }
0x16: {  	[sflag:s10] =	ssyncadd.s32 $0xFFFFFFC0  }
0x17: {  	v3 =	vld [tilespmem:$0x0];
	_ =	sdelay $0x4  }
0x18: {  	v4 =	vshrl.u32 v3, $0x3  }
0x19: {  	v4 =	vmul.u32 $0x30, v4  }
0x1a: {  	v3 =	vand.u32 $0x7, v3  }
0x1b: {  	v3 =	vor.u32 v3, v4  }
0x1c: {  	v4 =	vperm.xlane v3, v0;
	_ =	sdelay $0x1  }
0x1d: {  	v4 =	vadd.s32 v1, v4;
	_ =	sdelay $0x3  }
0x1e: {  	v3 =	vperm.xlane v3, v2  }
0x1f: {  	[tilespmem:s12], [sflag:$0x1] =	stream.indirect_vreg.gather [hbm4b:s3+s2], $0x80, v4, vm0, $0xb8;
	[tilespmem:$0x18100] =	vst v63  }
0x20: {  	s22 =	simm.s32 $0x900;
	v3 =	vadd.s32 v1, v3  }
0x21: {  	[tilespmem:s22], [sflag:$0x1] =	stream.indirect_vreg.gather [hbm4b:s6+s2], $0x80, v4, vm0, $0xb8;
	[tilespmem:$0x18100] =	vst v63  }
0x22: {  	s23 =	simm.s32 $0x1100  }
0x23: {  	[tilespmem:s23], [sflag:$0x1] =	stream.indirect_vreg.gather [hbm4b:s7+s2], $0x80, v4, vm0, $0xb8;
	[tilespmem:$0x18100] =	vst v63  }
0x24: {  	s24 =	simm.s32 $0x1900  }
0x25: {  	[tilespmem:s24], [sflag:$0x1] =	stream.indirect_vreg.gather [hbm4b:s3+s2], $0x80, v3, vm0, $0xb8;
	[tilespmem:$0x18100] =	vst v63  }
0x26: {  	s25 =	simm.s32 $0x2100  }
0x27: {  	[tilespmem:s25], [sflag:$0x1] =	stream.indirect_vreg.gather [hbm4b:s6+s2], $0x80, v3, vm0, $0xb8;
	[tilespmem:$0x18100] =	vst v63  }
0x28: {  	s26 =	simm.s32 $0x2900  }
0x29: {  	[tilespmem:s26], [sflag:$0x1] =	stream.indirect_vreg.gather [hbm4b:s7+s2], $0x80, v3, vm0, $0xb8;
	[tilespmem:$0x18100] =	vst v63  }
0x2a: {  	v3 =	vld [tilespmem:$0x10];
	_ =	sdelay $0x4  }
0x2b: {  	v57 =	vshrl.u32 v3, $0x3  }
0x2c: {  	v4 =	vmul.u32 $0x30, v57  }
0x2d: {  	v3 =	vand.u32 $0x7, v3  }
0x2e: {  	v3 =	vor.u32 v3, v4  }
0x2f: {  	v4 =	vperm.xlane v3, v0;
	_ =	sdelay $0x1  }
0x30: {  	v4 =	vadd.s32 v1, v4;
	_ =	sdelay $0x3  }
0x31: {  	s28 =	simm.s32 $0x3100;
	v3 =	vperm.xlane v3, v2  }
0x32: {  	[tilespmem:s28], [sflag:$0x1] =	stream.indirect_vreg.gather [hbm4b:s3+s2], $0x80, v4, vm0, $0xb8;
	[tilespmem:$0x18100] =	vst v63  }
0x33: {  	s22 =	simm.s32 $0x3900;
	v3 =	vadd.s32 v1, v3  }
0x34: {  	[tilespmem:s22], [sflag:$0x1] =	stream.indirect_vreg.gather [hbm4b:s6+s2], $0x80, v4, vm0, $0xb8;
	[tilespmem:$0x18100] =	vst v63  }
0x35: {  	s23 =	simm.s32 $0x4100  }
0x36: {  	[tilespmem:s23], [sflag:$0x1] =	stream.indirect_vreg.gather [hbm4b:s7+s2], $0x80, v4, vm0, $0xb8;
	[tilespmem:$0x18100] =	vst v63  }
0x37: {  	s24 =	simm.s32 $0x4900  }
0x38: {  	[tilespmem:s24], [sflag:$0x1] =	stream.indirect_vreg.gather [hbm4b:s3+s2], $0x80, v3, vm0, $0xb8;
	[tilespmem:$0x18100] =	vst v63  }
0x39: {  	s25 =	simm.s32 $0x5100  }
0x3a: {  	[tilespmem:s25], [sflag:$0x1] =	stream.indirect_vreg.gather [hbm4b:s6+s2], $0x80, v3, vm0, $0xb8;
	[tilespmem:$0x18100] =	vst v63  }
0x3b: {  	s26 =	simm.s32 $0x5900  }
0x3c: {  	[tilespmem:s26], [sflag:$0x1] =	stream.indirect_vreg.gather [hbm4b:s7+s2], $0x80, v3, vm0, $0xb8;
	[tilespmem:$0x18100] =	vst v63  }
0x3d: {  	v3 =	vld [tilespmem:$0x20];
	_ =	sdelay $0x4  }
0x3e: {  	v58 =	vshrl.u32 v3, $0x3  }
0x3f: {  	v4 =	vmul.u32 $0x30, v58  }
0x40: {  	v3 =	vand.u32 $0x7, v3  }
0x41: {  	v3 =	vor.u32 v3, v4  }
0x42: {  	v4 =	vperm.xlane v3, v0;
	_ =	sdelay $0x1  }
0x43: {  	v4 =	vadd.s32 v1, v4;
	_ =	sdelay $0x3  }
0x44: {  	s28 =	simm.s32 $0x6100;
	v3 =	vperm.xlane v3, v2  }
0x45: {  	[tilespmem:s28], [sflag:$0x1] =	stream.indirect_vreg.gather [hbm4b:s3+s2], $0x80, v4, vm0, $0xb8;
	[tilespmem:$0x18100] =	vst v63  }
0x46: {  	s22 =	simm.s32 $0x6900;
	v3 =	vadd.s32 v1, v3  }
0x47: {  	[tilespmem:s22], [sflag:$0x1] =	stream.indirect_vreg.gather [hbm4b:s6+s2], $0x80, v4, vm0, $0xb8;
	[tilespmem:$0x18100] =	vst v63  }
0x48: {  	s23 =	simm.s32 $0x7100  }
0x49: {  	[tilespmem:s23], [sflag:$0x1] =	stream.indirect_vreg.gather [hbm4b:s7+s2], $0x80, v4, vm0, $0xb8;
	[tilespmem:$0x18100] =	vst v63  }
0x4a: {  	s24 =	simm.s32 $0x7900  }
0x4b: {  	[tilespmem:s24], [sflag:$0x1] =	stream.indirect_vreg.gather [hbm4b:s3+s2], $0x80, v3, vm0, $0xb8;
	[tilespmem:$0x18100] =	vst v63  }
0x4c: {  	s25 =	simm.s32 $0x8100  }
0x4d: {  	[tilespmem:s25], [sflag:$0x1] =	stream.indirect_vreg.gather [hbm4b:s6+s2], $0x80, v3, vm0, $0xb8;
	[tilespmem:$0x18100] =	vst v63  }
0x4e: {  	s26 =	simm.s32 $0x8900  }
0x4f: {  	[tilespmem:s26], [sflag:$0x1] =	stream.indirect_vreg.gather [hbm4b:s7+s2], $0x80, v3, vm0, $0xb8;
	[tilespmem:$0x18100] =	vst v63  }
0x50: {  	v3 =	vld [tilespmem:$0x30];
	_ =	sdelay $0x4  }
0x51: {  	v59 =	vshrl.u32 v3, $0x3  }
0x52: {  	v4 =	vmul.u32 $0x30, v59  }
0x53: {  	v3 =	vand.u32 $0x7, v3  }
0x54: {  	v3 =	vor.u32 v3, v4  }
0x55: {  	v4 =	vperm.xlane v3, v0;
	_ =	sdelay $0x1  }
0x56: {  	v4 =	vadd.s32 v1, v4;
	_ =	sdelay $0x3  }
0x57: {  	s28 =	simm.s32 $0x9100;
	v3 =	vperm.xlane v3, v2  }
0x58: {  	[tilespmem:s28], [sflag:$0x1] =	stream.indirect_vreg.gather [hbm4b:s3+s2], $0x80, v4, vm0, $0xb8;
	[tilespmem:$0x18100] =	vst v63  }
0x59: {  	s22 =	simm.s32 $0x9900;
	v3 =	vadd.s32 v1, v3  }
0x5a: {  	[tilespmem:s22], [sflag:$0x1] =	stream.indirect_vreg.gather [hbm4b:s6+s2], $0x80, v4, vm0, $0xb8;
	[tilespmem:$0x18100] =	vst v63  }
0x5b: {  	s23 =	simm.s32 $0xA100  }
0x5c: {  	[tilespmem:s23], [sflag:$0x1] =	stream.indirect_vreg.gather [hbm4b:s7+s2], $0x80, v4, vm0, $0xb8;
	[tilespmem:$0x18100] =	vst v63  }
0x5d: {  	s24 =	simm.s32 $0xA900  }
0x5e: {  	[tilespmem:s24], [sflag:$0x1] =	stream.indirect_vreg.gather [hbm4b:s3+s2], $0x80, v3, vm0, $0xb8;
	[tilespmem:$0x18100] =	vst v63  }
0x5f: {  	s25 =	simm.s32 $0xB100  }
0x60: {  	[tilespmem:s25], [sflag:$0x1] =	stream.indirect_vreg.gather [hbm4b:s6+s2], $0x80, v3, vm0, $0xb8;
	[tilespmem:$0x18100] =	vst v63  }
0x61: {  	s26 =	simm.s32 $0xB900  }
0x62: {  	[tilespmem:s26], [sflag:$0x1] =	stream.indirect_vreg.gather [hbm4b:s7+s2], $0x80, v3, vm0, $0xb8;
	[tilespmem:$0x18100] =	vst v63  }
0x63: {  	v3 =	vld [tilespmem:$0x80];
	_ =	sdelay $0x4  }
0x64: {  	v60 =	vshrl.u32 v3, $0x3  }
0x65: {  	v4 =	vmul.u32 $0x30, v60  }
0x66: {  	v3 =	vand.u32 $0x7, v3  }
0x67: {  	v3 =	vor.u32 v3, v4  }
0x68: {  	v4 =	vperm.xlane v3, v0;
	_ =	sdelay $0x1  }
0x69: {  	v4 =	vadd.s32 v1, v4;
	_ =	sdelay $0x3  }
0x6a: {  	s28 =	simm.s32 $0xC100;
	v3 =	vperm.xlane v3, v2  }
0x6b: {  	[tilespmem:s28], [sflag:$0x2] =	stream.indirect_vreg.gather [hbm4b:s3+s2], $0x80, v4, vm0, $0xb8;
	[tilespmem:$0x18100] =	vst v63  }
0x6c: {  	s22 =	simm.s32 $0xC900;
	v3 =	vadd.s32 v1, v3  }
0x6d: {  	[tilespmem:s22], [sflag:$0x2] =	stream.indirect_vreg.gather [hbm4b:s6+s2], $0x80, v4, vm0, $0xb8;
	[tilespmem:$0x18100] =	vst v63  }
0x6e: {  	s23 =	simm.s32 $0xD100  }
0x6f: {  	[tilespmem:s23], [sflag:$0x2] =	stream.indirect_vreg.gather [hbm4b:s7+s2], $0x80, v4, vm0, $0xb8;
	[tilespmem:$0x18100] =	vst v63  }
0x70: {  	s24 =	simm.s32 $0xD900  }
0x71: {  	[tilespmem:s24], [sflag:$0x2] =	stream.indirect_vreg.gather [hbm4b:s3+s2], $0x80, v3, vm0, $0xb8;
	[tilespmem:$0x18100] =	vst v63  }
0x72: {  	s25 =	simm.s32 $0xE100  }
0x73: {  	[tilespmem:s25], [sflag:$0x2] =	stream.indirect_vreg.gather [hbm4b:s6+s2], $0x80, v3, vm0, $0xb8;
	[tilespmem:$0x18100] =	vst v63  }
0x74: {  	s26 =	simm.s32 $0xE900  }
0x75: {  	[tilespmem:s26], [sflag:$0x2] =	stream.indirect_vreg.gather [hbm4b:s7+s2], $0x80, v3, vm0, $0xb8;
	[tilespmem:$0x18100] =	vst v63  }
0x76: {  	v3 =	vld [tilespmem:$0x90];
	_ =	sdelay $0x4  }
0x77: {  	v61 =	vshrl.u32 v3, $0x3  }
0x78: {  	v4 =	vmul.u32 $0x30, v61  }
0x79: {  	v3 =	vand.u32 $0x7, v3  }
0x7a: {  	v3 =	vor.u32 v3, v4  }
0x7b: {  	v4 =	vperm.xlane v3, v0;
	_ =	sdelay $0x1  }
0x7c: {  	v4 =	vadd.s32 v1, v4;
	_ =	sdelay $0x3  }
0x7d: {  	s28 =	simm.s32 $0xF100;
	v3 =	vperm.xlane v3, v2  }
0x7e: {  	[tilespmem:s28], [sflag:$0x2] =	stream.indirect_vreg.gather [hbm4b:s3+s2], $0x80, v4, vm0, $0xb8;
	[tilespmem:$0x18100] =	vst v63  }
0x7f: {  	s22 =	simm.s32 $0xF900;
	v3 =	vadd.s32 v1, v3  }
0x80: {  	[tilespmem:s22], [sflag:$0x2] =	stream.indirect_vreg.gather [hbm4b:s6+s2], $0x80, v4, vm0, $0xb8;
	[tilespmem:$0x18100] =	vst v63  }
0x81: {  	s23 =	simm.s32 $0x10100  }
0x82: {  	[tilespmem:s23], [sflag:$0x2] =	stream.indirect_vreg.gather [hbm4b:s7+s2], $0x80, v4, vm0, $0xb8;
	[tilespmem:$0x18100] =	vst v63  }
0x83: {  	s24 =	simm.s32 $0x10900  }
0x84: {  	[tilespmem:s24], [sflag:$0x2] =	stream.indirect_vreg.gather [hbm4b:s3+s2], $0x80, v3, vm0, $0xb8;
	[tilespmem:$0x18100] =	vst v63  }
0x85: {  	s25 =	simm.s32 $0x11100  }
0x86: {  	[tilespmem:s25], [sflag:$0x2] =	stream.indirect_vreg.gather [hbm4b:s6+s2], $0x80, v3, vm0, $0xb8;
	[tilespmem:$0x18100] =	vst v63  }
0x87: {  	s26 =	simm.s32 $0x11900  }
0x88: {  	[tilespmem:s26], [sflag:$0x2] =	stream.indirect_vreg.gather [hbm4b:s7+s2], $0x80, v3, vm0, $0xb8;
	[tilespmem:$0x18100] =	vst v63  }
0x89: {  	v3 =	vld [tilespmem:$0xA0];
	_ =	sdelay $0x4  }
0x8a: {  	v62 =	vshrl.u32 v3, $0x3  }
0x8b: {  	v4 =	vmul.u32 $0x30, v62  }
0x8c: {  	v3 =	vand.u32 $0x7, v3  }
0x8d: {  	v3 =	vor.u32 v3, v4  }
0x8e: {  	v4 =	vperm.xlane v3, v0;
	_ =	sdelay $0x1  }
0x8f: {  	v4 =	vadd.s32 v1, v4;
	_ =	sdelay $0x3  }
0x90: {  	s28 =	simm.s32 $0x12100;
	v3 =	vperm.xlane v3, v2  }
0x91: {  	[tilespmem:s28], [sflag:$0x2] =	stream.indirect_vreg.gather [hbm4b:s3+s2], $0x80, v4, vm0, $0xb8;
	[tilespmem:$0x18100] =	vst v63  }
0x92: {  	v3 =	vadd.s32 v1, v3  }
0x93: {  	[tilespmem:s29], [sflag:$0x2] =	stream.indirect_vreg.gather [hbm4b:s6+s2], $0x80, v4, vm0, $0xb8;
	[tilespmem:$0x18100] =	vst v63  }
0x94: {  	_ = 	snop  }
0x95: {  	[tilespmem:s30], [sflag:$0x2] =	stream.indirect_vreg.gather [hbm4b:s7+s2], $0x80, v4, vm0, $0xb8;
	[tilespmem:$0x18100] =	vst v63  }
0x96: {  	_ = 	snop  }
0x97: {  	[tilespmem:s31], [sflag:$0x2] =	stream.indirect_vreg.gather [hbm4b:s3+s2], $0x80, v3, vm0, $0xb8;
	[tilespmem:$0x18100] =	vst v63  }
0x98: {  	_ = 	snop  }
0x99: {  	[tilespmem:s0], [sflag:$0x2] =	stream.indirect_vreg.gather [hbm4b:s6+s2], $0x80, v3, vm0, $0xb8;
	[tilespmem:$0x18100] =	vst v63  }
0x9a: {  	_ = 	snop  }
0x9b: {  	[tilespmem:s1], [sflag:$0x2] =	stream.indirect_vreg.gather [hbm4b:s7+s2], $0x80, v3, vm0, $0xb8;
	[tilespmem:$0x18100] =	vst v63  }
0x9c: {  	v3 =	vld [tilespmem:$0xB0];
	_ =	sdelay $0x4  }
0x9d: {  	v63 =	vshrl.u32 v3, $0x3  }
0x9e: {  	v4 =	vmul.u32 $0x30, v63  }
0x9f: {  	v3 =	vand.u32 $0x7, v3  }
0xa0: {  	v3 =	vor.u32 v3, v4  }
0xa1: {  	v4 =	vperm.xlane v3, v0;
	_ =	sdelay $0x1  }
0xa2: {  	v4 =	vadd.s32 v1, v4;
	_ =	sdelay $0x3  }
0xa3: {  	v3 =	vperm.xlane v3, v2  }
0xa4: {  	[tilespmem:s11], [sflag:$0x2] =	stream.indirect_vreg.gather [hbm4b:s3+s2], $0x80, v4, vm0, $0xb8;
	[tilespmem:$0x18100] =	vst v63  }
0xa5: {  	v3 =	vadd.s32 v1, v3  }
0xa6: {  	[tilespmem:s13], [sflag:$0x2] =	stream.indirect_vreg.gather [hbm4b:s6+s2], $0x80, v4, vm0, $0xb8;
	[tilespmem:$0x18100] =	vst v63  }
0xa7: {  	_ = 	snop  }
0xa8: {  	[tilespmem:s14], [sflag:$0x2] =	stream.indirect_vreg.gather [hbm4b:s7+s2], $0x80, v4, vm0, $0xb8;
	[tilespmem:$0x18100] =	vst v63  }
0xa9: {  	_ = 	snop  }
0xaa: {  	[tilespmem:s15], [sflag:$0x2] =	stream.indirect_vreg.gather [hbm4b:s3+s2], $0x80, v3, vm0, $0xb8;
	[tilespmem:$0x18100] =	vst v63  }
0xab: {  	_ = 	snop  }
0xac: {  	[tilespmem:s16], [sflag:$0x2] =	stream.indirect_vreg.gather [hbm4b:s6+s2], $0x80, v3, vm0, $0xb8;
	[tilespmem:$0x18100] =	vst v63  }
0xad: {  	_ = 	snop  }
0xae: {  	[tilespmem:s17], [sflag:$0x2] =	stream.indirect_vreg.gather [hbm4b:s7+s2], $0x80, v3, vm0, $0xb8;
	[tilespmem:$0x18100] =	vst v63  }
0xaf: {  	_ =	swait.ge [sflag:s18], $0xC000  }
0xb0: {  	[sflag:s18] =	ssyncset.done $0x0  }
0xb1: {  	[sflag:s18] =	ssyncadd.s32 $0xFFFF4000  }
0xb2: {  	_ =	swait.ge [sflag:s19], $0xC000  }
0xb3: {  	[sflag:s19] =	ssyncset.done $0x0  }
0xb4: {  	s21 =	simm.s32 $0x0;
	[sflag:s19] =	ssyncadd.s32 $0xFFFF4000  }
.LBB2_2:
0xb5: {  	s22 =	sshrl.u32 s21, $0x3  }
0xb6: {  	s23 =	sshll.u32 s21, $0x7;
	s22 =	smul.u32 $0x1800, s22  }
0xb7: {  	s24 =	simm.s32 $0x0;
	s23 =	sand.u32 $0x380, s23  }
0xb8: {  	s26 =	sand.u32 $0x1C00, s24;
	s22 =	sor.u32 s23, s22  }
0xb9: {  	s24 =	sand.u32 $0x70, s24;
	s23 =	sadd.s32 s22, s26  }
0xba: {  	s23 =	sor.u32 s24, s23  }
0xbb: {  	v3 =	vld [tilespmem:s23+$0xC100]  }
0xbc: {  	v4 =	vld [tilespmem:s23+$0x100];
	_ =	sdelay $0x2  }
0xbd: {  	s24 =	simm.s32 $0x80  }
0xbe: {  	s25 =	simm.s32 $0x10;
	s28 =	sand.u32 $0x1C00, s24  }
0xbf: {  	s26 =	sand.u32 $0x70, s25;
	s25 =	simm.s32 $0x20;
	s28 =	sadd.s32 s22, s28;
	v3 =	vadd.f32 v3, v4  }
.LBB2_3:
0xc0: {  	p0 =	sne.s32 s25, $0x2F0;
	s26 =	sor.u32 s26, s28  }
0xc1: {  	v4 =	vld [tilespmem:s26+$0xC100];
	[tilespmem:s23+$0x100] =	vst v3;
	s23 =	smov.u32 s26  }
0xc2: {  	v3 =	vld [tilespmem:s23+$0x100]  }
.Ltmp0:
0xc3: {  	(pc) =	sbr.rel @p0 .LBB2_3-.Ltmp0, $4  }
0xc4: {  	_ = 	snop  }
0xc5: {  	s24 =	sadd.s32 $0x80, s24  }
0xc6: {  	s28 =	sand.u32 $0x1C00, s24  }
0xc7: {  	s26 =	sand.u32 $0x70, s25;
	s25 =	sadd.s32 $0x10, s25;
	s28 =	sadd.s32 s22, s28;
	v3 =	vadd.f32 v4, v3  }
0xc8: {  	s22 =	sor.u32 s26, s28  }
0xc9: {  	v4 =	vld [tilespmem:s22+$0xC100];
	[tilespmem:s23+$0x100] =	vst v3  }
0xca: {  	v3 =	vld [tilespmem:s22+$0x100]  }
0xcb: {  	s21 =	sadd.s32 $0x1, s21  }
0xcc: {  	p0 =	sne.s32 s21, $0x40  }
.Ltmp1:
0xcd: {  	_ = 	snop;
	(pc) =	sbr.rel @p0 .LBB2_2-.Ltmp1, $3  }
0xce: {  	_ = 	snop  }
0xcf: {  	v3 =	vadd.f32 v4, v3;
	_ =	sdelay $0x1  }
0xd0: {  	[tilespmem:s22+$0x100] =	vst v3  }
0xd1: {  	s20 =	sadd.s32 $0x1, s20  }
0xd2: {  	p0 =	sne.s32 s20, s9  }
.Ltmp2:
0xd3: {  	_ = 	snop;
	(pc) =	sbr.rel @p0 .LBB2_1-.Ltmp2, $4  }
0xd4: {  	[hbm4b:s8+s2] =	stream.linear.scatter [tilespmem:s12], [sflag:$0x3], $0xC000, $0x38;
	[tilespmem:$0x18100] =	vst v63  }
0xd5: {  	_ =	swait.ge [sflag:s10], $0xC000  }
0xd6: {  	[sflag:s10] =	ssyncset.done $0x0  }
0xd7: {  	[sflag:s10] =	ssyncadd.s32 $0xFFFF4000  }
0xd8: {  	_ =	sfence.sel $0x180000  }
0xd9: {  	[bflag:$0x0] =	sbarrier.arrive $0xFFFF  }
0xda: {  	_ =	strace $0x90000047  }
0xdb: {  	s0 =	stileid.u32;
	[bflag:$0x2] =	sbarrier.arrive $0xFFFF  }
0xdc: {  	p0 =	sne.s32 s0, $0x0;
	s0 =	rddreg [dreg:$0x2]  }
0xdd: {  	s0 =	sadd.s32 @!p0 $0x100000, s0  }
0xde: {  	[sflag:s0] =	ssyncadd.tile.s32 @!p0 $0x1;
	_ =	shalt  }
.Lfunc_end2:
_tile_overlayer_lowered:
.L_overlay_start_2:
0xdf: {  	(tag) =	ssettag $0x2  }
0xe0: {  	s0 =	rddreg [dreg:$0x0];
	s2 =	stileid.u32  }
0xe1: {  	s1 =	rddreg [dreg:$0x1];
	p0 =	sne.s32 s2, $0x0  }
0xe2: {  	s3 =	rddreg [dreg:$0x2];
	[bflag:$0x3] =	sbarrier.arrive $0xFFFF;
	s2 =	simm.s32 @!p0 $0x1C03  }
0xe3: {  	[timem:s3], [sflag:s2] =	dma.local @!p0 [hbm:s0], s1  }
0xe4: {  	s0 =	simm.s32 @!p0 $0x3  }
0xe5: {  	_ =	swait.ge @!p0 [sflag:s0], s1  }
0xe6: {  	s1 =	ssub.s32 @!p0 $0x0, s1;
	[sflag:s0] =	ssyncset.done @!p0 $0x0  }
0xe7: {  	[sflag:s0] =	ssyncadd.s32 @!p0 s1  }
0xe8: {  	[bflag:$0x3] =	sbarrier.arrive $0xFFFF  }
0xe9: {  	_ =	shalt  }

</sc_bundles>
